<compile_context>
chip_gen: v7x
topology: tpu7x:2x2x1
jax: 0.10.2.dev20260603
libtpu: 0.0.44.dev20260713+nightly
codegen_flags: <defaults>
</compile_context>

<pallas_src>
import functools

import jax
import jax.numpy as jnp
from jax import lax
from jax.experimental import pallas as pl
from jax.experimental.pallas import tpu as pltpu
from jax.experimental.pallas import tpu_sc as plsc

_D = 128
_K = 128
_NT = 32


def _make_agg(n, ch0, ch1, k):
    npad = -(-(n + 1) // 128) * 128
    zr = npad // 16
    chm = max(ch0, ch1)
    assert ch0 % 2 == 0 and ch1 % 2 == 0 and min(ch0, ch1) >= 4

    mesh = plsc.VectorSubcoreMesh(core_axis_name="c", subcore_axis_name="s")

    @functools.partial(
        pl.kernel,
        out_type=jax.ShapeDtypeStruct((2, npad, _D), jnp.float32),
        mesh=mesh,
        scratch_types=[
            pltpu.VMEM((chm, k), jnp.int32),
            pltpu.VMEM((chm, k), jnp.int32),
            pltpu.VMEM((2, k, _D), jnp.float32),
            pltpu.VMEM_SHARED((npad, _D), jnp.float32),
        ] + [pltpu.SemaphoreType.DMA] * 4,
        compiler_params=pltpu.CompilerParams(use_tc_tiling_on_sc=False),
    )
    def agg_kernel(h_hbm, src_hbm, dst_hbm, zros_hbm, out_hbm,
                   src_v, dst_v, rows_v, acc_sh, *sems):
        sem_g, sem_s = sems[:2], sems[2:]
        c = lax.axis_index("c")
        s = lax.axis_index("s")
        w = c * 16 + s
        ch = jnp.where(c == 0, ch0, ch1)
        pltpu.sync_copy(zros_hbm, acc_sh.at[pl.ds(s * zr, zr)])
        pltpu.sync_copy(src_hbm.at[w], src_v)
        pltpu.sync_copy(dst_hbm.at[w], dst_v)
        plsc.subcore_barrier()

        def start_g(b, j):
            pltpu.async_copy(h_hbm.at[src_v.at[j]], rows_v.at[b], sem_g[b])

        def wait_g(b):
            pltpu.make_async_copy(h_hbm.at[pl.ds(0, k)], rows_v.at[b],
                                  sem_g[b]).wait()

        def start_s(b, j):
            pltpu.async_copy(rows_v.at[b], acc_sh.at[dst_v.at[j]], sem_s[b],
                             add=True)

        def wait_s(b):
            pltpu.make_async_copy(h_hbm.at[pl.ds(0, k)], rows_v.at[b],
                                  sem_s[b]).wait()

        start_g(0, 0)
        wait_g(0)
        start_g(1, 1)
        start_s(0, 0)
        wait_g(1)
        wait_s(0)
        start_g(0, 2)
        start_s(1, 1)

        def round_body(r, carry):
            j0 = 2 * r
            wait_g(0)
            wait_s(1)
            start_g(1, j0 + 1)
            start_s(0, j0)
            wait_g(1)
            wait_s(0)
            start_g(0, jnp.minimum(j0 + 2, ch - 1))
            start_s(1, j0 + 1)
            return carry

        lax.fori_loop(1, ch // 2, round_body, 0)
        wait_g(0)
        wait_s(1)
        plsc.subcore_barrier()
        pltpu.sync_copy(acc_sh.at[pl.ds(s * zr, zr)],
                        out_hbm.at[c, pl.ds(s * zr, zr)])

    return agg_kernel


def _mlp_body(h_ref, p0_ref, p1_ref, w1_ref, b1_ref, w2_ref, b2_ref,
              u_ref, s_ref, ss_ref):
    i = pl.program_id(0)
    z = h_ref[...] + p0_ref[0] + p1_ref[0]
    hid = jnp.dot(z, w1_ref[...], preferred_element_type=jnp.float32)
    hid = jnp.maximum(hid + b1_ref[0:1, :], 0.0)
    u = jnp.dot(hid, w2_ref[...], preferred_element_type=jnp.float32)
    u = u + b2_ref[0:1, :]
    u_ref[...] = u

    @pl.when(i == 0)
    def _():
        s_ref[...] = jnp.zeros_like(s_ref)
        ss_ref[...] = jnp.zeros_like(ss_ref)

    s_ref[...] += jnp.sum(u, axis=0, keepdims=True)
    ss_ref[...] += jnp.sum(u * u, axis=0, keepdims=True)


def _mlp(h, p, w1, b1t, w2, b2t, bm):
    n = h.shape[0]
    row = pl.BlockSpec((bm, _D), lambda i: (i, 0))
    rep = pl.BlockSpec((8, _D), lambda i: (0, 0))
    wsp = pl.BlockSpec((_D, _D), lambda i: (0, 0))
    ph0 = pl.BlockSpec((1, bm, _D), lambda i: (0, i, 0))
    ph1 = pl.BlockSpec((1, bm, _D), lambda i: (1, i, 0))
    return pl.pallas_call(
        _mlp_body,
        grid=(n // bm,),
        in_specs=[row, ph0, ph1, wsp, rep, wsp, rep],
        out_specs=[row, rep, rep],
        out_shape=[
            jax.ShapeDtypeStruct((n, _D), jnp.float32),
            jax.ShapeDtypeStruct((8, _D), jnp.float32),
            jax.ShapeDtypeStruct((8, _D), jnp.float32),
        ],
    )(h, p, p, w1, b1t, w2, b2t)


def _norm_body(n, u_ref, s_ref, ss_ref, g_ref, b_ref, o_ref):
    mean = s_ref[0:1, :] * (1.0 / n)
    var = ss_ref[0:1, :] * (1.0 / n) - mean * mean
    inv = lax.rsqrt(var + 1e-5)
    h = (u_ref[...] - mean) * inv * g_ref[0:1, :] + b_ref[0:1, :]
    o_ref[...] = jnp.maximum(h, 0.0)


def _norm_relu(u, s, ss, gt, bt, bm):
    n = u.shape[0]
    row = pl.BlockSpec((bm, _D), lambda i: (i, 0))
    rep = pl.BlockSpec((8, _D), lambda i: (0, 0))
    return pl.pallas_call(
        functools.partial(_norm_body, n),
        grid=(n // bm,),
        in_specs=[row, rep, rep, rep, rep],
        out_specs=row,
        out_shape=jax.ShapeDtypeStruct((n, _D), jnp.float32),
    )(u, s, ss, gt, bt)


def _final_body(n, u_ref, bt_ref, s_ref, ss_ref, g_ref, b_ref, o_ref):
    mean = s_ref[0:1, :] * (1.0 / n)
    var = ss_ref[0:1, :] * (1.0 / n) - mean * mean
    inv = lax.rsqrt(var + 1e-5)
    h = (u_ref[...] - mean) * inv * g_ref[0:1, :] + b_ref[0:1, :]
    z = h * 0.2
    zc = jnp.sum(z, axis=1, keepdims=True)
    bt = bt_ref[...]
    lane = lax.broadcasted_iota(jnp.int32, (n, _D), 1)
    mask = bt == lane
    zb = jnp.where(mask, zc, -1e30)
    segmax = jnp.max(zb, axis=0, keepdims=True)
    m = jnp.sum(jnp.where(mask, segmax, 0.0), axis=1, keepdims=True)
    e = jnp.exp(zc - m)
    seg = jnp.sum(jnp.where(mask, e, 0.0), axis=0, keepdims=True)
    den = jnp.sum(jnp.where(mask, seg, 0.0), axis=1, keepdims=True)
    o_ref[...] = e / (den + 1e-16)


def _final(u, batch2d, s, ss, gt, bt):
    n = u.shape[0]
    return pl.pallas_call(
        functools.partial(_final_body, n),
        out_shape=jax.ShapeDtypeStruct((n, 1), jnp.float32),
    )(u, batch2d, s, ss, gt, bt)


def _rep8(v):
    return jnp.broadcast_to(v.reshape(1, -1), (8, v.shape[-1]))


def kernel(x, edge_index, batch,
           W1_0, b1_0, W2_0, b2_0, gamma_0, beta_0,
           W1_1, b1_1, W2_1, b2_1, gamma_1, beta_1,
           W1_2, b1_2, W2_2, b2_2, gamma_2, beta_2):
    n, d = x.shape
    e = edge_index.shape[1]
    k = 96
    cht = -(-e // (16 * k))
    ch0 = int(round(cht * 0.625)) // 2 * 2
    ch1 = -(-(cht - ch0) // 2) * 2
    chm = max(ch0, ch1)
    e0 = 16 * ch0 * k

    def _part(v, fill):
        v0 = v[:e0].reshape(16, ch0, k)
        v0 = jnp.pad(v0, ((0, 0), (0, chm - ch0), (0, 0)), constant_values=fill)
        pad1 = 16 * ch1 * k - (e - e0)
        v1 = jnp.concatenate([v[e0:], jnp.full((pad1,), fill, jnp.int32)])
        v1 = v1.reshape(16, ch1, k)
        v1 = jnp.pad(v1, ((0, 0), (0, chm - ch1), (0, 0)), constant_values=fill)
        return jnp.concatenate([v0, v1], axis=0)

    src = _part(edge_index[0], 0)
    dst = _part(edge_index[1], n)
    npad = -(-(n + 1) // 128) * 128
    zros = jnp.zeros((npad // 16, d), jnp.float32)
    _agg = _make_agg(n, ch0, ch1, k)

    def agg(h):
        return _agg(h, src, dst, zros)

    w2_2p = jnp.pad(W2_2, ((0, 0), (0, _D - W2_2.shape[1])))
    b2_2p = jnp.pad(b2_2, (0, _D - b2_2.shape[0]))
    g2p = jnp.pad(gamma_2, (0, _D - gamma_2.shape[0]))
    be2p = jnp.pad(beta_2, (0, _D - beta_2.shape[0]))

    bm = 400
    h = x
    p = agg(h)
    u, s, ss = _mlp(h, p, W1_0, _rep8(b1_0), W2_0, _rep8(b2_0), bm)
    h = _norm_relu(u, s, ss, _rep8(gamma_0), _rep8(beta_0), bm)
    p = agg(h)
    u, s, ss = _mlp(h, p, W1_1, _rep8(b1_1), W2_1, _rep8(b2_1), bm)
    h = _norm_relu(u, s, ss, _rep8(gamma_1), _rep8(beta_1), bm)
    p = agg(h)
    u, s, ss = _mlp(h, p, W1_2, _rep8(b1_2), w2_2p, _rep8(b2_2p), bm)
    return _final(u, batch.reshape(n, 1), s, ss, _rep8(g2p), _rep8(be2p))

# --- scband reference (transcript-rebuilt; emitter-appended) ---
"""Pipeline reference for scband-explainer-72069551227428 (READ-ONLY COPY).

The authoritative reference and input builder live on the scoring server;
editing this copy changes nothing except your own understanding.
"""

import jax, jax.numpy as jnp
import numpy as np

N = 10000
E = 320000
NF = 128
D = 128
G = 64


def setup_inputs(seed: int = 0) -> dict:
    key = jax.random.key(seed)
    ks = jax.random.split(key, 24)
    inp = {}
    inp["x"] = jax.random.normal(ks[0], (N, NF), dtype=jnp.float32)
    inp["edge_index"] = jax.random.randint(ks[1], (2, E), 0, N, dtype=jnp.int32)
    inp["batch"] = jnp.sort(jax.random.randint(ks[2], (N,), 0, G, dtype=jnp.int32))
    dims = [(NF, D, D), (D, D, D), (D, D, 1)]
    for i, (din, dh, dout) in enumerate(dims):
        inp[f"W1_{i}"] = jax.random.normal(ks[3 + 4 * i], (din, dh), dtype=jnp.float32) * 0.05
        inp[f"b1_{i}"] = jnp.zeros((dh,), dtype=jnp.float32)
        inp[f"W2_{i}"] = jax.random.normal(ks[4 + 4 * i], (dh, dout), dtype=jnp.float32) * 0.05
        inp[f"b2_{i}"] = jnp.zeros((dout,), dtype=jnp.float32)
        inp[f"gamma_{i}"] = jnp.ones((dout,), dtype=jnp.float32)
        inp[f"beta_{i}"] = jnp.zeros((dout,), dtype=jnp.float32)
    return inp


def _bn(h, gamma, beta):
    # BatchNorm1d in training mode: batch statistics, biased variance
    mean = jnp.mean(h, axis=0, keepdims=True)
    var = jnp.var(h, axis=0, keepdims=True)
    return (h - mean) / jnp.sqrt(var + 1e-5) * gamma + beta


def _gin(h, src, dst, W1, b1, W2, b2):
    # GINConv with eps=0: nn((1+eps)*x + sum_{j in N(i)} x_j)
    agg = jax.ops.segment_sum(h[src], dst, num_segments=h.shape[0])
    z = h + agg
    z = jax.nn.relu(z @ W1 + b1) @ W2 + b2
    return z


def reference(x, edge_index, batch, W1_0, b1_0, W2_0, b2_0, gamma_0, beta_0, W1_1, b1_1, W2_1, b2_1, gamma_1, beta_1, W1_2, b1_2, W2_2, b2_2, gamma_2, beta_2):
    src, dst = edge_index[0], edge_index[1]
    h = x
    h = jax.nn.relu(_bn(_gin(h, src, dst, W1_0, b1_0, W2_0, b2_0), gamma_0, beta_0))
    h = jax.nn.relu(_bn(_gin(h, src, dst, W1_1, b1_1, W2_1, b2_1), gamma_1, beta_1))
    h = _bn(_gin(h, src, dst, W1_2, b1_2, W2_2, b2_2), gamma_2, beta_2)
    # L=False branch: per-graph softmax over nodes (PyG softmax over `batch`)
    z = h / 5.0
    seg_max = jax.lax.stop_gradient(jax.ops.segment_max(z, batch, num_segments=G))
    z = z - seg_max[batch]
    e = jnp.exp(z)
    denom = jax.ops.segment_sum(e, batch, num_segments=G)
    return e / (denom[batch] + 1e-16)

if __name__ == "__main__":
    import jax
    _d = setup_inputs()
    print(jax.jit(kernel)(*tuple(_d.values())))

</pallas_src>

<mosaic_0001>
#map = affine_map<(d0, d1) -> (0, 0)>
#map1 = affine_map<(d0, d1) -> (0, 0, 0)>
module attributes {stable_mosaic.version = 14 : i64} {
  func.func @agg_kernel(%arg0: i32, %arg1: i32, %arg2: memref<10000x128xf32, #tpu.memory_space<hbm>>, %arg3: memref<32x130x96xi32, #tpu.memory_space<hbm>>, %arg4: memref<32x130x96xi32, #tpu.memory_space<hbm>>, %arg5: memref<632x128xf32, #tpu.memory_space<hbm>>, %arg6: memref<2x10112x128xf32, #tpu.memory_space<hbm>>, %arg7: memref<130x96xi32, #tpu.memory_space<vmem>>, %arg8: memref<130x96xi32, #tpu.memory_space<vmem>>, %arg9: memref<2x96x128xf32, #tpu.memory_space<vmem>>, %arg10: memref<10112x128xf32, #tpu.memory_space<vmem_shared>>, %arg11: memref<!tpu.dma_semaphore, #tpu.memory_space<semaphore_mem>>, %arg12: memref<!tpu.dma_semaphore, #tpu.memory_space<semaphore_mem>>, %arg13: memref<!tpu.dma_semaphore, #tpu.memory_space<semaphore_mem>>, %arg14: memref<!tpu.dma_semaphore, #tpu.memory_space<semaphore_mem>>) attributes {dimension_semantics = [#tpu.dimension_semantics<core_parallel>, #tpu.dimension_semantics<subcore_parallel>], iteration_bounds = array<i64: 2, 16>, scalar_prefetch = 0 : i64, scratch_operands = 8 : i64, tpu.core_type = #tpu.core_type<sc_vector_subcore>, window_params = [{transform_indices = #map}, {transform_indices = #map1}, {transform_indices = #map1}, {transform_indices = #map}, {transform_indices = #map1}]} {
    %mul3A = arith.constant 16 : i32
    %mul3A_0 = arith.muli %arg0, %mul3A : i32
    %add3A = arith.addi %mul3A_0, %arg1 : i32
    %eq3A = arith.constant 0 : i32
    %eq3A_1 = arith.cmpi eq, %arg0, %eq3A : i32
    %jit3A = arith.constant 130 : i32
    %jit3A_2 = arith.constant 80 : i32
    %select_n3A = arith.select %eq3A_1, %jit3A, %jit3A_2 : i32
    %mul3A_3 = arith.constant 632 : i32
    %mul3A_4 = arith.muli %arg1, %mul3A_3 : i32
    "tpu.region"() ({
      %run_scoped3A = tpu.sem_alloc : memref<!tpu.dma_semaphore, #tpu.memory_space<semaphore_mem>>
      %dma_start3A_170 = arith.constant 0 : i32
      %dma_start3A_171 = tpu.memref_slice %arg10[%mul3A_4, %dma_start3A_170] : memref<10112x128xf32, #tpu.memory_space<vmem_shared>> -> memref<632x128xf32, #tpu.memory_space<vmem_shared>>
      tpu.enqueue_dma source(%arg5 : memref<632x128xf32, #tpu.memory_space<hbm>>) target(%dma_start3A_171 : memref<632x128xf32, #tpu.memory_space<vmem_shared>>) target_semaphore(%run_scoped3A : memref<!tpu.dma_semaphore, #tpu.memory_space<semaphore_mem>>)
      %dma_wait3A_172 = arith.constant 0 : i32
      %dma_wait3A_173 = tpu.memref_slice %arg10[%mul3A_4, %dma_wait3A_172] : memref<10112x128xf32, #tpu.memory_space<vmem_shared>> -> memref<632x128xf32, #tpu.memory_space<vmem_shared>>
      tpu.wait_dma2 semaphore(%run_scoped3A : memref<!tpu.dma_semaphore, #tpu.memory_space<semaphore_mem>>) src(%arg5 : memref<632x128xf32, #tpu.memory_space<hbm>>) dst(%dma_wait3A_173 : memref<632x128xf32, #tpu.memory_space<vmem_shared>>)
      tpu.yield
    }) : () -> ()
    "tpu.region"() ({
      %run_scoped3A = tpu.sem_alloc : memref<!tpu.dma_semaphore, #tpu.memory_space<semaphore_mem>>
      %dma_start3A_170 = arith.constant 0 : i32
      %dma_start3A_171 = arith.constant 0 : i32
      %dma_start3A_172 = tpu.memref_slice %arg3[%add3A, %dma_start3A_170, %dma_start3A_171] : memref<32x130x96xi32, #tpu.memory_space<hbm>> -> memref<1x130x96xi32, #tpu.memory_space<hbm>>
      %dma_start3A_173 = tpu.memref_squeeze %dma_start3A_172 : memref<1x130x96xi32, #tpu.memory_space<hbm>> -> memref<130x96xi32, #tpu.memory_space<hbm>>
      %dma_start3A_174 = arith.constant 0 : i32
      %dma_start3A_175 = arith.constant 0 : i32
      %dma_start3A_176 = tpu.memref_slice %arg3[%add3A, %dma_start3A_174, %dma_start3A_175] : memref<32x130x96xi32, #tpu.memory_space<hbm>> -> memref<1x130x96xi32, #tpu.memory_space<hbm>>
      %dma_start3A_177 = tpu.memref_squeeze %dma_start3A_176 : memref<1x130x96xi32, #tpu.memory_space<hbm>> -> memref<130x96xi32, #tpu.memory_space<hbm>>
      tpu.enqueue_dma source(%dma_start3A_177 : memref<130x96xi32, #tpu.memory_space<hbm>>) target(%arg7 : memref<130x96xi32, #tpu.memory_space<vmem>>) target_semaphore(%run_scoped3A : memref<!tpu.dma_semaphore, #tpu.memory_space<semaphore_mem>>)
      %dma_wait3A_178 = arith.constant 0 : i32
      %dma_wait3A_179 = arith.constant 0 : i32
      %dma_wait3A_180 = tpu.memref_slice %arg3[%add3A, %dma_wait3A_178, %dma_wait3A_179] : memref<32x130x96xi32, #tpu.memory_space<hbm>> -> memref<1x130x96xi32, #tpu.memory_space<hbm>>
      %dma_wait3A_181 = tpu.memref_squeeze %dma_wait3A_180 : memref<1x130x96xi32, #tpu.memory_space<hbm>> -> memref<130x96xi32, #tpu.memory_space<hbm>>
      %dma_wait3A_182 = arith.constant 0 : i32
      %dma_wait3A_183 = arith.constant 0 : i32
      %dma_wait3A_184 = tpu.memref_slice %arg3[%add3A, %dma_wait3A_182, %dma_wait3A_183] : memref<32x130x96xi32, #tpu.memory_space<hbm>> -> memref<1x130x96xi32, #tpu.memory_space<hbm>>
      %dma_wait3A_185 = tpu.memref_squeeze %dma_wait3A_184 : memref<1x130x96xi32, #tpu.memory_space<hbm>> -> memref<130x96xi32, #tpu.memory_space<hbm>>
      tpu.wait_dma2 semaphore(%run_scoped3A : memref<!tpu.dma_semaphore, #tpu.memory_space<semaphore_mem>>) src(%dma_wait3A_185 : memref<130x96xi32, #tpu.memory_space<hbm>>) dst(%arg7 : memref<130x96xi32, #tpu.memory_space<vmem>>)
      tpu.yield
    }) : () -> ()
    "tpu.region"() ({
      %run_scoped3A = tpu.sem_alloc : memref<!tpu.dma_semaphore, #tpu.memory_space<semaphore_mem>>
      %dma_start3A_170 = arith.constant 0 : i32
      %dma_start3A_171 = arith.constant 0 : i32
      %dma_start3A_172 = tpu.memref_slice %arg4[%add3A, %dma_start3A_170, %dma_start3A_171] : memref<32x130x96xi32, #tpu.memory_space<hbm>> -> memref<1x130x96xi32, #tpu.memory_space<hbm>>
      %dma_start3A_173 = tpu.memref_squeeze %dma_start3A_172 : memref<1x130x96xi32, #tpu.memory_space<hbm>> -> memref<130x96xi32, #tpu.memory_space<hbm>>
      %dma_start3A_174 = arith.constant 0 : i32
      %dma_start3A_175 = arith.constant 0 : i32
      %dma_start3A_176 = tpu.memref_slice %arg4[%add3A, %dma_start3A_174, %dma_start3A_175] : memref<32x130x96xi32, #tpu.memory_space<hbm>> -> memref<1x130x96xi32, #tpu.memory_space<hbm>>
      %dma_start3A_177 = tpu.memref_squeeze %dma_start3A_176 : memref<1x130x96xi32, #tpu.memory_space<hbm>> -> memref<130x96xi32, #tpu.memory_space<hbm>>
      tpu.enqueue_dma source(%dma_start3A_177 : memref<130x96xi32, #tpu.memory_space<hbm>>) target(%arg8 : memref<130x96xi32, #tpu.memory_space<vmem>>) target_semaphore(%run_scoped3A : memref<!tpu.dma_semaphore, #tpu.memory_space<semaphore_mem>>)
      %dma_wait3A_178 = arith.constant 0 : i32
      %dma_wait3A_179 = arith.constant 0 : i32
      %dma_wait3A_180 = tpu.memref_slice %arg4[%add3A, %dma_wait3A_178, %dma_wait3A_179] : memref<32x130x96xi32, #tpu.memory_space<hbm>> -> memref<1x130x96xi32, #tpu.memory_space<hbm>>
      %dma_wait3A_181 = tpu.memref_squeeze %dma_wait3A_180 : memref<1x130x96xi32, #tpu.memory_space<hbm>> -> memref<130x96xi32, #tpu.memory_space<hbm>>
      %dma_wait3A_182 = arith.constant 0 : i32
      %dma_wait3A_183 = arith.constant 0 : i32
      %dma_wait3A_184 = tpu.memref_slice %arg4[%add3A, %dma_wait3A_182, %dma_wait3A_183] : memref<32x130x96xi32, #tpu.memory_space<hbm>> -> memref<1x130x96xi32, #tpu.memory_space<hbm>>
      %dma_wait3A_185 = tpu.memref_squeeze %dma_wait3A_184 : memref<1x130x96xi32, #tpu.memory_space<hbm>> -> memref<130x96xi32, #tpu.memory_space<hbm>>
      tpu.wait_dma2 semaphore(%run_scoped3A : memref<!tpu.dma_semaphore, #tpu.memory_space<semaphore_mem>>) src(%dma_wait3A_185 : memref<130x96xi32, #tpu.memory_space<hbm>>) dst(%arg8 : memref<130x96xi32, #tpu.memory_space<vmem>>)
      tpu.yield
    }) : () -> ()
    %barrier3A = arith.constant 0 : index
    tpu.barrier barrier_id(%barrier3A)
    %dma_start3A = arith.constant 0 : i32
    %dma_start3A_5 = arith.constant 0 : i32
    %dma_start3A_6 = arith.constant 0 : i32
    %dma_start3A_7 = arith.constant 0 : i32
    %dma_start3A_8 = tpu.memref_slice %arg9[%dma_start3A_5, %dma_start3A_6, %dma_start3A_7] : memref<2x96x128xf32, #tpu.memory_space<vmem>> -> memref<1x96x128xf32, #tpu.memory_space<vmem>>
    %dma_start3A_9 = tpu.memref_squeeze %dma_start3A_8 : memref<1x96x128xf32, #tpu.memory_space<vmem>> -> memref<96x128xf32, #tpu.memory_space<vmem>>
    %dma_start3A_10 = arith.constant 0 : i32
    %dma_start3A_11 = tpu.memref_slice %arg7[%dma_start3A, %dma_start3A_10] : memref<130x96xi32, #tpu.memory_space<vmem>> -> memref<1x96xi32, #tpu.memory_space<vmem>>
    %dma_start3A_12 = tpu.memref_squeeze %dma_start3A_11 : memref<1x96xi32, #tpu.memory_space<vmem>> -> memref<96xi32, #tpu.memory_space<vmem>>
    %dma_start3A_13 = arith.constant 0 : i32
    %dma_start3A_14 = arith.constant 0 : i32
    %dma_start3A_15 = tpu.memref_slice %arg2[%dma_start3A_13, %dma_start3A_14] : memref<10000x128xf32, #tpu.memory_space<hbm>> -> memref<10000x128xf32, #tpu.memory_space<hbm>>
    tpu.enqueue_indirect_dma source(%dma_start3A_15 : memref<10000x128xf32, #tpu.memory_space<hbm>>) target(%dma_start3A_9 : memref<96x128xf32, #tpu.memory_space<vmem>>) offsets(%dma_start3A_12 : memref<96xi32, #tpu.memory_space<vmem>>) semaphore(%arg11 : memref<!tpu.dma_semaphore, #tpu.memory_space<semaphore_mem>>)
    %dma_wait3A = arith.constant 0 : i32
    %dma_wait3A_16 = arith.constant 0 : i32
    %dma_wait3A_17 = arith.constant 0 : i32
    %dma_wait3A_18 = tpu.memref_slice %arg9[%dma_wait3A, %dma_wait3A_16, %dma_wait3A_17] : memref<2x96x128xf32, #tpu.memory_space<vmem>> -> memref<1x96x128xf32, #tpu.memory_space<vmem>>
    %dma_wait3A_19 = tpu.memref_squeeze %dma_wait3A_18 : memref<1x96x128xf32, #tpu.memory_space<vmem>> -> memref<96x128xf32, #tpu.memory_space<vmem>>
    %dma_wait3A_20 = arith.constant 0 : i32
    %dma_wait3A_21 = arith.constant 0 : i32
    %dma_wait3A_22 = tpu.memref_slice %arg2[%dma_wait3A_20, %dma_wait3A_21] : memref<10000x128xf32, #tpu.memory_space<hbm>> -> memref<96x128xf32, #tpu.memory_space<hbm>>
    %dma_wait3A_23 = arith.constant 0 : i32
    %dma_wait3A_24 = arith.constant 0 : i32
    %dma_wait3A_25 = tpu.memref_slice %arg9[%dma_wait3A, %dma_wait3A_23, %dma_wait3A_24] : memref<2x96x128xf32, #tpu.memory_space<vmem>> -> memref<1x96x128xf32, #tpu.memory_space<vmem>>
    %dma_wait3A_26 = tpu.memref_squeeze %dma_wait3A_25 : memref<1x96x128xf32, #tpu.memory_space<vmem>> -> memref<96x128xf32, #tpu.memory_space<vmem>>
    %dma_wait3A_27 = arith.constant 0 : i32
    %dma_wait3A_28 = arith.constant 0 : i32
    %dma_wait3A_29 = tpu.memref_slice %arg2[%dma_wait3A_27, %dma_wait3A_28] : memref<10000x128xf32, #tpu.memory_space<hbm>> -> memref<96x128xf32, #tpu.memory_space<hbm>>
    tpu.wait_dma2 semaphore(%arg11 : memref<!tpu.dma_semaphore, #tpu.memory_space<semaphore_mem>>) src(%dma_wait3A_29 : memref<96x128xf32, #tpu.memory_space<hbm>>) dst(%dma_wait3A_26 : memref<96x128xf32, #tpu.memory_space<vmem>>)
    %dma_start3A_30 = arith.constant 1 : i32
    %dma_start3A_31 = arith.constant 1 : i32
    %dma_start3A_32 = arith.constant 0 : i32
    %dma_start3A_33 = arith.constant 0 : i32
    %dma_start3A_34 = tpu.memref_slice %arg9[%dma_start3A_31, %dma_start3A_32, %dma_start3A_33] : memref<2x96x128xf32, #tpu.memory_space<vmem>> -> memref<1x96x128xf32, #tpu.memory_space<vmem>>
    %dma_start3A_35 = tpu.memref_squeeze %dma_start3A_34 : memref<1x96x128xf32, #tpu.memory_space<vmem>> -> memref<96x128xf32, #tpu.memory_space<vmem>>
    %dma_start3A_36 = arith.constant 0 : i32
    %dma_start3A_37 = tpu.memref_slice %arg7[%dma_start3A_30, %dma_start3A_36] : memref<130x96xi32, #tpu.memory_space<vmem>> -> memref<1x96xi32, #tpu.memory_space<vmem>>
    %dma_start3A_38 = tpu.memref_squeeze %dma_start3A_37 : memref<1x96xi32, #tpu.memory_space<vmem>> -> memref<96xi32, #tpu.memory_space<vmem>>
    %dma_start3A_39 = arith.constant 0 : i32
    %dma_start3A_40 = arith.constant 0 : i32
    %dma_start3A_41 = tpu.memref_slice %arg2[%dma_start3A_39, %dma_start3A_40] : memref<10000x128xf32, #tpu.memory_space<hbm>> -> memref<10000x128xf32, #tpu.memory_space<hbm>>
    tpu.enqueue_indirect_dma source(%dma_start3A_41 : memref<10000x128xf32, #tpu.memory_space<hbm>>) target(%dma_start3A_35 : memref<96x128xf32, #tpu.memory_space<vmem>>) offsets(%dma_start3A_38 : memref<96xi32, #tpu.memory_space<vmem>>) semaphore(%arg12 : memref<!tpu.dma_semaphore, #tpu.memory_space<semaphore_mem>>)
    %dma_start3A_42 = arith.constant 0 : i32
    %dma_start3A_43 = arith.constant 0 : i32
    %dma_start3A_44 = arith.constant 0 : i32
    %dma_start3A_45 = arith.constant 0 : i32
    %dma_start3A_46 = tpu.memref_slice %arg9[%dma_start3A_42, %dma_start3A_44, %dma_start3A_45] : memref<2x96x128xf32, #tpu.memory_space<vmem>> -> memref<1x96x128xf32, #tpu.memory_space<vmem>>
    %dma_start3A_47 = tpu.memref_squeeze %dma_start3A_46 : memref<1x96x128xf32, #tpu.memory_space<vmem>> -> memref<96x128xf32, #tpu.memory_space<vmem>>
    %dma_start3A_48 = arith.constant 0 : i32
    %dma_start3A_49 = tpu.memref_slice %arg8[%dma_start3A_43, %dma_start3A_48] : memref<130x96xi32, #tpu.memory_space<vmem>> -> memref<1x96xi32, #tpu.memory_space<vmem>>
    %dma_start3A_50 = tpu.memref_squeeze %dma_start3A_49 : memref<1x96xi32, #tpu.memory_space<vmem>> -> memref<96xi32, #tpu.memory_space<vmem>>
    %dma_start3A_51 = arith.constant 0 : i32
    %dma_start3A_52 = arith.constant 0 : i32
    %dma_start3A_53 = tpu.memref_slice %arg10[%dma_start3A_51, %dma_start3A_52] : memref<10112x128xf32, #tpu.memory_space<vmem_shared>> -> memref<10112x128xf32, #tpu.memory_space<vmem_shared>>
    tpu.enqueue_indirect_dma source(%dma_start3A_47 : memref<96x128xf32, #tpu.memory_space<vmem>>) target(%dma_start3A_53 : memref<10112x128xf32, #tpu.memory_space<vmem_shared>>) offsets(%dma_start3A_50 : memref<96xi32, #tpu.memory_space<vmem>>) semaphore(%arg13 : memref<!tpu.dma_semaphore, #tpu.memory_space<semaphore_mem>>) {add = true}
    %dma_wait3A_54 = arith.constant 1 : i32
    %dma_wait3A_55 = arith.constant 0 : i32
    %dma_wait3A_56 = arith.constant 0 : i32
    %dma_wait3A_57 = tpu.memref_slice %arg9[%dma_wait3A_54, %dma_wait3A_55, %dma_wait3A_56] : memref<2x96x128xf32, #tpu.memory_space<vmem>> -> memref<1x96x128xf32, #tpu.memory_space<vmem>>
    %dma_wait3A_58 = tpu.memref_squeeze %dma_wait3A_57 : memref<1x96x128xf32, #tpu.memory_space<vmem>> -> memref<96x128xf32, #tpu.memory_space<vmem>>
    %dma_wait3A_59 = arith.constant 0 : i32
    %dma_wait3A_60 = arith.constant 0 : i32
    %dma_wait3A_61 = tpu.memref_slice %arg2[%dma_wait3A_59, %dma_wait3A_60] : memref<10000x128xf32, #tpu.memory_space<hbm>> -> memref<96x128xf32, #tpu.memory_space<hbm>>
    %dma_wait3A_62 = arith.constant 0 : i32
    %dma_wait3A_63 = arith.constant 0 : i32
    %dma_wait3A_64 = tpu.memref_slice %arg9[%dma_wait3A_54, %dma_wait3A_62, %dma_wait3A_63] : memref<2x96x128xf32, #tpu.memory_space<vmem>> -> memref<1x96x128xf32, #tpu.memory_space<vmem>>
    %dma_wait3A_65 = tpu.memref_squeeze %dma_wait3A_64 : memref<1x96x128xf32, #tpu.memory_space<vmem>> -> memref<96x128xf32, #tpu.memory_space<vmem>>
    %dma_wait3A_66 = arith.constant 0 : i32
    %dma_wait3A_67 = arith.constant 0 : i32
    %dma_wait3A_68 = tpu.memref_slice %arg2[%dma_wait3A_66, %dma_wait3A_67] : memref<10000x128xf32, #tpu.memory_space<hbm>> -> memref<96x128xf32, #tpu.memory_space<hbm>>
    tpu.wait_dma2 semaphore(%arg12 : memref<!tpu.dma_semaphore, #tpu.memory_space<semaphore_mem>>) src(%dma_wait3A_68 : memref<96x128xf32, #tpu.memory_space<hbm>>) dst(%dma_wait3A_65 : memref<96x128xf32, #tpu.memory_space<vmem>>)
    %dma_wait3A_69 = arith.constant 0 : i32
    %dma_wait3A_70 = arith.constant 0 : i32
    %dma_wait3A_71 = arith.constant 0 : i32
    %dma_wait3A_72 = tpu.memref_slice %arg9[%dma_wait3A_69, %dma_wait3A_70, %dma_wait3A_71] : memref<2x96x128xf32, #tpu.memory_space<vmem>> -> memref<1x96x128xf32, #tpu.memory_space<vmem>>
    %dma_wait3A_73 = tpu.memref_squeeze %dma_wait3A_72 : memref<1x96x128xf32, #tpu.memory_space<vmem>> -> memref<96x128xf32, #tpu.memory_space<vmem>>
    %dma_wait3A_74 = arith.constant 0 : i32
    %dma_wait3A_75 = arith.constant 0 : i32
    %dma_wait3A_76 = tpu.memref_slice %arg2[%dma_wait3A_74, %dma_wait3A_75] : memref<10000x128xf32, #tpu.memory_space<hbm>> -> memref<96x128xf32, #tpu.memory_space<hbm>>
    %dma_wait3A_77 = arith.constant 0 : i32
    %dma_wait3A_78 = arith.constant 0 : i32
    %dma_wait3A_79 = tpu.memref_slice %arg9[%dma_wait3A_69, %dma_wait3A_77, %dma_wait3A_78] : memref<2x96x128xf32, #tpu.memory_space<vmem>> -> memref<1x96x128xf32, #tpu.memory_space<vmem>>
    %dma_wait3A_80 = tpu.memref_squeeze %dma_wait3A_79 : memref<1x96x128xf32, #tpu.memory_space<vmem>> -> memref<96x128xf32, #tpu.memory_space<vmem>>
    %dma_wait3A_81 = arith.constant 0 : i32
    %dma_wait3A_82 = arith.constant 0 : i32
    %dma_wait3A_83 = tpu.memref_slice %arg2[%dma_wait3A_81, %dma_wait3A_82] : memref<10000x128xf32, #tpu.memory_space<hbm>> -> memref<96x128xf32, #tpu.memory_space<hbm>>
    tpu.wait_dma2 semaphore(%arg13 : memref<!tpu.dma_semaphore, #tpu.memory_space<semaphore_mem>>) src(%dma_wait3A_83 : memref<96x128xf32, #tpu.memory_space<hbm>>) dst(%dma_wait3A_80 : memref<96x128xf32, #tpu.memory_space<vmem>>)
    %dma_start3A_84 = arith.constant 2 : i32
    %dma_start3A_85 = arith.constant 0 : i32
    %dma_start3A_86 = arith.constant 0 : i32
    %dma_start3A_87 = arith.constant 0 : i32
    %dma_start3A_88 = tpu.memref_slice %arg9[%dma_start3A_85, %dma_start3A_86, %dma_start3A_87] : memref<2x96x128xf32, #tpu.memory_space<vmem>> -> memref<1x96x128xf32, #tpu.memory_space<vmem>>
    %dma_start3A_89 = tpu.memref_squeeze %dma_start3A_88 : memref<1x96x128xf32, #tpu.memory_space<vmem>> -> memref<96x128xf32, #tpu.memory_space<vmem>>
    %dma_start3A_90 = arith.constant 0 : i32
    %dma_start3A_91 = tpu.memref_slice %arg7[%dma_start3A_84, %dma_start3A_90] : memref<130x96xi32, #tpu.memory_space<vmem>> -> memref<1x96xi32, #tpu.memory_space<vmem>>
    %dma_start3A_92 = tpu.memref_squeeze %dma_start3A_91 : memref<1x96xi32, #tpu.memory_space<vmem>> -> memref<96xi32, #tpu.memory_space<vmem>>
    %dma_start3A_93 = arith.constant 0 : i32
    %dma_start3A_94 = arith.constant 0 : i32
    %dma_start3A_95 = tpu.memref_slice %arg2[%dma_start3A_93, %dma_start3A_94] : memref<10000x128xf32, #tpu.memory_space<hbm>> -> memref<10000x128xf32, #tpu.memory_space<hbm>>
    tpu.enqueue_indirect_dma source(%dma_start3A_95 : memref<10000x128xf32, #tpu.memory_space<hbm>>) target(%dma_start3A_89 : memref<96x128xf32, #tpu.memory_space<vmem>>) offsets(%dma_start3A_92 : memref<96xi32, #tpu.memory_space<vmem>>) semaphore(%arg11 : memref<!tpu.dma_semaphore, #tpu.memory_space<semaphore_mem>>)
    %dma_start3A_96 = arith.constant 1 : i32
    %dma_start3A_97 = arith.constant 1 : i32
    %dma_start3A_98 = arith.constant 0 : i32
    %dma_start3A_99 = arith.constant 0 : i32
    %dma_start3A_100 = tpu.memref_slice %arg9[%dma_start3A_96, %dma_start3A_98, %dma_start3A_99] : memref<2x96x128xf32, #tpu.memory_space<vmem>> -> memref<1x96x128xf32, #tpu.memory_space<vmem>>
    %dma_start3A_101 = tpu.memref_squeeze %dma_start3A_100 : memref<1x96x128xf32, #tpu.memory_space<vmem>> -> memref<96x128xf32, #tpu.memory_space<vmem>>
    %dma_start3A_102 = arith.constant 0 : i32
    %dma_start3A_103 = tpu.memref_slice %arg8[%dma_start3A_97, %dma_start3A_102] : memref<130x96xi32, #tpu.memory_space<vmem>> -> memref<1x96xi32, #tpu.memory_space<vmem>>
    %dma_start3A_104 = tpu.memref_squeeze %dma_start3A_103 : memref<1x96xi32, #tpu.memory_space<vmem>> -> memref<96xi32, #tpu.memory_space<vmem>>
    %dma_start3A_105 = arith.constant 0 : i32
    %dma_start3A_106 = arith.constant 0 : i32
    %dma_start3A_107 = tpu.memref_slice %arg10[%dma_start3A_105, %dma_start3A_106] : memref<10112x128xf32, #tpu.memory_space<vmem_shared>> -> memref<10112x128xf32, #tpu.memory_space<vmem_shared>>
    tpu.enqueue_indirect_dma source(%dma_start3A_101 : memref<96x128xf32, #tpu.memory_space<vmem>>) target(%dma_start3A_107 : memref<10112x128xf32, #tpu.memory_space<vmem_shared>>) offsets(%dma_start3A_104 : memref<96xi32, #tpu.memory_space<vmem>>) semaphore(%arg14 : memref<!tpu.dma_semaphore, #tpu.memory_space<semaphore_mem>>) {add = true}
    %jit3A_108 = arith.constant 2 : i32
    %div3A = arith.divsi %select_n3A, %jit3A_108 : i32
    %sign3A = arith.constant 0 : i32
    %sign3A_109 = arith.cmpi sgt, %select_n3A, %sign3A : i32
    %sign3A_110 = arith.extui %sign3A_109 : i1 to i32
    %sign3A_111 = arith.constant 0 : i32
    %sign3A_112 = arith.cmpi slt, %select_n3A, %sign3A_111 : i32
    %sign3A_113 = arith.extui %sign3A_112 : i1 to i32
    %sign3A_114 = arith.subi %sign3A_110, %sign3A_113 : i32
    %sign3A_115 = arith.constant 0 : i32
    %sign3A_116 = arith.cmpi sgt, %jit3A_108, %sign3A_115 : i32
    %sign3A_117 = arith.extui %sign3A_116 : i1 to i32
    %sign3A_118 = arith.constant 0 : i32
    %sign3A_119 = arith.cmpi slt, %jit3A_108, %sign3A_118 : i32
    %sign3A_120 = arith.extui %sign3A_119 : i1 to i32
    %sign3A_121 = arith.subi %sign3A_117, %sign3A_120 : i32
    %ne3A = arith.cmpi ne, %sign3A_114, %sign3A_121 : i32
    %rem3A = arith.remsi %select_n3A, %jit3A_108 : i32
    %ne3A_122 = arith.constant 0 : i32
    %ne3A_123 = arith.cmpi ne, %rem3A, %ne3A_122 : i32
    %and3A = arith.andi %ne3A, %ne3A_123 : i1
    %sub3A = arith.constant 1 : i32
    %sub3A_124 = arith.subi %div3A, %sub3A : i32
    %select_n3A_125 = arith.select %and3A, %sub3A_124, %div3A : i32
    %while3A = arith.constant 0 : i32
    %while3A_126 = arith.constant 1 : i32
    %while3A_127 = arith.subi %select_n3A_125, %while3A_126 : i32
    %while3A_128 = arith.addi %while3A_126, %while3A_127 : i32
    %while3A_129 = arith.constant 1 : i32
    %while3A_130 = arith.divsi %while3A_127, %while3A_129 : i32
    %while3A_131 = arith.muli %while3A_130, %while3A_129 : i32
    %while3A_132 = arith.addi %while3A_126, %while3A_131 : i32
    %while3A_133 = arith.constant 1 : i32
    scf.for %while3A_170 = %while3A_126 to %while3A_132 step %while3A_133  : i32 {
      %mul3A_171 = arith.constant 2 : i32
      %mul3A_172 = arith.muli %mul3A_171, %while3A_170 : i32
      %dma_wait3A_173 = arith.constant 0 : i32
      %dma_wait3A_174 = arith.constant 0 : i32
      %dma_wait3A_175 = arith.constant 0 : i32
      %dma_wait3A_176 = tpu.memref_slice %arg9[%dma_wait3A_173, %dma_wait3A_174, %dma_wait3A_175] : memref<2x96x128xf32, #tpu.memory_space<vmem>> -> memref<1x96x128xf32, #tpu.memory_space<vmem>>
      %dma_wait3A_177 = tpu.memref_squeeze %dma_wait3A_176 : memref<1x96x128xf32, #tpu.memory_space<vmem>> -> memref<96x128xf32, #tpu.memory_space<vmem>>
      %dma_wait3A_178 = arith.constant 0 : i32
      %dma_wait3A_179 = arith.constant 0 : i32
      %dma_wait3A_180 = tpu.memref_slice %arg2[%dma_wait3A_178, %dma_wait3A_179] : memref<10000x128xf32, #tpu.memory_space<hbm>> -> memref<96x128xf32, #tpu.memory_space<hbm>>
      %dma_wait3A_181 = arith.constant 0 : i32
      %dma_wait3A_182 = arith.constant 0 : i32
      %dma_wait3A_183 = tpu.memref_slice %arg9[%dma_wait3A_173, %dma_wait3A_181, %dma_wait3A_182] : memref<2x96x128xf32, #tpu.memory_space<vmem>> -> memref<1x96x128xf32, #tpu.memory_space<vmem>>
      %dma_wait3A_184 = tpu.memref_squeeze %dma_wait3A_183 : memref<1x96x128xf32, #tpu.memory_space<vmem>> -> memref<96x128xf32, #tpu.memory_space<vmem>>
      %dma_wait3A_185 = arith.constant 0 : i32
      %dma_wait3A_186 = arith.constant 0 : i32
      %dma_wait3A_187 = tpu.memref_slice %arg2[%dma_wait3A_185, %dma_wait3A_186] : memref<10000x128xf32, #tpu.memory_space<hbm>> -> memref<96x128xf32, #tpu.memory_space<hbm>>
      tpu.wait_dma2 semaphore(%arg11 : memref<!tpu.dma_semaphore, #tpu.memory_space<semaphore_mem>>) src(%dma_wait3A_187 : memref<96x128xf32, #tpu.memory_space<hbm>>) dst(%dma_wait3A_184 : memref<96x128xf32, #tpu.memory_space<vmem>>)
      %dma_wait3A_188 = arith.constant 1 : i32
      %dma_wait3A_189 = arith.constant 0 : i32
      %dma_wait3A_190 = arith.constant 0 : i32
      %dma_wait3A_191 = tpu.memref_slice %arg9[%dma_wait3A_188, %dma_wait3A_189, %dma_wait3A_190] : memref<2x96x128xf32, #tpu.memory_space<vmem>> -> memref<1x96x128xf32, #tpu.memory_space<vmem>>
      %dma_wait3A_192 = tpu.memref_squeeze %dma_wait3A_191 : memref<1x96x128xf32, #tpu.memory_space<vmem>> -> memref<96x128xf32, #tpu.memory_space<vmem>>
      %dma_wait3A_193 = arith.constant 0 : i32
      %dma_wait3A_194 = arith.constant 0 : i32
      %dma_wait3A_195 = tpu.memref_slice %arg2[%dma_wait3A_193, %dma_wait3A_194] : memref<10000x128xf32, #tpu.memory_space<hbm>> -> memref<96x128xf32, #tpu.memory_space<hbm>>
      %dma_wait3A_196 = arith.constant 0 : i32
      %dma_wait3A_197 = arith.constant 0 : i32
      %dma_wait3A_198 = tpu.memref_slice %arg9[%dma_wait3A_188, %dma_wait3A_196, %dma_wait3A_197] : memref<2x96x128xf32, #tpu.memory_space<vmem>> -> memref<1x96x128xf32, #tpu.memory_space<vmem>>
      %dma_wait3A_199 = tpu.memref_squeeze %dma_wait3A_198 : memref<1x96x128xf32, #tpu.memory_space<vmem>> -> memref<96x128xf32, #tpu.memory_space<vmem>>
      %dma_wait3A_200 = arith.constant 0 : i32
      %dma_wait3A_201 = arith.constant 0 : i32
      %dma_wait3A_202 = tpu.memref_slice %arg2[%dma_wait3A_200, %dma_wait3A_201] : memref<10000x128xf32, #tpu.memory_space<hbm>> -> memref<96x128xf32, #tpu.memory_space<hbm>>
      tpu.wait_dma2 semaphore(%arg14 : memref<!tpu.dma_semaphore, #tpu.memory_space<semaphore_mem>>) src(%dma_wait3A_202 : memref<96x128xf32, #tpu.memory_space<hbm>>) dst(%dma_wait3A_199 : memref<96x128xf32, #tpu.memory_space<vmem>>)
      %add3A_203 = arith.constant 1 : i32
      %add3A_204 = arith.addi %mul3A_172, %add3A_203 : i32
      %dma_start3A_205 = arith.constant 1 : i32
      %dma_start3A_206 = arith.constant 0 : i32
      %dma_start3A_207 = arith.constant 0 : i32
      %dma_start3A_208 = tpu.memref_slice %arg9[%dma_start3A_205, %dma_start3A_206, %dma_start3A_207] : memref<2x96x128xf32, #tpu.memory_space<vmem>> -> memref<1x96x128xf32, #tpu.memory_space<vmem>>
      %dma_start3A_209 = tpu.memref_squeeze %dma_start3A_208 : memref<1x96x128xf32, #tpu.memory_space<vmem>> -> memref<96x128xf32, #tpu.memory_space<vmem>>
      %dma_start3A_210 = arith.constant 0 : i32
      %dma_start3A_211 = tpu.memref_slice %arg7[%add3A_204, %dma_start3A_210] : memref<130x96xi32, #tpu.memory_space<vmem>> -> memref<1x96xi32, #tpu.memory_space<vmem>>
      %dma_start3A_212 = tpu.memref_squeeze %dma_start3A_211 : memref<1x96xi32, #tpu.memory_space<vmem>> -> memref<96xi32, #tpu.memory_space<vmem>>
      %dma_start3A_213 = arith.constant 0 : i32
      %dma_start3A_214 = arith.constant 0 : i32
      %dma_start3A_215 = tpu.memref_slice %arg2[%dma_start3A_213, %dma_start3A_214] : memref<10000x128xf32, #tpu.memory_space<hbm>> -> memref<10000x128xf32, #tpu.memory_space<hbm>>
      tpu.enqueue_indirect_dma source(%dma_start3A_215 : memref<10000x128xf32, #tpu.memory_space<hbm>>) target(%dma_start3A_209 : memref<96x128xf32, #tpu.memory_space<vmem>>) offsets(%dma_start3A_212 : memref<96xi32, #tpu.memory_space<vmem>>) semaphore(%arg12 : memref<!tpu.dma_semaphore, #tpu.memory_space<semaphore_mem>>)
      %dma_start3A_216 = arith.constant 0 : i32
      %dma_start3A_217 = arith.constant 0 : i32
      %dma_start3A_218 = arith.constant 0 : i32
      %dma_start3A_219 = tpu.memref_slice %arg9[%dma_start3A_216, %dma_start3A_217, %dma_start3A_218] : memref<2x96x128xf32, #tpu.memory_space<vmem>> -> memref<1x96x128xf32, #tpu.memory_space<vmem>>
      %dma_start3A_220 = tpu.memref_squeeze %dma_start3A_219 : memref<1x96x128xf32, #tpu.memory_space<vmem>> -> memref<96x128xf32, #tpu.memory_space<vmem>>
      %dma_start3A_221 = arith.constant 0 : i32
      %dma_start3A_222 = tpu.memref_slice %arg8[%mul3A_172, %dma_start3A_221] : memref<130x96xi32, #tpu.memory_space<vmem>> -> memref<1x96xi32, #tpu.memory_space<vmem>>
      %dma_start3A_223 = tpu.memref_squeeze %dma_start3A_222 : memref<1x96xi32, #tpu.memory_space<vmem>> -> memref<96xi32, #tpu.memory_space<vmem>>
      %dma_start3A_224 = arith.constant 0 : i32
      %dma_start3A_225 = arith.constant 0 : i32
      %dma_start3A_226 = tpu.memref_slice %arg10[%dma_start3A_224, %dma_start3A_225] : memref<10112x128xf32, #tpu.memory_space<vmem_shared>> -> memref<10112x128xf32, #tpu.memory_space<vmem_shared>>
      tpu.enqueue_indirect_dma source(%dma_start3A_220 : memref<96x128xf32, #tpu.memory_space<vmem>>) target(%dma_start3A_226 : memref<10112x128xf32, #tpu.memory_space<vmem_shared>>) offsets(%dma_start3A_223 : memref<96xi32, #tpu.memory_space<vmem>>) semaphore(%arg13 : memref<!tpu.dma_semaphore, #tpu.memory_space<semaphore_mem>>) {add = true}
      %dma_wait3A_227 = arith.constant 1 : i32
      %dma_wait3A_228 = arith.constant 0 : i32
      %dma_wait3A_229 = arith.constant 0 : i32
      %dma_wait3A_230 = tpu.memref_slice %arg9[%dma_wait3A_227, %dma_wait3A_228, %dma_wait3A_229] : memref<2x96x128xf32, #tpu.memory_space<vmem>> -> memref<1x96x128xf32, #tpu.memory_space<vmem>>
      %dma_wait3A_231 = tpu.memref_squeeze %dma_wait3A_230 : memref<1x96x128xf32, #tpu.memory_space<vmem>> -> memref<96x128xf32, #tpu.memory_space<vmem>>
      %dma_wait3A_232 = arith.constant 0 : i32
      %dma_wait3A_233 = arith.constant 0 : i32
      %dma_wait3A_234 = tpu.memref_slice %arg2[%dma_wait3A_232, %dma_wait3A_233] : memref<10000x128xf32, #tpu.memory_space<hbm>> -> memref<96x128xf32, #tpu.memory_space<hbm>>
      %dma_wait3A_235 = arith.constant 0 : i32
      %dma_wait3A_236 = arith.constant 0 : i32
      %dma_wait3A_237 = tpu.memref_slice %arg9[%dma_wait3A_227, %dma_wait3A_235, %dma_wait3A_236] : memref<2x96x128xf32, #tpu.memory_space<vmem>> -> memref<1x96x128xf32, #tpu.memory_space<vmem>>
      %dma_wait3A_238 = tpu.memref_squeeze %dma_wait3A_237 : memref<1x96x128xf32, #tpu.memory_space<vmem>> -> memref<96x128xf32, #tpu.memory_space<vmem>>
      %dma_wait3A_239 = arith.constant 0 : i32
      %dma_wait3A_240 = arith.constant 0 : i32
      %dma_wait3A_241 = tpu.memref_slice %arg2[%dma_wait3A_239, %dma_wait3A_240] : memref<10000x128xf32, #tpu.memory_space<hbm>> -> memref<96x128xf32, #tpu.memory_space<hbm>>
      tpu.wait_dma2 semaphore(%arg12 : memref<!tpu.dma_semaphore, #tpu.memory_space<semaphore_mem>>) src(%dma_wait3A_241 : memref<96x128xf32, #tpu.memory_space<hbm>>) dst(%dma_wait3A_238 : memref<96x128xf32, #tpu.memory_space<vmem>>)
      %dma_wait3A_242 = arith.constant 0 : i32
      %dma_wait3A_243 = arith.constant 0 : i32
      %dma_wait3A_244 = arith.constant 0 : i32
      %dma_wait3A_245 = tpu.memref_slice %arg9[%dma_wait3A_242, %dma_wait3A_243, %dma_wait3A_244] : memref<2x96x128xf32, #tpu.memory_space<vmem>> -> memref<1x96x128xf32, #tpu.memory_space<vmem>>
      %dma_wait3A_246 = tpu.memref_squeeze %dma_wait3A_245 : memref<1x96x128xf32, #tpu.memory_space<vmem>> -> memref<96x128xf32, #tpu.memory_space<vmem>>
      %dma_wait3A_247 = arith.constant 0 : i32
      %dma_wait3A_248 = arith.constant 0 : i32
      %dma_wait3A_249 = tpu.memref_slice %arg2[%dma_wait3A_247, %dma_wait3A_248] : memref<10000x128xf32, #tpu.memory_space<hbm>> -> memref<96x128xf32, #tpu.memory_space<hbm>>
      %dma_wait3A_250 = arith.constant 0 : i32
      %dma_wait3A_251 = arith.constant 0 : i32
      %dma_wait3A_252 = tpu.memref_slice %arg9[%dma_wait3A_242, %dma_wait3A_250, %dma_wait3A_251] : memref<2x96x128xf32, #tpu.memory_space<vmem>> -> memref<1x96x128xf32, #tpu.memory_space<vmem>>
      %dma_wait3A_253 = tpu.memref_squeeze %dma_wait3A_252 : memref<1x96x128xf32, #tpu.memory_space<vmem>> -> memref<96x128xf32, #tpu.memory_space<vmem>>
      %dma_wait3A_254 = arith.constant 0 : i32
      %dma_wait3A_255 = arith.constant 0 : i32
      %dma_wait3A_256 = tpu.memref_slice %arg2[%dma_wait3A_254, %dma_wait3A_255] : memref<10000x128xf32, #tpu.memory_space<hbm>> -> memref<96x128xf32, #tpu.memory_space<hbm>>
      tpu.wait_dma2 semaphore(%arg13 : memref<!tpu.dma_semaphore, #tpu.memory_space<semaphore_mem>>) src(%dma_wait3A_256 : memref<96x128xf32, #tpu.memory_space<hbm>>) dst(%dma_wait3A_253 : memref<96x128xf32, #tpu.memory_space<vmem>>)
      %add3A_257 = arith.constant 2 : i32
      %add3A_258 = arith.addi %mul3A_172, %add3A_257 : i32
      %sub3A_259 = arith.constant 1 : i32
      %sub3A_260 = arith.subi %select_n3A, %sub3A_259 : i32
      %min3A = arith.minsi %add3A_258, %sub3A_260 : i32
      %dma_start3A_261 = arith.constant 0 : i32
      %dma_start3A_262 = arith.constant 0 : i32
      %dma_start3A_263 = arith.constant 0 : i32
      %dma_start3A_264 = tpu.memref_slice %arg9[%dma_start3A_261, %dma_start3A_262, %dma_start3A_263] : memref<2x96x128xf32, #tpu.memory_space<vmem>> -> memref<1x96x128xf32, #tpu.memory_space<vmem>>
      %dma_start3A_265 = tpu.memref_squeeze %dma_start3A_264 : memref<1x96x128xf32, #tpu.memory_space<vmem>> -> memref<96x128xf32, #tpu.memory_space<vmem>>
      %dma_start3A_266 = arith.constant 0 : i32
      %dma_start3A_267 = tpu.memref_slice %arg7[%min3A, %dma_start3A_266] : memref<130x96xi32, #tpu.memory_space<vmem>> -> memref<1x96xi32, #tpu.memory_space<vmem>>
      %dma_start3A_268 = tpu.memref_squeeze %dma_start3A_267 : memref<1x96xi32, #tpu.memory_space<vmem>> -> memref<96xi32, #tpu.memory_space<vmem>>
      %dma_start3A_269 = arith.constant 0 : i32
      %dma_start3A_270 = arith.constant 0 : i32
      %dma_start3A_271 = tpu.memref_slice %arg2[%dma_start3A_269, %dma_start3A_270] : memref<10000x128xf32, #tpu.memory_space<hbm>> -> memref<10000x128xf32, #tpu.memory_space<hbm>>
      tpu.enqueue_indirect_dma source(%dma_start3A_271 : memref<10000x128xf32, #tpu.memory_space<hbm>>) target(%dma_start3A_265 : memref<96x128xf32, #tpu.memory_space<vmem>>) offsets(%dma_start3A_268 : memref<96xi32, #tpu.memory_space<vmem>>) semaphore(%arg11 : memref<!tpu.dma_semaphore, #tpu.memory_space<semaphore_mem>>)
      %add3A_272 = arith.constant 1 : i32
      %add3A_273 = arith.addi %mul3A_172, %add3A_272 : i32
      %dma_start3A_274 = arith.constant 1 : i32
      %dma_start3A_275 = arith.constant 0 : i32
      %dma_start3A_276 = arith.constant 0 : i32
      %dma_start3A_277 = tpu.memref_slice %arg9[%dma_start3A_274, %dma_start3A_275, %dma_start3A_276] : memref<2x96x128xf32, #tpu.memory_space<vmem>> -> memref<1x96x128xf32, #tpu.memory_space<vmem>>
      %dma_start3A_278 = tpu.memref_squeeze %dma_start3A_277 : memref<1x96x128xf32, #tpu.memory_space<vmem>> -> memref<96x128xf32, #tpu.memory_space<vmem>>
      %dma_start3A_279 = arith.constant 0 : i32
      %dma_start3A_280 = tpu.memref_slice %arg8[%add3A_273, %dma_start3A_279] : memref<130x96xi32, #tpu.memory_space<vmem>> -> memref<1x96xi32, #tpu.memory_space<vmem>>
      %dma_start3A_281 = tpu.memref_squeeze %dma_start3A_280 : memref<1x96xi32, #tpu.memory_space<vmem>> -> memref<96xi32, #tpu.memory_space<vmem>>
      %dma_start3A_282 = arith.constant 0 : i32
      %dma_start3A_283 = arith.constant 0 : i32
      %dma_start3A_284 = tpu.memref_slice %arg10[%dma_start3A_282, %dma_start3A_283] : memref<10112x128xf32, #tpu.memory_space<vmem_shared>> -> memref<10112x128xf32, #tpu.memory_space<vmem_shared>>
      tpu.enqueue_indirect_dma source(%dma_start3A_278 : memref<96x128xf32, #tpu.memory_space<vmem>>) target(%dma_start3A_284 : memref<10112x128xf32, #tpu.memory_space<vmem_shared>>) offsets(%dma_start3A_281 : memref<96xi32, #tpu.memory_space<vmem>>) semaphore(%arg14 : memref<!tpu.dma_semaphore, #tpu.memory_space<semaphore_mem>>) {add = true}
    }
    %while3A_134 = arith.constant 1 : i32
    scf.for %while3A_170 = %while3A_132 to %while3A_128 step %while3A_134  : i32 {
      %mul3A_171 = arith.constant 2 : i32
      %mul3A_172 = arith.muli %mul3A_171, %while3A_170 : i32
      %dma_wait3A_173 = arith.constant 0 : i32
      %dma_wait3A_174 = arith.constant 0 : i32
      %dma_wait3A_175 = arith.constant 0 : i32
      %dma_wait3A_176 = tpu.memref_slice %arg9[%dma_wait3A_173, %dma_wait3A_174, %dma_wait3A_175] : memref<2x96x128xf32, #tpu.memory_space<vmem>> -> memref<1x96x128xf32, #tpu.memory_space<vmem>>
      %dma_wait3A_177 = tpu.memref_squeeze %dma_wait3A_176 : memref<1x96x128xf32, #tpu.memory_space<vmem>> -> memref<96x128xf32, #tpu.memory_space<vmem>>
      %dma_wait3A_178 = arith.constant 0 : i32
      %dma_wait3A_179 = arith.constant 0 : i32
      %dma_wait3A_180 = tpu.memref_slice %arg2[%dma_wait3A_178, %dma_wait3A_179] : memref<10000x128xf32, #tpu.memory_space<hbm>> -> memref<96x128xf32, #tpu.memory_space<hbm>>
      %dma_wait3A_181 = arith.constant 0 : i32
      %dma_wait3A_182 = arith.constant 0 : i32
      %dma_wait3A_183 = tpu.memref_slice %arg9[%dma_wait3A_173, %dma_wait3A_181, %dma_wait3A_182] : memref<2x96x128xf32, #tpu.memory_space<vmem>> -> memref<1x96x128xf32, #tpu.memory_space<vmem>>
      %dma_wait3A_184 = tpu.memref_squeeze %dma_wait3A_183 : memref<1x96x128xf32, #tpu.memory_space<vmem>> -> memref<96x128xf32, #tpu.memory_space<vmem>>
      %dma_wait3A_185 = arith.constant 0 : i32
      %dma_wait3A_186 = arith.constant 0 : i32
      %dma_wait3A_187 = tpu.memref_slice %arg2[%dma_wait3A_185, %dma_wait3A_186] : memref<10000x128xf32, #tpu.memory_space<hbm>> -> memref<96x128xf32, #tpu.memory_space<hbm>>
      tpu.wait_dma2 semaphore(%arg11 : memref<!tpu.dma_semaphore, #tpu.memory_space<semaphore_mem>>) src(%dma_wait3A_187 : memref<96x128xf32, #tpu.memory_space<hbm>>) dst(%dma_wait3A_184 : memref<96x128xf32, #tpu.memory_space<vmem>>)
      %dma_wait3A_188 = arith.constant 1 : i32
      %dma_wait3A_189 = arith.constant 0 : i32
      %dma_wait3A_190 = arith.constant 0 : i32
      %dma_wait3A_191 = tpu.memref_slice %arg9[%dma_wait3A_188, %dma_wait3A_189, %dma_wait3A_190] : memref<2x96x128xf32, #tpu.memory_space<vmem>> -> memref<1x96x128xf32, #tpu.memory_space<vmem>>
      %dma_wait3A_192 = tpu.memref_squeeze %dma_wait3A_191 : memref<1x96x128xf32, #tpu.memory_space<vmem>> -> memref<96x128xf32, #tpu.memory_space<vmem>>
      %dma_wait3A_193 = arith.constant 0 : i32
      %dma_wait3A_194 = arith.constant 0 : i32
      %dma_wait3A_195 = tpu.memref_slice %arg2[%dma_wait3A_193, %dma_wait3A_194] : memref<10000x128xf32, #tpu.memory_space<hbm>> -> memref<96x128xf32, #tpu.memory_space<hbm>>
      %dma_wait3A_196 = arith.constant 0 : i32
      %dma_wait3A_197 = arith.constant 0 : i32
      %dma_wait3A_198 = tpu.memref_slice %arg9[%dma_wait3A_188, %dma_wait3A_196, %dma_wait3A_197] : memref<2x96x128xf32, #tpu.memory_space<vmem>> -> memref<1x96x128xf32, #tpu.memory_space<vmem>>
      %dma_wait3A_199 = tpu.memref_squeeze %dma_wait3A_198 : memref<1x96x128xf32, #tpu.memory_space<vmem>> -> memref<96x128xf32, #tpu.memory_space<vmem>>
      %dma_wait3A_200 = arith.constant 0 : i32
      %dma_wait3A_201 = arith.constant 0 : i32
      %dma_wait3A_202 = tpu.memref_slice %arg2[%dma_wait3A_200, %dma_wait3A_201] : memref<10000x128xf32, #tpu.memory_space<hbm>> -> memref<96x128xf32, #tpu.memory_space<hbm>>
      tpu.wait_dma2 semaphore(%arg14 : memref<!tpu.dma_semaphore, #tpu.memory_space<semaphore_mem>>) src(%dma_wait3A_202 : memref<96x128xf32, #tpu.memory_space<hbm>>) dst(%dma_wait3A_199 : memref<96x128xf32, #tpu.memory_space<vmem>>)
      %add3A_203 = arith.constant 1 : i32
      %add3A_204 = arith.addi %mul3A_172, %add3A_203 : i32
      %dma_start3A_205 = arith.constant 1 : i32
      %dma_start3A_206 = arith.constant 0 : i32
      %dma_start3A_207 = arith.constant 0 : i32
      %dma_start3A_208 = tpu.memref_slice %arg9[%dma_start3A_205, %dma_start3A_206, %dma_start3A_207] : memref<2x96x128xf32, #tpu.memory_space<vmem>> -> memref<1x96x128xf32, #tpu.memory_space<vmem>>
      %dma_start3A_209 = tpu.memref_squeeze %dma_start3A_208 : memref<1x96x128xf32, #tpu.memory_space<vmem>> -> memref<96x128xf32, #tpu.memory_space<vmem>>
      %dma_start3A_210 = arith.constant 0 : i32
      %dma_start3A_211 = tpu.memref_slice %arg7[%add3A_204, %dma_start3A_210] : memref<130x96xi32, #tpu.memory_space<vmem>> -> memref<1x96xi32, #tpu.memory_space<vmem>>
      %dma_start3A_212 = tpu.memref_squeeze %dma_start3A_211 : memref<1x96xi32, #tpu.memory_space<vmem>> -> memref<96xi32, #tpu.memory_space<vmem>>
      %dma_start3A_213 = arith.constant 0 : i32
      %dma_start3A_214 = arith.constant 0 : i32
      %dma_start3A_215 = tpu.memref_slice %arg2[%dma_start3A_213, %dma_start3A_214] : memref<10000x128xf32, #tpu.memory_space<hbm>> -> memref<10000x128xf32, #tpu.memory_space<hbm>>
      tpu.enqueue_indirect_dma source(%dma_start3A_215 : memref<10000x128xf32, #tpu.memory_space<hbm>>) target(%dma_start3A_209 : memref<96x128xf32, #tpu.memory_space<vmem>>) offsets(%dma_start3A_212 : memref<96xi32, #tpu.memory_space<vmem>>) semaphore(%arg12 : memref<!tpu.dma_semaphore, #tpu.memory_space<semaphore_mem>>)
      %dma_start3A_216 = arith.constant 0 : i32
      %dma_start3A_217 = arith.constant 0 : i32
      %dma_start3A_218 = arith.constant 0 : i32
      %dma_start3A_219 = tpu.memref_slice %arg9[%dma_start3A_216, %dma_start3A_217, %dma_start3A_218] : memref<2x96x128xf32, #tpu.memory_space<vmem>> -> memref<1x96x128xf32, #tpu.memory_space<vmem>>
      %dma_start3A_220 = tpu.memref_squeeze %dma_start3A_219 : memref<1x96x128xf32, #tpu.memory_space<vmem>> -> memref<96x128xf32, #tpu.memory_space<vmem>>
      %dma_start3A_221 = arith.constant 0 : i32
      %dma_start3A_222 = tpu.memref_slice %arg8[%mul3A_172, %dma_start3A_221] : memref<130x96xi32, #tpu.memory_space<vmem>> -> memref<1x96xi32, #tpu.memory_space<vmem>>
      %dma_start3A_223 = tpu.memref_squeeze %dma_start3A_222 : memref<1x96xi32, #tpu.memory_space<vmem>> -> memref<96xi32, #tpu.memory_space<vmem>>
      %dma_start3A_224 = arith.constant 0 : i32
      %dma_start3A_225 = arith.constant 0 : i32
      %dma_start3A_226 = tpu.memref_slice %arg10[%dma_start3A_224, %dma_start3A_225] : memref<10112x128xf32, #tpu.memory_space<vmem_shared>> -> memref<10112x128xf32, #tpu.memory_space<vmem_shared>>
      tpu.enqueue_indirect_dma source(%dma_start3A_220 : memref<96x128xf32, #tpu.memory_space<vmem>>) target(%dma_start3A_226 : memref<10112x128xf32, #tpu.memory_space<vmem_shared>>) offsets(%dma_start3A_223 : memref<96xi32, #tpu.memory_space<vmem>>) semaphore(%arg13 : memref<!tpu.dma_semaphore, #tpu.memory_space<semaphore_mem>>) {add = true}
      %dma_wait3A_227 = arith.constant 1 : i32
      %dma_wait3A_228 = arith.constant 0 : i32
      %dma_wait3A_229 = arith.constant 0 : i32
      %dma_wait3A_230 = tpu.memref_slice %arg9[%dma_wait3A_227, %dma_wait3A_228, %dma_wait3A_229] : memref<2x96x128xf32, #tpu.memory_space<vmem>> -> memref<1x96x128xf32, #tpu.memory_space<vmem>>
      %dma_wait3A_231 = tpu.memref_squeeze %dma_wait3A_230 : memref<1x96x128xf32, #tpu.memory_space<vmem>> -> memref<96x128xf32, #tpu.memory_space<vmem>>
      %dma_wait3A_232 = arith.constant 0 : i32
      %dma_wait3A_233 = arith.constant 0 : i32
      %dma_wait3A_234 = tpu.memref_slice %arg2[%dma_wait3A_232, %dma_wait3A_233] : memref<10000x128xf32, #tpu.memory_space<hbm>> -> memref<96x128xf32, #tpu.memory_space<hbm>>
      %dma_wait3A_235 = arith.constant 0 : i32
      %dma_wait3A_236 = arith.constant 0 : i32
      %dma_wait3A_237 = tpu.memref_slice %arg9[%dma_wait3A_227, %dma_wait3A_235, %dma_wait3A_236] : memref<2x96x128xf32, #tpu.memory_space<vmem>> -> memref<1x96x128xf32, #tpu.memory_space<vmem>>
      %dma_wait3A_238 = tpu.memref_squeeze %dma_wait3A_237 : memref<1x96x128xf32, #tpu.memory_space<vmem>> -> memref<96x128xf32, #tpu.memory_space<vmem>>
      %dma_wait3A_239 = arith.constant 0 : i32
      %dma_wait3A_240 = arith.constant 0 : i32
      %dma_wait3A_241 = tpu.memref_slice %arg2[%dma_wait3A_239, %dma_wait3A_240] : memref<10000x128xf32, #tpu.memory_space<hbm>> -> memref<96x128xf32, #tpu.memory_space<hbm>>
      tpu.wait_dma2 semaphore(%arg12 : memref<!tpu.dma_semaphore, #tpu.memory_space<semaphore_mem>>) src(%dma_wait3A_241 : memref<96x128xf32, #tpu.memory_space<hbm>>) dst(%dma_wait3A_238 : memref<96x128xf32, #tpu.memory_space<vmem>>)
      %dma_wait3A_242 = arith.constant 0 : i32
      %dma_wait3A_243 = arith.constant 0 : i32
      %dma_wait3A_244 = arith.constant 0 : i32
      %dma_wait3A_245 = tpu.memref_slice %arg9[%dma_wait3A_242, %dma_wait3A_243, %dma_wait3A_244] : memref<2x96x128xf32, #tpu.memory_space<vmem>> -> memref<1x96x128xf32, #tpu.memory_space<vmem>>
      %dma_wait3A_246 = tpu.memref_squeeze %dma_wait3A_245 : memref<1x96x128xf32, #tpu.memory_space<vmem>> -> memref<96x128xf32, #tpu.memory_space<vmem>>
      %dma_wait3A_247 = arith.constant 0 : i32
      %dma_wait3A_248 = arith.constant 0 : i32
      %dma_wait3A_249 = tpu.memref_slice %arg2[%dma_wait3A_247, %dma_wait3A_248] : memref<10000x128xf32, #tpu.memory_space<hbm>> -> memref<96x128xf32, #tpu.memory_space<hbm>>
      %dma_wait3A_250 = arith.constant 0 : i32
      %dma_wait3A_251 = arith.constant 0 : i32
      %dma_wait3A_252 = tpu.memref_slice %arg9[%dma_wait3A_242, %dma_wait3A_250, %dma_wait3A_251] : memref<2x96x128xf32, #tpu.memory_space<vmem>> -> memref<1x96x128xf32, #tpu.memory_space<vmem>>
      %dma_wait3A_253 = tpu.memref_squeeze %dma_wait3A_252 : memref<1x96x128xf32, #tpu.memory_space<vmem>> -> memref<96x128xf32, #tpu.memory_space<vmem>>
      %dma_wait3A_254 = arith.constant 0 : i32
      %dma_wait3A_255 = arith.constant 0 : i32
      %dma_wait3A_256 = tpu.memref_slice %arg2[%dma_wait3A_254, %dma_wait3A_255] : memref<10000x128xf32, #tpu.memory_space<hbm>> -> memref<96x128xf32, #tpu.memory_space<hbm>>
      tpu.wait_dma2 semaphore(%arg13 : memref<!tpu.dma_semaphore, #tpu.memory_space<semaphore_mem>>) src(%dma_wait3A_256 : memref<96x128xf32, #tpu.memory_space<hbm>>) dst(%dma_wait3A_253 : memref<96x128xf32, #tpu.memory_space<vmem>>)
      %add3A_257 = arith.constant 2 : i32
      %add3A_258 = arith.addi %mul3A_172, %add3A_257 : i32
      %sub3A_259 = arith.constant 1 : i32
      %sub3A_260 = arith.subi %select_n3A, %sub3A_259 : i32
      %min3A = arith.minsi %add3A_258, %sub3A_260 : i32
      %dma_start3A_261 = arith.constant 0 : i32
      %dma_start3A_262 = arith.constant 0 : i32
      %dma_start3A_263 = arith.constant 0 : i32
      %dma_start3A_264 = tpu.memref_slice %arg9[%dma_start3A_261, %dma_start3A_262, %dma_start3A_263] : memref<2x96x128xf32, #tpu.memory_space<vmem>> -> memref<1x96x128xf32, #tpu.memory_space<vmem>>
      %dma_start3A_265 = tpu.memref_squeeze %dma_start3A_264 : memref<1x96x128xf32, #tpu.memory_space<vmem>> -> memref<96x128xf32, #tpu.memory_space<vmem>>
      %dma_start3A_266 = arith.constant 0 : i32
      %dma_start3A_267 = tpu.memref_slice %arg7[%min3A, %dma_start3A_266] : memref<130x96xi32, #tpu.memory_space<vmem>> -> memref<1x96xi32, #tpu.memory_space<vmem>>
      %dma_start3A_268 = tpu.memref_squeeze %dma_start3A_267 : memref<1x96xi32, #tpu.memory_space<vmem>> -> memref<96xi32, #tpu.memory_space<vmem>>
      %dma_start3A_269 = arith.constant 0 : i32
      %dma_start3A_270 = arith.constant 0 : i32
      %dma_start3A_271 = tpu.memref_slice %arg2[%dma_start3A_269, %dma_start3A_270] : memref<10000x128xf32, #tpu.memory_space<hbm>> -> memref<10000x128xf32, #tpu.memory_space<hbm>>
      tpu.enqueue_indirect_dma source(%dma_start3A_271 : memref<10000x128xf32, #tpu.memory_space<hbm>>) target(%dma_start3A_265 : memref<96x128xf32, #tpu.memory_space<vmem>>) offsets(%dma_start3A_268 : memref<96xi32, #tpu.memory_space<vmem>>) semaphore(%arg11 : memref<!tpu.dma_semaphore, #tpu.memory_space<semaphore_mem>>)
      %add3A_272 = arith.constant 1 : i32
      %add3A_273 = arith.addi %mul3A_172, %add3A_272 : i32
      %dma_start3A_274 = arith.constant 1 : i32
      %dma_start3A_275 = arith.constant 0 : i32
      %dma_start3A_276 = arith.constant 0 : i32
      %dma_start3A_277 = tpu.memref_slice %arg9[%dma_start3A_274, %dma_start3A_275, %dma_start3A_276] : memref<2x96x128xf32, #tpu.memory_space<vmem>> -> memref<1x96x128xf32, #tpu.memory_space<vmem>>
      %dma_start3A_278 = tpu.memref_squeeze %dma_start3A_277 : memref<1x96x128xf32, #tpu.memory_space<vmem>> -> memref<96x128xf32, #tpu.memory_space<vmem>>
      %dma_start3A_279 = arith.constant 0 : i32
      %dma_start3A_280 = tpu.memref_slice %arg8[%add3A_273, %dma_start3A_279] : memref<130x96xi32, #tpu.memory_space<vmem>> -> memref<1x96xi32, #tpu.memory_space<vmem>>
      %dma_start3A_281 = tpu.memref_squeeze %dma_start3A_280 : memref<1x96xi32, #tpu.memory_space<vmem>> -> memref<96xi32, #tpu.memory_space<vmem>>
      %dma_start3A_282 = arith.constant 0 : i32
      %dma_start3A_283 = arith.constant 0 : i32
      %dma_start3A_284 = tpu.memref_slice %arg10[%dma_start3A_282, %dma_start3A_283] : memref<10112x128xf32, #tpu.memory_space<vmem_shared>> -> memref<10112x128xf32, #tpu.memory_space<vmem_shared>>
      tpu.enqueue_indirect_dma source(%dma_start3A_278 : memref<96x128xf32, #tpu.memory_space<vmem>>) target(%dma_start3A_284 : memref<10112x128xf32, #tpu.memory_space<vmem_shared>>) offsets(%dma_start3A_281 : memref<96xi32, #tpu.memory_space<vmem>>) semaphore(%arg14 : memref<!tpu.dma_semaphore, #tpu.memory_space<semaphore_mem>>) {add = true}
    }
    %dma_wait3A_135 = arith.constant 0 : i32
    %dma_wait3A_136 = arith.constant 0 : i32
    %dma_wait3A_137 = arith.constant 0 : i32
    %dma_wait3A_138 = tpu.memref_slice %arg9[%dma_wait3A_135, %dma_wait3A_136, %dma_wait3A_137] : memref<2x96x128xf32, #tpu.memory_space<vmem>> -> memref<1x96x128xf32, #tpu.memory_space<vmem>>
    %dma_wait3A_139 = tpu.memref_squeeze %dma_wait3A_138 : memref<1x96x128xf32, #tpu.memory_space<vmem>> -> memref<96x128xf32, #tpu.memory_space<vmem>>
    %dma_wait3A_140 = arith.constant 0 : i32
    %dma_wait3A_141 = arith.constant 0 : i32
    %dma_wait3A_142 = tpu.memref_slice %arg2[%dma_wait3A_140, %dma_wait3A_141] : memref<10000x128xf32, #tpu.memory_space<hbm>> -> memref<96x128xf32, #tpu.memory_space<hbm>>
    %dma_wait3A_143 = arith.constant 0 : i32
    %dma_wait3A_144 = arith.constant 0 : i32
    %dma_wait3A_145 = tpu.memref_slice %arg9[%dma_wait3A_135, %dma_wait3A_143, %dma_wait3A_144] : memref<2x96x128xf32, #tpu.memory_space<vmem>> -> memref<1x96x128xf32, #tpu.memory_space<vmem>>
    %dma_wait3A_146 = tpu.memref_squeeze %dma_wait3A_145 : memref<1x96x128xf32, #tpu.memory_space<vmem>> -> memref<96x128xf32, #tpu.memory_space<vmem>>
    %dma_wait3A_147 = arith.constant 0 : i32
    %dma_wait3A_148 = arith.constant 0 : i32
    %dma_wait3A_149 = tpu.memref_slice %arg2[%dma_wait3A_147, %dma_wait3A_148] : memref<10000x128xf32, #tpu.memory_space<hbm>> -> memref<96x128xf32, #tpu.memory_space<hbm>>
    tpu.wait_dma2 semaphore(%arg11 : memref<!tpu.dma_semaphore, #tpu.memory_space<semaphore_mem>>) src(%dma_wait3A_149 : memref<96x128xf32, #tpu.memory_space<hbm>>) dst(%dma_wait3A_146 : memref<96x128xf32, #tpu.memory_space<vmem>>)
    %dma_wait3A_150 = arith.constant 1 : i32
    %dma_wait3A_151 = arith.constant 0 : i32
    %dma_wait3A_152 = arith.constant 0 : i32
    %dma_wait3A_153 = tpu.memref_slice %arg9[%dma_wait3A_150, %dma_wait3A_151, %dma_wait3A_152] : memref<2x96x128xf32, #tpu.memory_space<vmem>> -> memref<1x96x128xf32, #tpu.memory_space<vmem>>
    %dma_wait3A_154 = tpu.memref_squeeze %dma_wait3A_153 : memref<1x96x128xf32, #tpu.memory_space<vmem>> -> memref<96x128xf32, #tpu.memory_space<vmem>>
    %dma_wait3A_155 = arith.constant 0 : i32
    %dma_wait3A_156 = arith.constant 0 : i32
    %dma_wait3A_157 = tpu.memref_slice %arg2[%dma_wait3A_155, %dma_wait3A_156] : memref<10000x128xf32, #tpu.memory_space<hbm>> -> memref<96x128xf32, #tpu.memory_space<hbm>>
    %dma_wait3A_158 = arith.constant 0 : i32
    %dma_wait3A_159 = arith.constant 0 : i32
    %dma_wait3A_160 = tpu.memref_slice %arg9[%dma_wait3A_150, %dma_wait3A_158, %dma_wait3A_159] : memref<2x96x128xf32, #tpu.memory_space<vmem>> -> memref<1x96x128xf32, #tpu.memory_space<vmem>>
    %dma_wait3A_161 = tpu.memref_squeeze %dma_wait3A_160 : memref<1x96x128xf32, #tpu.memory_space<vmem>> -> memref<96x128xf32, #tpu.memory_space<vmem>>
    %dma_wait3A_162 = arith.constant 0 : i32
    %dma_wait3A_163 = arith.constant 0 : i32
    %dma_wait3A_164 = tpu.memref_slice %arg2[%dma_wait3A_162, %dma_wait3A_163] : memref<10000x128xf32, #tpu.memory_space<hbm>> -> memref<96x128xf32, #tpu.memory_space<hbm>>
    tpu.wait_dma2 semaphore(%arg14 : memref<!tpu.dma_semaphore, #tpu.memory_space<semaphore_mem>>) src(%dma_wait3A_164 : memref<96x128xf32, #tpu.memory_space<hbm>>) dst(%dma_wait3A_161 : memref<96x128xf32, #tpu.memory_space<vmem>>)
    %barrier3A_165 = arith.constant 0 : index
    tpu.barrier barrier_id(%barrier3A_165)
    %mul3A_166 = arith.constant 632 : i32
    %mul3A_167 = arith.muli %arg1, %mul3A_166 : i32
    %mul3A_168 = arith.constant 632 : i32
    %mul3A_169 = arith.muli %arg1, %mul3A_168 : i32
    "tpu.region"() ({
      %run_scoped3A = tpu.sem_alloc : memref<!tpu.dma_semaphore, #tpu.memory_space<semaphore_mem>>
      %dma_start3A_170 = arith.constant 0 : i32
      %dma_start3A_171 = tpu.memref_slice %arg6[%arg0, %mul3A_169, %dma_start3A_170] : memref<2x10112x128xf32, #tpu.memory_space<hbm>> -> memref<1x632x128xf32, #tpu.memory_space<hbm>>
      %dma_start3A_172 = tpu.memref_squeeze %dma_start3A_171 : memref<1x632x128xf32, #tpu.memory_space<hbm>> -> memref<632x128xf32, #tpu.memory_space<hbm>>
      %dma_start3A_173 = arith.constant 0 : i32
      %dma_start3A_174 = tpu.memref_slice %arg10[%mul3A_167, %dma_start3A_173] : memref<10112x128xf32, #tpu.memory_space<vmem_shared>> -> memref<632x128xf32, #tpu.memory_space<vmem_shared>>
      tpu.enqueue_dma source(%dma_start3A_174 : memref<632x128xf32, #tpu.memory_space<vmem_shared>>) target(%dma_start3A_172 : memref<632x128xf32, #tpu.memory_space<hbm>>) target_semaphore(%run_scoped3A : memref<!tpu.dma_semaphore, #tpu.memory_space<semaphore_mem>>)
      %dma_wait3A_175 = arith.constant 0 : i32
      %dma_wait3A_176 = tpu.memref_slice %arg6[%arg0, %mul3A_169, %dma_wait3A_175] : memref<2x10112x128xf32, #tpu.memory_space<hbm>> -> memref<1x632x128xf32, #tpu.memory_space<hbm>>
      %dma_wait3A_177 = tpu.memref_squeeze %dma_wait3A_176 : memref<1x632x128xf32, #tpu.memory_space<hbm>> -> memref<632x128xf32, #tpu.memory_space<hbm>>
      %dma_wait3A_178 = arith.constant 0 : i32
      %dma_wait3A_179 = tpu.memref_slice %arg10[%mul3A_167, %dma_wait3A_178] : memref<10112x128xf32, #tpu.memory_space<vmem_shared>> -> memref<632x128xf32, #tpu.memory_space<vmem_shared>>
      tpu.wait_dma2 semaphore(%run_scoped3A : memref<!tpu.dma_semaphore, #tpu.memory_space<semaphore_mem>>) src(%dma_wait3A_179 : memref<632x128xf32, #tpu.memory_space<vmem_shared>>) dst(%dma_wait3A_177 : memref<632x128xf32, #tpu.memory_space<hbm>>)
      tpu.yield
    }) : () -> ()
    return
  }
}

#map = affine_map<(d0, d1) -> (0, 0)>
#map1 = affine_map<(d0, d1) -> (0, 0, 0)>
module attributes {stable_mosaic.version = 14 : i64} {
  func.func @agg_kernel(%arg0: i32, %arg1: i32, %arg2: memref<10000x128xf32, #tpu.memory_space<hbm>>, %arg3: memref<32x130x96xi32, #tpu.memory_space<hbm>>, %arg4: memref<32x130x96xi32, #tpu.memory_space<hbm>>, %arg5: memref<632x128xf32, #tpu.memory_space<hbm>>, %arg6: memref<2x10112x128xf32, #tpu.memory_space<hbm>>, %arg7: memref<130x96xi32, #tpu.memory_space<vmem>>, %arg8: memref<130x96xi32, #tpu.memory_space<vmem>>, %arg9: memref<2x96x128xf32, #tpu.memory_space<vmem>>, %arg10: memref<10112x128xf32, #tpu.memory_space<vmem_shared>>, %arg11: memref<!tpu.dma_semaphore, #tpu.memory_space<semaphore_mem>>, %arg12: memref<!tpu.dma_semaphore, #tpu.memory_space<semaphore_mem>>, %arg13: memref<!tpu.dma_semaphore, #tpu.memory_space<semaphore_mem>>, %arg14: memref<!tpu.dma_semaphore, #tpu.memory_space<semaphore_mem>>) attributes {dimension_semantics = [#tpu.dimension_semantics<core_parallel>, #tpu.dimension_semantics<subcore_parallel>], iteration_bounds = array<i64: 2, 16>, scalar_prefetch = 0 : i64, scratch_operands = 8 : i64, tpu.core_type = #tpu.core_type<sc_vector_subcore>, window_params = [{transform_indices = #map}, {transform_indices = #map1}, {transform_indices = #map1}, {transform_indices = #map}, {transform_indices = #map1}]} {
    %mul3A = arith.constant 16 : i32
    %mul3A_0 = arith.muli %arg0, %mul3A : i32
    %add3A = arith.addi %mul3A_0, %arg1 : i32
    %eq3A = arith.constant 0 : i32
    %eq3A_1 = arith.cmpi eq, %arg0, %eq3A : i32
    %jit3A = arith.constant 130 : i32
    %jit3A_2 = arith.constant 80 : i32
    %select_n3A = arith.select %eq3A_1, %jit3A, %jit3A_2 : i32
    %mul3A_3 = arith.constant 632 : i32
    %mul3A_4 = arith.muli %arg1, %mul3A_3 : i32
    "tpu.region"() ({
      %run_scoped3A = tpu.sem_alloc : memref<!tpu.dma_semaphore, #tpu.memory_space<semaphore_mem>>
      %dma_start3A_170 = arith.constant 0 : i32
      %dma_start3A_171 = tpu.memref_slice %arg10[%mul3A_4, %dma_start3A_170] : memref<10112x128xf32, #tpu.memory_space<vmem_shared>> -> memref<632x128xf32, #tpu.memory_space<vmem_shared>>
      tpu.enqueue_dma source(%arg5 : memref<632x128xf32, #tpu.memory_space<hbm>>) target(%dma_start3A_171 : memref<632x128xf32, #tpu.memory_space<vmem_shared>>) target_semaphore(%run_scoped3A : memref<!tpu.dma_semaphore, #tpu.memory_space<semaphore_mem>>)
      %dma_wait3A_172 = arith.constant 0 : i32
      %dma_wait3A_173 = tpu.memref_slice %arg10[%mul3A_4, %dma_wait3A_172] : memref<10112x128xf32, #tpu.memory_space<vmem_shared>> -> memref<632x128xf32, #tpu.memory_space<vmem_shared>>
      tpu.wait_dma2 semaphore(%run_scoped3A : memref<!tpu.dma_semaphore, #tpu.memory_space<semaphore_mem>>) src(%arg5 : memref<632x128xf32, #tpu.memory_space<hbm>>) dst(%dma_wait3A_173 : memref<632x128xf32, #tpu.memory_space<vmem_shared>>)
      tpu.yield
    }) : () -> ()
    "tpu.region"() ({
      %run_scoped3A = tpu.sem_alloc : memref<!tpu.dma_semaphore, #tpu.memory_space<semaphore_mem>>
      %dma_start3A_170 = arith.constant 0 : i32
      %dma_start3A_171 = arith.constant 0 : i32
      %dma_start3A_172 = tpu.memref_slice %arg3[%add3A, %dma_start3A_170, %dma_start3A_171] : memref<32x130x96xi32, #tpu.memory_space<hbm>> -> memref<1x130x96xi32, #tpu.memory_space<hbm>>
      %dma_start3A_173 = tpu.memref_squeeze %dma_start3A_172 : memref<1x130x96xi32, #tpu.memory_space<hbm>> -> memref<130x96xi32, #tpu.memory_space<hbm>>
      %dma_start3A_174 = arith.constant 0 : i32
      %dma_start3A_175 = arith.constant 0 : i32
      %dma_start3A_176 = tpu.memref_slice %arg3[%add3A, %dma_start3A_174, %dma_start3A_175] : memref<32x130x96xi32, #tpu.memory_space<hbm>> -> memref<1x130x96xi32, #tpu.memory_space<hbm>>
      %dma_start3A_177 = tpu.memref_squeeze %dma_start3A_176 : memref<1x130x96xi32, #tpu.memory_space<hbm>> -> memref<130x96xi32, #tpu.memory_space<hbm>>
      tpu.enqueue_dma source(%dma_start3A_177 : memref<130x96xi32, #tpu.memory_space<hbm>>) target(%arg7 : memref<130x96xi32, #tpu.memory_space<vmem>>) target_semaphore(%run_scoped3A : memref<!tpu.dma_semaphore, #tpu.memory_space<semaphore_mem>>)
      %dma_wait3A_178 = arith.constant 0 : i32
      %dma_wait3A_179 = arith.constant 0 : i32
      %dma_wait3A_180 = tpu.memref_slice %arg3[%add3A, %dma_wait3A_178, %dma_wait3A_179] : memref<32x130x96xi32, #tpu.memory_space<hbm>> -> memref<1x130x96xi32, #tpu.memory_space<hbm>>
      %dma_wait3A_181 = tpu.memref_squeeze %dma_wait3A_180 : memref<1x130x96xi32, #tpu.memory_space<hbm>> -> memref<130x96xi32, #tpu.memory_space<hbm>>
      %dma_wait3A_182 = arith.constant 0 : i32
      %dma_wait3A_183 = arith.constant 0 : i32
      %dma_wait3A_184 = tpu.memref_slice %arg3[%add3A, %dma_wait3A_182, %dma_wait3A_183] : memref<32x130x96xi32, #tpu.memory_space<hbm>> -> memref<1x130x96xi32, #tpu.memory_space<hbm>>
      %dma_wait3A_185 = tpu.memref_squeeze %dma_wait3A_184 : memref<1x130x96xi32, #tpu.memory_space<hbm>> -> memref<130x96xi32, #tpu.memory_space<hbm>>
      tpu.wait_dma2 semaphore(%run_scoped3A : memref<!tpu.dma_semaphore, #tpu.memory_space<semaphore_mem>>) src(%dma_wait3A_185 : memref<130x96xi32, #tpu.memory_space<hbm>>) dst(%arg7 : memref<130x96xi32, #tpu.memory_space<vmem>>)
      tpu.yield
    }) : () -> ()
    "tpu.region"() ({
      %run_scoped3A = tpu.sem_alloc : memref<!tpu.dma_semaphore, #tpu.memory_space<semaphore_mem>>
      %dma_start3A_170 = arith.constant 0 : i32
      %dma_start3A_171 = arith.constant 0 : i32
      %dma_start3A_172 = tpu.memref_slice %arg4[%add3A, %dma_start3A_170, %dma_start3A_171] : memref<32x130x96xi32, #tpu.memory_space<hbm>> -> memref<1x130x96xi32, #tpu.memory_space<hbm>>
      %dma_start3A_173 = tpu.memref_squeeze %dma_start3A_172 : memref<1x130x96xi32, #tpu.memory_space<hbm>> -> memref<130x96xi32, #tpu.memory_space<hbm>>
      %dma_start3A_174 = arith.constant 0 : i32
      %dma_start3A_175 = arith.constant 0 : i32
      %dma_start3A_176 = tpu.memref_slice %arg4[%add3A, %dma_start3A_174, %dma_start3A_175] : memref<32x130x96xi32, #tpu.memory_space<hbm>> -> memref<1x130x96xi32, #tpu.memory_space<hbm>>
      %dma_start3A_177 = tpu.memref_squeeze %dma_start3A_176 : memref<1x130x96xi32, #tpu.memory_space<hbm>> -> memref<130x96xi32, #tpu.memory_space<hbm>>
      tpu.enqueue_dma source(%dma_start3A_177 : memref<130x96xi32, #tpu.memory_space<hbm>>) target(%arg8 : memref<130x96xi32, #tpu.memory_space<vmem>>) target_semaphore(%run_scoped3A : memref<!tpu.dma_semaphore, #tpu.memory_space<semaphore_mem>>)
      %dma_wait3A_178 = arith.constant 0 : i32
      %dma_wait3A_179 = arith.constant 0 : i32
      %dma_wait3A_180 = tpu.memref_slice %arg4[%add3A, %dma_wait3A_178, %dma_wait3A_179] : memref<32x130x96xi32, #tpu.memory_space<hbm>> -> memref<1x130x96xi32, #tpu.memory_space<hbm>>
      %dma_wait3A_181 = tpu.memref_squeeze %dma_wait3A_180 : memref<1x130x96xi32, #tpu.memory_space<hbm>> -> memref<130x96xi32, #tpu.memory_space<hbm>>
      %dma_wait3A_182 = arith.constant 0 : i32
      %dma_wait3A_183 = arith.constant 0 : i32
      %dma_wait3A_184 = tpu.memref_slice %arg4[%add3A, %dma_wait3A_182, %dma_wait3A_183] : memref<32x130x96xi32, #tpu.memory_space<hbm>> -> memref<1x130x96xi32, #tpu.memory_space<hbm>>
      %dma_wait3A_185 = tpu.memref_squeeze %dma_wait3A_184 : memref<1x130x96xi32, #tpu.memory_space<hbm>> -> memref<130x96xi32, #tpu.memory_space<hbm>>
      tpu.wait_dma2 semaphore(%run_scoped3A : memref<!tpu.dma_semaphore, #tpu.memory_space<semaphore_mem>>) src(%dma_wait3A_185 : memref<130x96xi32, #tpu.memory_space<hbm>>) dst(%arg8 : memref<130x96xi32, #tpu.memory_space<vmem>>)
      tpu.yield
    }) : () -> ()
    %barrier3A = arith.constant 0 : index
    tpu.barrier barrier_id(%barrier3A)
    %dma_start3A = arith.constant 0 : i32
    %dma_start3A_5 = arith.constant 0 : i32
    %dma_start3A_6 = arith.constant 0 : i32
    %dma_start3A_7 = arith.constant 0 : i32
    %dma_start3A_8 = tpu.memref_slice %arg9[%dma_start3A_5, %dma_start3A_6, %dma_start3A_7] : memref<2x96x128xf32, #tpu.memory_space<vmem>> -> memref<1x96x128xf32, #tpu.memory_space<vmem>>
    %dma_start3A_9 = tpu.memref_squeeze %dma_start3A_8 : memref<1x96x128xf32, #tpu.memory_space<vmem>> -> memref<96x128xf32, #tpu.memory_space<vmem>>
    %dma_start3A_10 = arith.constant 0 : i32
    %dma_start3A_11 = tpu.memref_slice %arg7[%dma_start3A, %dma_start3A_10] : memref<130x96xi32, #tpu.memory_space<vmem>> -> memref<1x96xi32, #tpu.memory_space<vmem>>
    %dma_start3A_12 = tpu.memref_squeeze %dma_start3A_11 : memref<1x96xi32, #tpu.memory_space<vmem>> -> memref<96xi32, #tpu.memory_space<vmem>>
    %dma_start3A_13 = arith.constant 0 : i32
    %dma_start3A_14 = arith.constant 0 : i32
    %dma_start3A_15 = tpu.memref_slice %arg2[%dma_start3A_13, %dma_start3A_14] : memref<10000x128xf32, #tpu.memory_space<hbm>> -> memref<10000x128xf32, #tpu.memory_space<hbm>>
    tpu.enqueue_indirect_dma source(%dma_start3A_15 : memref<10000x128xf32, #tpu.memory_space<hbm>>) target(%dma_start3A_9 : memref<96x128xf32, #tpu.memory_space<vmem>>) offsets(%dma_start3A_12 : memref<96xi32, #tpu.memory_space<vmem>>) semaphore(%arg11 : memref<!tpu.dma_semaphore, #tpu.memory_space<semaphore_mem>>)
    %dma_wait3A = arith.constant 0 : i32
    %dma_wait3A_16 = arith.constant 0 : i32
    %dma_wait3A_17 = arith.constant 0 : i32
    %dma_wait3A_18 = tpu.memref_slice %arg9[%dma_wait3A, %dma_wait3A_16, %dma_wait3A_17] : memref<2x96x128xf32, #tpu.memory_space<vmem>> -> memref<1x96x128xf32, #tpu.memory_space<vmem>>
    %dma_wait3A_19 = tpu.memref_squeeze %dma_wait3A_18 : memref<1x96x128xf32, #tpu.memory_space<vmem>> -> memref<96x128xf32, #tpu.memory_space<vmem>>
    %dma_wait3A_20 = arith.constant 0 : i32
    %dma_wait3A_21 = arith.constant 0 : i32
    %dma_wait3A_22 = tpu.memref_slice %arg2[%dma_wait3A_20, %dma_wait3A_21] : memref<10000x128xf32, #tpu.memory_space<hbm>> -> memref<96x128xf32, #tpu.memory_space<hbm>>
    %dma_wait3A_23 = arith.constant 0 : i32
    %dma_wait3A_24 = arith.constant 0 : i32
    %dma_wait3A_25 = tpu.memref_slice %arg9[%dma_wait3A, %dma_wait3A_23, %dma_wait3A_24] : memref<2x96x128xf32, #tpu.memory_space<vmem>> -> memref<1x96x128xf32, #tpu.memory_space<vmem>>
    %dma_wait3A_26 = tpu.memref_squeeze %dma_wait3A_25 : memref<1x96x128xf32, #tpu.memory_space<vmem>> -> memref<96x128xf32, #tpu.memory_space<vmem>>
    %dma_wait3A_27 = arith.constant 0 : i32
    %dma_wait3A_28 = arith.constant 0 : i32
    %dma_wait3A_29 = tpu.memref_slice %arg2[%dma_wait3A_27, %dma_wait3A_28] : memref<10000x128xf32, #tpu.memory_space<hbm>> -> memref<96x128xf32, #tpu.memory_space<hbm>>
    tpu.wait_dma2 semaphore(%arg11 : memref<!tpu.dma_semaphore, #tpu.memory_space<semaphore_mem>>) src(%dma_wait3A_29 : memref<96x128xf32, #tpu.memory_space<hbm>>) dst(%dma_wait3A_26 : memref<96x128xf32, #tpu.memory_space<vmem>>)
    %dma_start3A_30 = arith.constant 1 : i32
    %dma_start3A_31 = arith.constant 1 : i32
    %dma_start3A_32 = arith.constant 0 : i32
    %dma_start3A_33 = arith.constant 0 : i32
    %dma_start3A_34 = tpu.memref_slice %arg9[%dma_start3A_31, %dma_start3A_32, %dma_start3A_33] : memref<2x96x128xf32, #tpu.memory_space<vmem>> -> memref<1x96x128xf32, #tpu.memory_space<vmem>>
    %dma_start3A_35 = tpu.memref_squeeze %dma_start3A_34 : memref<1x96x128xf32, #tpu.memory_space<vmem>> -> memref<96x128xf32, #tpu.memory_space<vmem>>
    %dma_start3A_36 = arith.constant 0 : i32
    %dma_start3A_37 = tpu.memref_slice %arg7[%dma_start3A_30, %dma_start3A_36] : memref<130x96xi32, #tpu.memory_space<vmem>> -> memref<1x96xi32, #tpu.memory_space<vmem>>
    %dma_start3A_38 = tpu.memref_squeeze %dma_start3A_37 : memref<1x96xi32, #tpu.memory_space<vmem>> -> memref<96xi32, #tpu.memory_space<vmem>>
    %dma_start3A_39 = arith.constant 0 : i32
    %dma_start3A_40 = arith.constant 0 : i32
    %dma_start3A_41 = tpu.memref_slice %arg2[%dma_start3A_39, %dma_start3A_40] : memref<10000x128xf32, #tpu.memory_space<hbm>> -> memref<10000x128xf32, #tpu.memory_space<hbm>>
    tpu.enqueue_indirect_dma source(%dma_start3A_41 : memref<10000x128xf32, #tpu.memory_space<hbm>>) target(%dma_start3A_35 : memref<96x128xf32, #tpu.memory_space<vmem>>) offsets(%dma_start3A_38 : memref<96xi32, #tpu.memory_space<vmem>>) semaphore(%arg12 : memref<!tpu.dma_semaphore, #tpu.memory_space<semaphore_mem>>)
    %dma_start3A_42 = arith.constant 0 : i32
    %dma_start3A_43 = arith.constant 0 : i32
    %dma_start3A_44 = arith.constant 0 : i32
    %dma_start3A_45 = arith.constant 0 : i32
    %dma_start3A_46 = tpu.memref_slice %arg9[%dma_start3A_42, %dma_start3A_44, %dma_start3A_45] : memref<2x96x128xf32, #tpu.memory_space<vmem>> -> memref<1x96x128xf32, #tpu.memory_space<vmem>>
    %dma_start3A_47 = tpu.memref_squeeze %dma_start3A_46 : memref<1x96x128xf32, #tpu.memory_space<vmem>> -> memref<96x128xf32, #tpu.memory_space<vmem>>
    %dma_start3A_48 = arith.constant 0 : i32
    %dma_start3A_49 = tpu.memref_slice %arg8[%dma_start3A_43, %dma_start3A_48] : memref<130x96xi32, #tpu.memory_space<vmem>> -> memref<1x96xi32, #tpu.memory_space<vmem>>
    %dma_start3A_50 = tpu.memref_squeeze %dma_start3A_49 : memref<1x96xi32, #tpu.memory_space<vmem>> -> memref<96xi32, #tpu.memory_space<vmem>>
    %dma_start3A_51 = arith.constant 0 : i32
    %dma_start3A_52 = arith.constant 0 : i32
    %dma_start3A_53 = tpu.memref_slice %arg10[%dma_start3A_51, %dma_start3A_52] : memref<10112x128xf32, #tpu.memory_space<vmem_shared>> -> memref<10112x128xf32, #tpu.memory_space<vmem_shared>>
    tpu.enqueue_indirect_dma source(%dma_start3A_47 : memref<96x128xf32, #tpu.memory_space<vmem>>) target(%dma_start3A_53 : memref<10112x128xf32, #tpu.memory_space<vmem_shared>>) offsets(%dma_start3A_50 : memref<96xi32, #tpu.memory_space<vmem>>) semaphore(%arg13 : memref<!tpu.dma_semaphore, #tpu.memory_space<semaphore_mem>>) {add = true}
    %dma_wait3A_54 = arith.constant 1 : i32
    %dma_wait3A_55 = arith.constant 0 : i32
    %dma_wait3A_56 = arith.constant 0 : i32
    %dma_wait3A_57 = tpu.memref_slice %arg9[%dma_wait3A_54, %dma_wait3A_55, %dma_wait3A_56] : memref<2x96x128xf32, #tpu.memory_space<vmem>> -> memref<1x96x128xf32, #tpu.memory_space<vmem>>
    %dma_wait3A_58 = tpu.memref_squeeze %dma_wait3A_57 : memref<1x96x128xf32, #tpu.memory_space<vmem>> -> memref<96x128xf32, #tpu.memory_space<vmem>>
    %dma_wait3A_59 = arith.constant 0 : i32
    %dma_wait3A_60 = arith.constant 0 : i32
    %dma_wait3A_61 = tpu.memref_slice %arg2[%dma_wait3A_59, %dma_wait3A_60] : memref<10000x128xf32, #tpu.memory_space<hbm>> -> memref<96x128xf32, #tpu.memory_space<hbm>>
    %dma_wait3A_62 = arith.constant 0 : i32
    %dma_wait3A_63 = arith.constant 0 : i32
    %dma_wait3A_64 = tpu.memref_slice %arg9[%dma_wait3A_54, %dma_wait3A_62, %dma_wait3A_63] : memref<2x96x128xf32, #tpu.memory_space<vmem>> -> memref<1x96x128xf32, #tpu.memory_space<vmem>>
    %dma_wait3A_65 = tpu.memref_squeeze %dma_wait3A_64 : memref<1x96x128xf32, #tpu.memory_space<vmem>> -> memref<96x128xf32, #tpu.memory_space<vmem>>
    %dma_wait3A_66 = arith.constant 0 : i32
    %dma_wait3A_67 = arith.constant 0 : i32
    %dma_wait3A_68 = tpu.memref_slice %arg2[%dma_wait3A_66, %dma_wait3A_67] : memref<10000x128xf32, #tpu.memory_space<hbm>> -> memref<96x128xf32, #tpu.memory_space<hbm>>
    tpu.wait_dma2 semaphore(%arg12 : memref<!tpu.dma_semaphore, #tpu.memory_space<semaphore_mem>>) src(%dma_wait3A_68 : memref<96x128xf32, #tpu.memory_space<hbm>>) dst(%dma_wait3A_65 : memref<96x128xf32, #tpu.memory_space<vmem>>)
    %dma_wait3A_69 = arith.constant 0 : i32
    %dma_wait3A_70 = arith.constant 0 : i32
    %dma_wait3A_71 = arith.constant 0 : i32
    %dma_wait3A_72 = tpu.memref_slice %arg9[%dma_wait3A_69, %dma_wait3A_70, %dma_wait3A_71] : memref<2x96x128xf32, #tpu.memory_space<vmem>> -> memref<1x96x128xf32, #tpu.memory_space<vmem>>
    %dma_wait3A_73 = tpu.memref_squeeze %dma_wait3A_72 : memref<1x96x128xf32, #tpu.memory_space<vmem>> -> memref<96x128xf32, #tpu.memory_space<vmem>>
    %dma_wait3A_74 = arith.constant 0 : i32
    %dma_wait3A_75 = arith.constant 0 : i32
    %dma_wait3A_76 = tpu.memref_slice %arg2[%dma_wait3A_74, %dma_wait3A_75] : memref<10000x128xf32, #tpu.memory_space<hbm>> -> memref<96x128xf32, #tpu.memory_space<hbm>>
    %dma_wait3A_77 = arith.constant 0 : i32
    %dma_wait3A_78 = arith.constant 0 : i32
    %dma_wait3A_79 = tpu.memref_slice %arg9[%dma_wait3A_69, %dma_wait3A_77, %dma_wait3A_78] : memref<2x96x128xf32, #tpu.memory_space<vmem>> -> memref<1x96x128xf32, #tpu.memory_space<vmem>>
    %dma_wait3A_80 = tpu.memref_squeeze %dma_wait3A_79 : memref<1x96x128xf32, #tpu.memory_space<vmem>> -> memref<96x128xf32, #tpu.memory_space<vmem>>
    %dma_wait3A_81 = arith.constant 0 : i32
    %dma_wait3A_82 = arith.constant 0 : i32
    %dma_wait3A_83 = tpu.memref_slice %arg2[%dma_wait3A_81, %dma_wait3A_82] : memref<10000x128xf32, #tpu.memory_space<hbm>> -> memref<96x128xf32, #tpu.memory_space<hbm>>
    tpu.wait_dma2 semaphore(%arg13 : memref<!tpu.dma_semaphore, #tpu.memory_space<semaphore_mem>>) src(%dma_wait3A_83 : memref<96x128xf32, #tpu.memory_space<hbm>>) dst(%dma_wait3A_80 : memref<96x128xf32, #tpu.memory_space<vmem>>)
    %dma_start3A_84 = arith.constant 2 : i32
    %dma_start3A_85 = arith.constant 0 : i32
    %dma_start3A_86 = arith.constant 0 : i32
    %dma_start3A_87 = arith.constant 0 : i32
    %dma_start3A_88 = tpu.memref_slice %arg9[%dma_start3A_85, %dma_start3A_86, %dma_start3A_87] : memref<2x96x128xf32, #tpu.memory_space<vmem>> -> memref<1x96x128xf32, #tpu.memory_space<vmem>>
    %dma_start3A_89 = tpu.memref_squeeze %dma_start3A_88 : memref<1x96x128xf32, #tpu.memory_space<vmem>> -> memref<96x128xf32, #tpu.memory_space<vmem>>
    %dma_start3A_90 = arith.constant 0 : i32
    %dma_start3A_91 = tpu.memref_slice %arg7[%dma_start3A_84, %dma_start3A_90] : memref<130x96xi32, #tpu.memory_space<vmem>> -> memref<1x96xi32, #tpu.memory_space<vmem>>
    %dma_start3A_92 = tpu.memref_squeeze %dma_start3A_91 : memref<1x96xi32, #tpu.memory_space<vmem>> -> memref<96xi32, #tpu.memory_space<vmem>>
    %dma_start3A_93 = arith.constant 0 : i32
    %dma_start3A_94 = arith.constant 0 : i32
    %dma_start3A_95 = tpu.memref_slice %arg2[%dma_start3A_93, %dma_start3A_94] : memref<10000x128xf32, #tpu.memory_space<hbm>> -> memref<10000x128xf32, #tpu.memory_space<hbm>>
    tpu.enqueue_indirect_dma source(%dma_start3A_95 : memref<10000x128xf32, #tpu.memory_space<hbm>>) target(%dma_start3A_89 : memref<96x128xf32, #tpu.memory_space<vmem>>) offsets(%dma_start3A_92 : memref<96xi32, #tpu.memory_space<vmem>>) semaphore(%arg11 : memref<!tpu.dma_semaphore, #tpu.memory_space<semaphore_mem>>)
    %dma_start3A_96 = arith.constant 1 : i32
    %dma_start3A_97 = arith.constant 1 : i32
    %dma_start3A_98 = arith.constant 0 : i32
    %dma_start3A_99 = arith.constant 0 : i32
    %dma_start3A_100 = tpu.memref_slice %arg9[%dma_start3A_96, %dma_start3A_98, %dma_start3A_99] : memref<2x96x128xf32, #tpu.memory_space<vmem>> -> memref<1x96x128xf32, #tpu.memory_space<vmem>>
    %dma_start3A_101 = tpu.memref_squeeze %dma_start3A_100 : memref<1x96x128xf32, #tpu.memory_space<vmem>> -> memref<96x128xf32, #tpu.memory_space<vmem>>
    %dma_start3A_102 = arith.constant 0 : i32
    %dma_start3A_103 = tpu.memref_slice %arg8[%dma_start3A_97, %dma_start3A_102] : memref<130x96xi32, #tpu.memory_space<vmem>> -> memref<1x96xi32, #tpu.memory_space<vmem>>
    %dma_start3A_104 = tpu.memref_squeeze %dma_start3A_103 : memref<1x96xi32, #tpu.memory_space<vmem>> -> memref<96xi32, #tpu.memory_space<vmem>>
    %dma_start3A_105 = arith.constant 0 : i32
    %dma_start3A_106 = arith.constant 0 : i32
    %dma_start3A_107 = tpu.memref_slice %arg10[%dma_start3A_105, %dma_start3A_106] : memref<10112x128xf32, #tpu.memory_space<vmem_shared>> -> memref<10112x128xf32, #tpu.memory_space<vmem_shared>>
    tpu.enqueue_indirect_dma source(%dma_start3A_101 : memref<96x128xf32, #tpu.memory_space<vmem>>) target(%dma_start3A_107 : memref<10112x128xf32, #tpu.memory_space<vmem_shared>>) offsets(%dma_start3A_104 : memref<96xi32, #tpu.memory_space<vmem>>) semaphore(%arg14 : memref<!tpu.dma_semaphore, #tpu.memory_space<semaphore_mem>>) {add = true}
    %jit3A_108 = arith.constant 2 : i32
    %div3A = arith.divsi %select_n3A, %jit3A_108 : i32
    %sign3A = arith.constant 0 : i32
    %sign3A_109 = arith.cmpi sgt, %select_n3A, %sign3A : i32
    %sign3A_110 = arith.extui %sign3A_109 : i1 to i32
    %sign3A_111 = arith.constant 0 : i32
    %sign3A_112 = arith.cmpi slt, %select_n3A, %sign3A_111 : i32
    %sign3A_113 = arith.extui %sign3A_112 : i1 to i32
    %sign3A_114 = arith.subi %sign3A_110, %sign3A_113 : i32
    %sign3A_115 = arith.constant 0 : i32
    %sign3A_116 = arith.cmpi sgt, %jit3A_108, %sign3A_115 : i32
    %sign3A_117 = arith.extui %sign3A_116 : i1 to i32
    %sign3A_118 = arith.constant 0 : i32
    %sign3A_119 = arith.cmpi slt, %jit3A_108, %sign3A_118 : i32
    %sign3A_120 = arith.extui %sign3A_119 : i1 to i32
    %sign3A_121 = arith.subi %sign3A_117, %sign3A_120 : i32
    %ne3A = arith.cmpi ne, %sign3A_114, %sign3A_121 : i32
    %rem3A = arith.remsi %select_n3A, %jit3A_108 : i32
    %ne3A_122 = arith.constant 0 : i32
    %ne3A_123 = arith.cmpi ne, %rem3A, %ne3A_122 : i32
    %and3A = arith.andi %ne3A, %ne3A_123 : i1
    %sub3A = arith.constant 1 : i32
    %sub3A_124 = arith.subi %div3A, %sub3A : i32
    %select_n3A_125 = arith.select %and3A, %sub3A_124, %div3A : i32
    %while3A = arith.constant 0 : i32
    %while3A_126 = arith.constant 1 : i32
    %while3A_127 = arith.subi %select_n3A_125, %while3A_126 : i32
    %while3A_128 = arith.addi %while3A_126, %while3A_127 : i32
    %while3A_129 = arith.constant 1 : i32
    %while3A_130 = arith.divsi %while3A_127, %while3A_129 : i32
    %while3A_131 = arith.muli %while3A_130, %while3A_129 : i32
    %while3A_132 = arith.addi %while3A_126, %while3A_131 : i32
    %while3A_133 = arith.constant 1 : i32
    scf.for %while3A_170 = %while3A_126 to %while3A_132 step %while3A_133  : i32 {
      %mul3A_171 = arith.constant 2 : i32
      %mul3A_172 = arith.muli %mul3A_171, %while3A_170 : i32
      %dma_wait3A_173 = arith.constant 0 : i32
      %dma_wait3A_174 = arith.constant 0 : i32
      %dma_wait3A_175 = arith.constant 0 : i32
      %dma_wait3A_176 = tpu.memref_slice %arg9[%dma_wait3A_173, %dma_wait3A_174, %dma_wait3A_175] : memref<2x96x128xf32, #tpu.memory_space<vmem>> -> memref<1x96x128xf32, #tpu.memory_space<vmem>>
      %dma_wait3A_177 = tpu.memref_squeeze %dma_wait3A_176 : memref<1x96x128xf32, #tpu.memory_space<vmem>> -> memref<96x128xf32, #tpu.memory_space<vmem>>
      %dma_wait3A_178 = arith.constant 0 : i32
      %dma_wait3A_179 = arith.constant 0 : i32
      %dma_wait3A_180 = tpu.memref_slice %arg2[%dma_wait3A_178, %dma_wait3A_179] : memref<10000x128xf32, #tpu.memory_space<hbm>> -> memref<96x128xf32, #tpu.memory_space<hbm>>
      %dma_wait3A_181 = arith.constant 0 : i32
      %dma_wait3A_182 = arith.constant 0 : i32
      %dma_wait3A_183 = tpu.memref_slice %arg9[%dma_wait3A_173, %dma_wait3A_181, %dma_wait3A_182] : memref<2x96x128xf32, #tpu.memory_space<vmem>> -> memref<1x96x128xf32, #tpu.memory_space<vmem>>
      %dma_wait3A_184 = tpu.memref_squeeze %dma_wait3A_183 : memref<1x96x128xf32, #tpu.memory_space<vmem>> -> memref<96x128xf32, #tpu.memory_space<vmem>>
      %dma_wait3A_185 = arith.constant 0 : i32
      %dma_wait3A_186 = arith.constant 0 : i32
      %dma_wait3A_187 = tpu.memref_slice %arg2[%dma_wait3A_185, %dma_wait3A_186] : memref<10000x128xf32, #tpu.memory_space<hbm>> -> memref<96x128xf32, #tpu.memory_space<hbm>>
      tpu.wait_dma2 semaphore(%arg11 : memref<!tpu.dma_semaphore, #tpu.memory_space<semaphore_mem>>) src(%dma_wait3A_187 : memref<96x128xf32, #tpu.memory_space<hbm>>) dst(%dma_wait3A_184 : memref<96x128xf32, #tpu.memory_space<vmem>>)
      %dma_wait3A_188 = arith.constant 1 : i32
      %dma_wait3A_189 = arith.constant 0 : i32
      %dma_wait3A_190 = arith.constant 0 : i32
      %dma_wait3A_191 = tpu.memref_slice %arg9[%dma_wait3A_188, %dma_wait3A_189, %dma_wait3A_190] : memref<2x96x128xf32, #tpu.memory_space<vmem>> -> memref<1x96x128xf32, #tpu.memory_space<vmem>>
      %dma_wait3A_192 = tpu.memref_squeeze %dma_wait3A_191 : memref<1x96x128xf32, #tpu.memory_space<vmem>> -> memref<96x128xf32, #tpu.memory_space<vmem>>
      %dma_wait3A_193 = arith.constant 0 : i32
      %dma_wait3A_194 = arith.constant 0 : i32
      %dma_wait3A_195 = tpu.memref_slice %arg2[%dma_wait3A_193, %dma_wait3A_194] : memref<10000x128xf32, #tpu.memory_space<hbm>> -> memref<96x128xf32, #tpu.memory_space<hbm>>
      %dma_wait3A_196 = arith.constant 0 : i32
      %dma_wait3A_197 = arith.constant 0 : i32
      %dma_wait3A_198 = tpu.memref_slice %arg9[%dma_wait3A_188, %dma_wait3A_196, %dma_wait3A_197] : memref<2x96x128xf32, #tpu.memory_space<vmem>> -> memref<1x96x128xf32, #tpu.memory_space<vmem>>
      %dma_wait3A_199 = tpu.memref_squeeze %dma_wait3A_198 : memref<1x96x128xf32, #tpu.memory_space<vmem>> -> memref<96x128xf32, #tpu.memory_space<vmem>>
      %dma_wait3A_200 = arith.constant 0 : i32
      %dma_wait3A_201 = arith.constant 0 : i32
      %dma_wait3A_202 = tpu.memref_slice %arg2[%dma_wait3A_200, %dma_wait3A_201] : memref<10000x128xf32, #tpu.memory_space<hbm>> -> memref<96x128xf32, #tpu.memory_space<hbm>>
      tpu.wait_dma2 semaphore(%arg14 : memref<!tpu.dma_semaphore, #tpu.memory_space<semaphore_mem>>) src(%dma_wait3A_202 : memref<96x128xf32, #tpu.memory_space<hbm>>) dst(%dma_wait3A_199 : memref<96x128xf32, #tpu.memory_space<vmem>>)
      %add3A_203 = arith.constant 1 : i32
      %add3A_204 = arith.addi %mul3A_172, %add3A_203 : i32
      %dma_start3A_205 = arith.constant 1 : i32
      %dma_start3A_206 = arith.constant 0 : i32
      %dma_start3A_207 = arith.constant 0 : i32
      %dma_start3A_208 = tpu.memref_slice %arg9[%dma_start3A_205, %dma_start3A_206, %dma_start3A_207] : memref<2x96x128xf32, #tpu.memory_space<vmem>> -> memref<1x96x128xf32, #tpu.memory_space<vmem>>
      %dma_start3A_209 = tpu.memref_squeeze %dma_start3A_208 : memref<1x96x128xf32, #tpu.memory_space<vmem>> -> memref<96x128xf32, #tpu.memory_space<vmem>>
      %dma_start3A_210 = arith.constant 0 : i32
      %dma_start3A_211 = tpu.memref_slice %arg7[%add3A_204, %dma_start3A_210] : memref<130x96xi32, #tpu.memory_space<vmem>> -> memref<1x96xi32, #tpu.memory_space<vmem>>
      %dma_start3A_212 = tpu.memref_squeeze %dma_start3A_211 : memref<1x96xi32, #tpu.memory_space<vmem>> -> memref<96xi32, #tpu.memory_space<vmem>>
      %dma_start3A_213 = arith.constant 0 : i32
      %dma_start3A_214 = arith.constant 0 : i32
      %dma_start3A_215 = tpu.memref_slice %arg2[%dma_start3A_213, %dma_start3A_214] : memref<10000x128xf32, #tpu.memory_space<hbm>> -> memref<10000x128xf32, #tpu.memory_space<hbm>>
      tpu.enqueue_indirect_dma source(%dma_start3A_215 : memref<10000x128xf32, #tpu.memory_space<hbm>>) target(%dma_start3A_209 : memref<96x128xf32, #tpu.memory_space<vmem>>) offsets(%dma_start3A_212 : memref<96xi32, #tpu.memory_space<vmem>>) semaphore(%arg12 : memref<!tpu.dma_semaphore, #tpu.memory_space<semaphore_mem>>)
      %dma_start3A_216 = arith.constant 0 : i32
      %dma_start3A_217 = arith.constant 0 : i32
      %dma_start3A_218 = arith.constant 0 : i32
      %dma_start3A_219 = tpu.memref_slice %arg9[%dma_start3A_216, %dma_start3A_217, %dma_start3A_218] : memref<2x96x128xf32, #tpu.memory_space<vmem>> -> memref<1x96x128xf32, #tpu.memory_space<vmem>>
      %dma_start3A_220 = tpu.memref_squeeze %dma_start3A_219 : memref<1x96x128xf32, #tpu.memory_space<vmem>> -> memref<96x128xf32, #tpu.memory_space<vmem>>
      %dma_start3A_221 = arith.constant 0 : i32
      %dma_start3A_222 = tpu.memref_slice %arg8[%mul3A_172, %dma_start3A_221] : memref<130x96xi32, #tpu.memory_space<vmem>> -> memref<1x96xi32, #tpu.memory_space<vmem>>
      %dma_start3A_223 = tpu.memref_squeeze %dma_start3A_222 : memref<1x96xi32, #tpu.memory_space<vmem>> -> memref<96xi32, #tpu.memory_space<vmem>>
      %dma_start3A_224 = arith.constant 0 : i32
      %dma_start3A_225 = arith.constant 0 : i32
      %dma_start3A_226 = tpu.memref_slice %arg10[%dma_start3A_224, %dma_start3A_225] : memref<10112x128xf32, #tpu.memory_space<vmem_shared>> -> memref<10112x128xf32, #tpu.memory_space<vmem_shared>>
      tpu.enqueue_indirect_dma source(%dma_start3A_220 : memref<96x128xf32, #tpu.memory_space<vmem>>) target(%dma_start3A_226 : memref<10112x128xf32, #tpu.memory_space<vmem_shared>>) offsets(%dma_start3A_223 : memref<96xi32, #tpu.memory_space<vmem>>) semaphore(%arg13 : memref<!tpu.dma_semaphore, #tpu.memory_space<semaphore_mem>>) {add = true}
      %dma_wait3A_227 = arith.constant 1 : i32
      %dma_wait3A_228 = arith.constant 0 : i32
      %dma_wait3A_229 = arith.constant 0 : i32
      %dma_wait3A_230 = tpu.memref_slice %arg9[%dma_wait3A_227, %dma_wait3A_228, %dma_wait3A_229] : memref<2x96x128xf32, #tpu.memory_space<vmem>> -> memref<1x96x128xf32, #tpu.memory_space<vmem>>
      %dma_wait3A_231 = tpu.memref_squeeze %dma_wait3A_230 : memref<1x96x128xf32, #tpu.memory_space<vmem>> -> memref<96x128xf32, #tpu.memory_space<vmem>>
      %dma_wait3A_232 = arith.constant 0 : i32
      %dma_wait3A_233 = arith.constant 0 : i32
      %dma_wait3A_234 = tpu.memref_slice %arg2[%dma_wait3A_232, %dma_wait3A_233] : memref<10000x128xf32, #tpu.memory_space<hbm>> -> memref<96x128xf32, #tpu.memory_space<hbm>>
      %dma_wait3A_235 = arith.constant 0 : i32
      %dma_wait3A_236 = arith.constant 0 : i32
      %dma_wait3A_237 = tpu.memref_slice %arg9[%dma_wait3A_227, %dma_wait3A_235, %dma_wait3A_236] : memref<2x96x128xf32, #tpu.memory_space<vmem>> -> memref<1x96x128xf32, #tpu.memory_space<vmem>>
      %dma_wait3A_238 = tpu.memref_squeeze %dma_wait3A_237 : memref<1x96x128xf32, #tpu.memory_space<vmem>> -> memref<96x128xf32, #tpu.memory_space<vmem>>
      %dma_wait3A_239 = arith.constant 0 : i32
      %dma_wait3A_240 = arith.constant 0 : i32
      %dma_wait3A_241 = tpu.memref_slice %arg2[%dma_wait3A_239, %dma_wait3A_240] : memref<10000x128xf32, #tpu.memory_space<hbm>> -> memref<96x128xf32, #tpu.memory_space<hbm>>
      tpu.wait_dma2 semaphore(%arg12 : memref<!tpu.dma_semaphore, #tpu.memory_space<semaphore_mem>>) src(%dma_wait3A_241 : memref<96x128xf32, #tpu.memory_space<hbm>>) dst(%dma_wait3A_238 : memref<96x128xf32, #tpu.memory_space<vmem>>)
      %dma_wait3A_242 = arith.constant 0 : i32
      %dma_wait3A_243 = arith.constant 0 : i32
      %dma_wait3A_244 = arith.constant 0 : i32
      %dma_wait3A_245 = tpu.memref_slice %arg9[%dma_wait3A_242, %dma_wait3A_243, %dma_wait3A_244] : memref<2x96x128xf32, #tpu.memory_space<vmem>> -> memref<1x96x128xf32, #tpu.memory_space<vmem>>
      %dma_wait3A_246 = tpu.memref_squeeze %dma_wait3A_245 : memref<1x96x128xf32, #tpu.memory_space<vmem>> -> memref<96x128xf32, #tpu.memory_space<vmem>>
      %dma_wait3A_247 = arith.constant 0 : i32
      %dma_wait3A_248 = arith.constant 0 : i32
      %dma_wait3A_249 = tpu.memref_slice %arg2[%dma_wait3A_247, %dma_wait3A_248] : memref<10000x128xf32, #tpu.memory_space<hbm>> -> memref<96x128xf32, #tpu.memory_space<hbm>>
      %dma_wait3A_250 = arith.constant 0 : i32
      %dma_wait3A_251 = arith.constant 0 : i32
      %dma_wait3A_252 = tpu.memref_slice %arg9[%dma_wait3A_242, %dma_wait3A_250, %dma_wait3A_251] : memref<2x96x128xf32, #tpu.memory_space<vmem>> -> memref<1x96x128xf32, #tpu.memory_space<vmem>>
      %dma_wait3A_253 = tpu.memref_squeeze %dma_wait3A_252 : memref<1x96x128xf32, #tpu.memory_space<vmem>> -> memref<96x128xf32, #tpu.memory_space<vmem>>
      %dma_wait3A_254 = arith.constant 0 : i32
      %dma_wait3A_255 = arith.constant 0 : i32
      %dma_wait3A_256 = tpu.memref_slice %arg2[%dma_wait3A_254, %dma_wait3A_255] : memref<10000x128xf32, #tpu.memory_space<hbm>> -> memref<96x128xf32, #tpu.memory_space<hbm>>
      tpu.wait_dma2 semaphore(%arg13 : memref<!tpu.dma_semaphore, #tpu.memory_space<semaphore_mem>>) src(%dma_wait3A_256 : memref<96x128xf32, #tpu.memory_space<hbm>>) dst(%dma_wait3A_253 : memref<96x128xf32, #tpu.memory_space<vmem>>)
      %add3A_257 = arith.constant 2 : i32
      %add3A_258 = arith.addi %mul3A_172, %add3A_257 : i32
      %sub3A_259 = arith.constant 1 : i32
      %sub3A_260 = arith.subi %select_n3A, %sub3A_259 : i32
      %min3A = arith.minsi %add3A_258, %sub3A_260 : i32
      %dma_start3A_261 = arith.constant 0 : i32
      %dma_start3A_262 = arith.constant 0 : i32
      %dma_start3A_263 = arith.constant 0 : i32
      %dma_start3A_264 = tpu.memref_slice %arg9[%dma_start3A_261, %dma_start3A_262, %dma_start3A_263] : memref<2x96x128xf32, #tpu.memory_space<vmem>> -> memref<1x96x128xf32, #tpu.memory_space<vmem>>
      %dma_start3A_265 = tpu.memref_squeeze %dma_start3A_264 : memref<1x96x128xf32, #tpu.memory_space<vmem>> -> memref<96x128xf32, #tpu.memory_space<vmem>>
      %dma_start3A_266 = arith.constant 0 : i32
      %dma_start3A_267 = tpu.memref_slice %arg7[%min3A, %dma_start3A_266] : memref<130x96xi32, #tpu.memory_space<vmem>> -> memref<1x96xi32, #tpu.memory_space<vmem>>
      %dma_start3A_268 = tpu.memref_squeeze %dma_start3A_267 : memref<1x96xi32, #tpu.memory_space<vmem>> -> memref<96xi32, #tpu.memory_space<vmem>>
      %dma_start3A_269 = arith.constant 0 : i32
      %dma_start3A_270 = arith.constant 0 : i32
      %dma_start3A_271 = tpu.memref_slice %arg2[%dma_start3A_269, %dma_start3A_270] : memref<10000x128xf32, #tpu.memory_space<hbm>> -> memref<10000x128xf32, #tpu.memory_space<hbm>>
      tpu.enqueue_indirect_dma source(%dma_start3A_271 : memref<10000x128xf32, #tpu.memory_space<hbm>>) target(%dma_start3A_265 : memref<96x128xf32, #tpu.memory_space<vmem>>) offsets(%dma_start3A_268 : memref<96xi32, #tpu.memory_space<vmem>>) semaphore(%arg11 : memref<!tpu.dma_semaphore, #tpu.memory_space<semaphore_mem>>)
      %add3A_272 = arith.constant 1 : i32
      %add3A_273 = arith.addi %mul3A_172, %add3A_272 : i32
      %dma_start3A_274 = arith.constant 1 : i32
      %dma_start3A_275 = arith.constant 0 : i32
      %dma_start3A_276 = arith.constant 0 : i32
      %dma_start3A_277 = tpu.memref_slice %arg9[%dma_start3A_274, %dma_start3A_275, %dma_start3A_276] : memref<2x96x128xf32, #tpu.memory_space<vmem>> -> memref<1x96x128xf32, #tpu.memory_space<vmem>>
      %dma_start3A_278 = tpu.memref_squeeze %dma_start3A_277 : memref<1x96x128xf32, #tpu.memory_space<vmem>> -> memref<96x128xf32, #tpu.memory_space<vmem>>
      %dma_start3A_279 = arith.constant 0 : i32
      %dma_start3A_280 = tpu.memref_slice %arg8[%add3A_273, %dma_start3A_279] : memref<130x96xi32, #tpu.memory_space<vmem>> -> memref<1x96xi32, #tpu.memory_space<vmem>>
      %dma_start3A_281 = tpu.memref_squeeze %dma_start3A_280 : memref<1x96xi32, #tpu.memory_space<vmem>> -> memref<96xi32, #tpu.memory_space<vmem>>
      %dma_start3A_282 = arith.constant 0 : i32
      %dma_start3A_283 = arith.constant 0 : i32
      %dma_start3A_284 = tpu.memref_slice %arg10[%dma_start3A_282, %dma_start3A_283] : memref<10112x128xf32, #tpu.memory_space<vmem_shared>> -> memref<10112x128xf32, #tpu.memory_space<vmem_shared>>
      tpu.enqueue_indirect_dma source(%dma_start3A_278 : memref<96x128xf32, #tpu.memory_space<vmem>>) target(%dma_start3A_284 : memref<10112x128xf32, #tpu.memory_space<vmem_shared>>) offsets(%dma_start3A_281 : memref<96xi32, #tpu.memory_space<vmem>>) semaphore(%arg14 : memref<!tpu.dma_semaphore, #tpu.memory_space<semaphore_mem>>) {add = true}
    }
    %while3A_134 = arith.constant 1 : i32
    scf.for %while3A_170 = %while3A_132 to %while3A_128 step %while3A_134  : i32 {
      %mul3A_171 = arith.constant 2 : i32
      %mul3A_172 = arith.muli %mul3A_171, %while3A_170 : i32
      %dma_wait3A_173 = arith.constant 0 : i32
      %dma_wait3A_174 = arith.constant 0 : i32
      %dma_wait3A_175 = arith.constant 0 : i32
      %dma_wait3A_176 = tpu.memref_slice %arg9[%dma_wait3A_173, %dma_wait3A_174, %dma_wait3A_175] : memref<2x96x128xf32, #tpu.memory_space<vmem>> -> memref<1x96x128xf32, #tpu.memory_space<vmem>>
      %dma_wait3A_177 = tpu.memref_squeeze %dma_wait3A_176 : memref<1x96x128xf32, #tpu.memory_space<vmem>> -> memref<96x128xf32, #tpu.memory_space<vmem>>
      %dma_wait3A_178 = arith.constant 0 : i32
      %dma_wait3A_179 = arith.constant 0 : i32
      %dma_wait3A_180 = tpu.memref_slice %arg2[%dma_wait3A_178, %dma_wait3A_179] : memref<10000x128xf32, #tpu.memory_space<hbm>> -> memref<96x128xf32, #tpu.memory_space<hbm>>
      %dma_wait3A_181 = arith.constant 0 : i32
      %dma_wait3A_182 = arith.constant 0 : i32
      %dma_wait3A_183 = tpu.memref_slice %arg9[%dma_wait3A_173, %dma_wait3A_181, %dma_wait3A_182] : memref<2x96x128xf32, #tpu.memory_space<vmem>> -> memref<1x96x128xf32, #tpu.memory_space<vmem>>
      %dma_wait3A_184 = tpu.memref_squeeze %dma_wait3A_183 : memref<1x96x128xf32, #tpu.memory_space<vmem>> -> memref<96x128xf32, #tpu.memory_space<vmem>>
      %dma_wait3A_185 = arith.constant 0 : i32
      %dma_wait3A_186 = arith.constant 0 : i32
      %dma_wait3A_187 = tpu.memref_slice %arg2[%dma_wait3A_185, %dma_wait3A_186] : memref<10000x128xf32, #tpu.memory_space<hbm>> -> memref<96x128xf32, #tpu.memory_space<hbm>>
      tpu.wait_dma2 semaphore(%arg11 : memref<!tpu.dma_semaphore, #tpu.memory_space<semaphore_mem>>) src(%dma_wait3A_187 : memref<96x128xf32, #tpu.memory_space<hbm>>) dst(%dma_wait3A_184 : memref<96x128xf32, #tpu.memory_space<vmem>>)
      %dma_wait3A_188 = arith.constant 1 : i32
      %dma_wait3A_189 = arith.constant 0 : i32
      %dma_wait3A_190 = arith.constant 0 : i32
      %dma_wait3A_191 = tpu.memref_slice %arg9[%dma_wait3A_188, %dma_wait3A_189, %dma_wait3A_190] : memref<2x96x128xf32, #tpu.memory_space<vmem>> -> memref<1x96x128xf32, #tpu.memory_space<vmem>>
      %dma_wait3A_192 = tpu.memref_squeeze %dma_wait3A_191 : memref<1x96x128xf32, #tpu.memory_space<vmem>> -> memref<96x128xf32, #tpu.memory_space<vmem>>
      %dma_wait3A_193 = arith.constant 0 : i32
      %dma_wait3A_194 = arith.constant 0 : i32
      %dma_wait3A_195 = tpu.memref_slice %arg2[%dma_wait3A_193, %dma_wait3A_194] : memref<10000x128xf32, #tpu.memory_space<hbm>> -> memref<96x128xf32, #tpu.memory_space<hbm>>
      %dma_wait3A_196 = arith.constant 0 : i32
      %dma_wait3A_197 = arith.constant 0 : i32
      %dma_wait3A_198 = tpu.memref_slice %arg9[%dma_wait3A_188, %dma_wait3A_196, %dma_wait3A_197] : memref<2x96x128xf32, #tpu.memory_space<vmem>> -> memref<1x96x128xf32, #tpu.memory_space<vmem>>
      %dma_wait3A_199 = tpu.memref_squeeze %dma_wait3A_198 : memref<1x96x128xf32, #tpu.memory_space<vmem>> -> memref<96x128xf32, #tpu.memory_space<vmem>>
      %dma_wait3A_200 = arith.constant 0 : i32
      %dma_wait3A_201 = arith.constant 0 : i32
      %dma_wait3A_202 = tpu.memref_slice %arg2[%dma_wait3A_200, %dma_wait3A_201] : memref<10000x128xf32, #tpu.memory_space<hbm>> -> memref<96x128xf32, #tpu.memory_space<hbm>>
      tpu.wait_dma2 semaphore(%arg14 : memref<!tpu.dma_semaphore, #tpu.memory_space<semaphore_mem>>) src(%dma_wait3A_202 : memref<96x128xf32, #tpu.memory_space<hbm>>) dst(%dma_wait3A_199 : memref<96x128xf32, #tpu.memory_space<vmem>>)
      %add3A_203 = arith.constant 1 : i32
      %add3A_204 = arith.addi %mul3A_172, %add3A_203 : i32
      %dma_start3A_205 = arith.constant 1 : i32
      %dma_start3A_206 = arith.constant 0 : i32
      %dma_start3A_207 = arith.constant 0 : i32
      %dma_start3A_208 = tpu.memref_slice %arg9[%dma_start3A_205, %dma_start3A_206, %dma_start3A_207] : memref<2x96x128xf32, #tpu.memory_space<vmem>> -> memref<1x96x128xf32, #tpu.memory_space<vmem>>
      %dma_start3A_209 = tpu.memref_squeeze %dma_start3A_208 : memref<1x96x128xf32, #tpu.memory_space<vmem>> -> memref<96x128xf32, #tpu.memory_space<vmem>>
      %dma_start3A_210 = arith.constant 0 : i32
      %dma_start3A_211 = tpu.memref_slice %arg7[%add3A_204, %dma_start3A_210] : memref<130x96xi32, #tpu.memory_space<vmem>> -> memref<1x96xi32, #tpu.memory_space<vmem>>
      %dma_start3A_212 = tpu.memref_squeeze %dma_start3A_211 : memref<1x96xi32, #tpu.memory_space<vmem>> -> memref<96xi32, #tpu.memory_space<vmem>>
      %dma_start3A_213 = arith.constant 0 : i32
      %dma_start3A_214 = arith.constant 0 : i32
      %dma_start3A_215 = tpu.memref_slice %arg2[%dma_start3A_213, %dma_start3A_214] : memref<10000x128xf32, #tpu.memory_space<hbm>> -> memref<10000x128xf32, #tpu.memory_space<hbm>>
      tpu.enqueue_indirect_dma source(%dma_start3A_215 : memref<10000x128xf32, #tpu.memory_space<hbm>>) target(%dma_start3A_209 : memref<96x128xf32, #tpu.memory_space<vmem>>) offsets(%dma_start3A_212 : memref<96xi32, #tpu.memory_space<vmem>>) semaphore(%arg12 : memref<!tpu.dma_semaphore, #tpu.memory_space<semaphore_mem>>)
      %dma_start3A_216 = arith.constant 0 : i32
      %dma_start3A_217 = arith.constant 0 : i32
      %dma_start3A_218 = arith.constant 0 : i32
      %dma_start3A_219 = tpu.memref_slice %arg9[%dma_start3A_216, %dma_start3A_217, %dma_start3A_218] : memref<2x96x128xf32, #tpu.memory_space<vmem>> -> memref<1x96x128xf32, #tpu.memory_space<vmem>>
      %dma_start3A_220 = tpu.memref_squeeze %dma_start3A_219 : memref<1x96x128xf32, #tpu.memory_space<vmem>> -> memref<96x128xf32, #tpu.memory_space<vmem>>
      %dma_start3A_221 = arith.constant 0 : i32
      %dma_start3A_222 = tpu.memref_slice %arg8[%mul3A_172, %dma_start3A_221] : memref<130x96xi32, #tpu.memory_space<vmem>> -> memref<1x96xi32, #tpu.memory_space<vmem>>
      %dma_start3A_223 = tpu.memref_squeeze %dma_start3A_222 : memref<1x96xi32, #tpu.memory_space<vmem>> -> memref<96xi32, #tpu.memory_space<vmem>>
      %dma_start3A_224 = arith.constant 0 : i32
      %dma_start3A_225 = arith.constant 0 : i32
      %dma_start3A_226 = tpu.memref_slice %arg10[%dma_start3A_224, %dma_start3A_225] : memref<10112x128xf32, #tpu.memory_space<vmem_shared>> -> memref<10112x128xf32, #tpu.memory_space<vmem_shared>>
      tpu.enqueue_indirect_dma source(%dma_start3A_220 : memref<96x128xf32, #tpu.memory_space<vmem>>) target(%dma_start3A_226 : memref<10112x128xf32, #tpu.memory_space<vmem_shared>>) offsets(%dma_start3A_223 : memref<96xi32, #tpu.memory_space<vmem>>) semaphore(%arg13 : memref<!tpu.dma_semaphore, #tpu.memory_space<semaphore_mem>>) {add = true}
      %dma_wait3A_227 = arith.constant 1 : i32
      %dma_wait3A_228 = arith.constant 0 : i32
      %dma_wait3A_229 = arith.constant 0 : i32
      %dma_wait3A_230 = tpu.memref_slice %arg9[%dma_wait3A_227, %dma_wait3A_228, %dma_wait3A_229] : memref<2x96x128xf32, #tpu.memory_space<vmem>> -> memref<1x96x128xf32, #tpu.memory_space<vmem>>
      %dma_wait3A_231 = tpu.memref_squeeze %dma_wait3A_230 : memref<1x96x128xf32, #tpu.memory_space<vmem>> -> memref<96x128xf32, #tpu.memory_space<vmem>>
      %dma_wait3A_232 = arith.constant 0 : i32
      %dma_wait3A_233 = arith.constant 0 : i32
      %dma_wait3A_234 = tpu.memref_slice %arg2[%dma_wait3A_232, %dma_wait3A_233] : memref<10000x128xf32, #tpu.memory_space<hbm>> -> memref<96x128xf32, #tpu.memory_space<hbm>>
      %dma_wait3A_235 = arith.constant 0 : i32
      %dma_wait3A_236 = arith.constant 0 : i32
      %dma_wait3A_237 = tpu.memref_slice %arg9[%dma_wait3A_227, %dma_wait3A_235, %dma_wait3A_236] : memref<2x96x128xf32, #tpu.memory_space<vmem>> -> memref<1x96x128xf32, #tpu.memory_space<vmem>>
      %dma_wait3A_238 = tpu.memref_squeeze %dma_wait3A_237 : memref<1x96x128xf32, #tpu.memory_space<vmem>> -> memref<96x128xf32, #tpu.memory_space<vmem>>
      %dma_wait3A_239 = arith.constant 0 : i32
      %dma_wait3A_240 = arith.constant 0 : i32
      %dma_wait3A_241 = tpu.memref_slice %arg2[%dma_wait3A_239, %dma_wait3A_240] : memref<10000x128xf32, #tpu.memory_space<hbm>> -> memref<96x128xf32, #tpu.memory_space<hbm>>
      tpu.wait_dma2 semaphore(%arg12 : memref<!tpu.dma_semaphore, #tpu.memory_space<semaphore_mem>>) src(%dma_wait3A_241 : memref<96x128xf32, #tpu.memory_space<hbm>>) dst(%dma_wait3A_238 : memref<96x128xf32, #tpu.memory_space<vmem>>)
      %dma_wait3A_242 = arith.constant 0 : i32
      %dma_wait3A_243 = arith.constant 0 : i32
      %dma_wait3A_244 = arith.constant 0 : i32
      %dma_wait3A_245 = tpu.memref_slice %arg9[%dma_wait3A_242, %dma_wait3A_243, %dma_wait3A_244] : memref<2x96x128xf32, #tpu.memory_space<vmem>> -> memref<1x96x128xf32, #tpu.memory_space<vmem>>
      %dma_wait3A_246 = tpu.memref_squeeze %dma_wait3A_245 : memref<1x96x128xf32, #tpu.memory_space<vmem>> -> memref<96x128xf32, #tpu.memory_space<vmem>>
      %dma_wait3A_247 = arith.constant 0 : i32
      %dma_wait3A_248 = arith.constant 0 : i32
      %dma_wait3A_249 = tpu.memref_slice %arg2[%dma_wait3A_247, %dma_wait3A_248] : memref<10000x128xf32, #tpu.memory_space<hbm>> -> memref<96x128xf32, #tpu.memory_space<hbm>>
      %dma_wait3A_250 = arith.constant 0 : i32
      %dma_wait3A_251 = arith.constant 0 : i32
      %dma_wait3A_252 = tpu.memref_slice %arg9[%dma_wait3A_242, %dma_wait3A_250, %dma_wait3A_251] : memref<2x96x128xf32, #tpu.memory_space<vmem>> -> memref<1x96x128xf32, #tpu.memory_space<vmem>>
      %dma_wait3A_253 = tpu.memref_squeeze %dma_wait3A_252 : memref<1x96x128xf32, #tpu.memory_space<vmem>> -> memref<96x128xf32, #tpu.memory_space<vmem>>
      %dma_wait3A_254 = arith.constant 0 : i32
      %dma_wait3A_255 = arith.constant 0 : i32
      %dma_wait3A_256 = tpu.memref_slice %arg2[%dma_wait3A_254, %dma_wait3A_255] : memref<10000x128xf32, #tpu.memory_space<hbm>> -> memref<96x128xf32, #tpu.memory_space<hbm>>
      tpu.wait_dma2 semaphore(%arg13 : memref<!tpu.dma_semaphore, #tpu.memory_space<semaphore_mem>>) src(%dma_wait3A_256 : memref<96x128xf32, #tpu.memory_space<hbm>>) dst(%dma_wait3A_253 : memref<96x128xf32, #tpu.memory_space<vmem>>)
      %add3A_257 = arith.constant 2 : i32
      %add3A_258 = arith.addi %mul3A_172, %add3A_257 : i32
      %sub3A_259 = arith.constant 1 : i32
      %sub3A_260 = arith.subi %select_n3A, %sub3A_259 : i32
      %min3A = arith.minsi %add3A_258, %sub3A_260 : i32
      %dma_start3A_261 = arith.constant 0 : i32
      %dma_start3A_262 = arith.constant 0 : i32
      %dma_start3A_263 = arith.constant 0 : i32
      %dma_start3A_264 = tpu.memref_slice %arg9[%dma_start3A_261, %dma_start3A_262, %dma_start3A_263] : memref<2x96x128xf32, #tpu.memory_space<vmem>> -> memref<1x96x128xf32, #tpu.memory_space<vmem>>
      %dma_start3A_265 = tpu.memref_squeeze %dma_start3A_264 : memref<1x96x128xf32, #tpu.memory_space<vmem>> -> memref<96x128xf32, #tpu.memory_space<vmem>>
      %dma_start3A_266 = arith.constant 0 : i32
      %dma_start3A_267 = tpu.memref_slice %arg7[%min3A, %dma_start3A_266] : memref<130x96xi32, #tpu.memory_space<vmem>> -> memref<1x96xi32, #tpu.memory_space<vmem>>
      %dma_start3A_268 = tpu.memref_squeeze %dma_start3A_267 : memref<1x96xi32, #tpu.memory_space<vmem>> -> memref<96xi32, #tpu.memory_space<vmem>>
      %dma_start3A_269 = arith.constant 0 : i32
      %dma_start3A_270 = arith.constant 0 : i32
      %dma_start3A_271 = tpu.memref_slice %arg2[%dma_start3A_269, %dma_start3A_270] : memref<10000x128xf32, #tpu.memory_space<hbm>> -> memref<10000x128xf32, #tpu.memory_space<hbm>>
      tpu.enqueue_indirect_dma source(%dma_start3A_271 : memref<10000x128xf32, #tpu.memory_space<hbm>>) target(%dma_start3A_265 : memref<96x128xf32, #tpu.memory_space<vmem>>) offsets(%dma_start3A_268 : memref<96xi32, #tpu.memory_space<vmem>>) semaphore(%arg11 : memref<!tpu.dma_semaphore, #tpu.memory_space<semaphore_mem>>)
      %add3A_272 = arith.constant 1 : i32
      %add3A_273 = arith.addi %mul3A_172, %add3A_272 : i32
      %dma_start3A_274 = arith.constant 1 : i32
      %dma_start3A_275 = arith.constant 0 : i32
      %dma_start3A_276 = arith.constant 0 : i32
      %dma_start3A_277 = tpu.memref_slice %arg9[%dma_start3A_274, %dma_start3A_275, %dma_start3A_276] : memref<2x96x128xf32, #tpu.memory_space<vmem>> -> memref<1x96x128xf32, #tpu.memory_space<vmem>>
      %dma_start3A_278 = tpu.memref_squeeze %dma_start3A_277 : memref<1x96x128xf32, #tpu.memory_space<vmem>> -> memref<96x128xf32, #tpu.memory_space<vmem>>
      %dma_start3A_279 = arith.constant 0 : i32
      %dma_start3A_280 = tpu.memref_slice %arg8[%add3A_273, %dma_start3A_279] : memref<130x96xi32, #tpu.memory_space<vmem>> -> memref<1x96xi32, #tpu.memory_space<vmem>>
      %dma_start3A_281 = tpu.memref_squeeze %dma_start3A_280 : memref<1x96xi32, #tpu.memory_space<vmem>> -> memref<96xi32, #tpu.memory_space<vmem>>
      %dma_start3A_282 = arith.constant 0 : i32
      %dma_start3A_283 = arith.constant 0 : i32
      %dma_start3A_284 = tpu.memref_slice %arg10[%dma_start3A_282, %dma_start3A_283] : memref<10112x128xf32, #tpu.memory_space<vmem_shared>> -> memref<10112x128xf32, #tpu.memory_space<vmem_shared>>
      tpu.enqueue_indirect_dma source(%dma_start3A_278 : memref<96x128xf32, #tpu.memory_space<vmem>>) target(%dma_start3A_284 : memref<10112x128xf32, #tpu.memory_space<vmem_shared>>) offsets(%dma_start3A_281 : memref<96xi32, #tpu.memory_space<vmem>>) semaphore(%arg14 : memref<!tpu.dma_semaphore, #tpu.memory_space<semaphore_mem>>) {add = true}
    }
    %dma_wait3A_135 = arith.constant 0 : i32
    %dma_wait3A_136 = arith.constant 0 : i32
    %dma_wait3A_137 = arith.constant 0 : i32
    %dma_wait3A_138 = tpu.memref_slice %arg9[%dma_wait3A_135, %dma_wait3A_136, %dma_wait3A_137] : memref<2x96x128xf32, #tpu.memory_space<vmem>> -> memref<1x96x128xf32, #tpu.memory_space<vmem>>
    %dma_wait3A_139 = tpu.memref_squeeze %dma_wait3A_138 : memref<1x96x128xf32, #tpu.memory_space<vmem>> -> memref<96x128xf32, #tpu.memory_space<vmem>>
    %dma_wait3A_140 = arith.constant 0 : i32
    %dma_wait3A_141 = arith.constant 0 : i32
    %dma_wait3A_142 = tpu.memref_slice %arg2[%dma_wait3A_140, %dma_wait3A_141] : memref<10000x128xf32, #tpu.memory_space<hbm>> -> memref<96x128xf32, #tpu.memory_space<hbm>>
    %dma_wait3A_143 = arith.constant 0 : i32
    %dma_wait3A_144 = arith.constant 0 : i32
    %dma_wait3A_145 = tpu.memref_slice %arg9[%dma_wait3A_135, %dma_wait3A_143, %dma_wait3A_144] : memref<2x96x128xf32, #tpu.memory_space<vmem>> -> memref<1x96x128xf32, #tpu.memory_space<vmem>>
    %dma_wait3A_146 = tpu.memref_squeeze %dma_wait3A_145 : memref<1x96x128xf32, #tpu.memory_space<vmem>> -> memref<96x128xf32, #tpu.memory_space<vmem>>
    %dma_wait3A_147 = arith.constant 0 : i32
    %dma_wait3A_148 = arith.constant 0 : i32
    %dma_wait3A_149 = tpu.memref_slice %arg2[%dma_wait3A_147, %dma_wait3A_148] : memref<10000x128xf32, #tpu.memory_space<hbm>> -> memref<96x128xf32, #tpu.memory_space<hbm>>
    tpu.wait_dma2 semaphore(%arg11 : memref<!tpu.dma_semaphore, #tpu.memory_space<semaphore_mem>>) src(%dma_wait3A_149 : memref<96x128xf32, #tpu.memory_space<hbm>>) dst(%dma_wait3A_146 : memref<96x128xf32, #tpu.memory_space<vmem>>)
    %dma_wait3A_150 = arith.constant 1 : i32
    %dma_wait3A_151 = arith.constant 0 : i32
    %dma_wait3A_152 = arith.constant 0 : i32
    %dma_wait3A_153 = tpu.memref_slice %arg9[%dma_wait3A_150, %dma_wait3A_151, %dma_wait3A_152] : memref<2x96x128xf32, #tpu.memory_space<vmem>> -> memref<1x96x128xf32, #tpu.memory_space<vmem>>
    %dma_wait3A_154 = tpu.memref_squeeze %dma_wait3A_153 : memref<1x96x128xf32, #tpu.memory_space<vmem>> -> memref<96x128xf32, #tpu.memory_space<vmem>>
    %dma_wait3A_155 = arith.constant 0 : i32
    %dma_wait3A_156 = arith.constant 0 : i32
    %dma_wait3A_157 = tpu.memref_slice %arg2[%dma_wait3A_155, %dma_wait3A_156] : memref<10000x128xf32, #tpu.memory_space<hbm>> -> memref<96x128xf32, #tpu.memory_space<hbm>>
    %dma_wait3A_158 = arith.constant 0 : i32
    %dma_wait3A_159 = arith.constant 0 : i32
    %dma_wait3A_160 = tpu.memref_slice %arg9[%dma_wait3A_150, %dma_wait3A_158, %dma_wait3A_159] : memref<2x96x128xf32, #tpu.memory_space<vmem>> -> memref<1x96x128xf32, #tpu.memory_space<vmem>>
    %dma_wait3A_161 = tpu.memref_squeeze %dma_wait3A_160 : memref<1x96x128xf32, #tpu.memory_space<vmem>> -> memref<96x128xf32, #tpu.memory_space<vmem>>
    %dma_wait3A_162 = arith.constant 0 : i32
    %dma_wait3A_163 = arith.constant 0 : i32
    %dma_wait3A_164 = tpu.memref_slice %arg2[%dma_wait3A_162, %dma_wait3A_163] : memref<10000x128xf32, #tpu.memory_space<hbm>> -> memref<96x128xf32, #tpu.memory_space<hbm>>
    tpu.wait_dma2 semaphore(%arg14 : memref<!tpu.dma_semaphore, #tpu.memory_space<semaphore_mem>>) src(%dma_wait3A_164 : memref<96x128xf32, #tpu.memory_space<hbm>>) dst(%dma_wait3A_161 : memref<96x128xf32, #tpu.memory_space<vmem>>)
    %barrier3A_165 = arith.constant 0 : index
    tpu.barrier barrier_id(%barrier3A_165)
    %mul3A_166 = arith.constant 632 : i32
    %mul3A_167 = arith.muli %arg1, %mul3A_166 : i32
    %mul3A_168 = arith.constant 632 : i32
    %mul3A_169 = arith.muli %arg1, %mul3A_168 : i32
    "tpu.region"() ({
      %run_scoped3A = tpu.sem_alloc : memref<!tpu.dma_semaphore, #tpu.memory_space<semaphore_mem>>
      %dma_start3A_170 = arith.constant 0 : i32
      %dma_start3A_171 = tpu.memref_slice %arg6[%arg0, %mul3A_169, %dma_start3A_170] : memref<2x10112x128xf32, #tpu.memory_space<hbm>> -> memref<1x632x128xf32, #tpu.memory_space<hbm>>
      %dma_start3A_172 = tpu.memref_squeeze %dma_start3A_171 : memref<1x632x128xf32, #tpu.memory_space<hbm>> -> memref<632x128xf32, #tpu.memory_space<hbm>>
      %dma_start3A_173 = arith.constant 0 : i32
      %dma_start3A_174 = tpu.memref_slice %arg10[%mul3A_167, %dma_start3A_173] : memref<10112x128xf32, #tpu.memory_space<vmem_shared>> -> memref<632x128xf32, #tpu.memory_space<vmem_shared>>
      tpu.enqueue_dma source(%dma_start3A_174 : memref<632x128xf32, #tpu.memory_space<vmem_shared>>) target(%dma_start3A_172 : memref<632x128xf32, #tpu.memory_space<hbm>>) target_semaphore(%run_scoped3A : memref<!tpu.dma_semaphore, #tpu.memory_space<semaphore_mem>>)
      %dma_wait3A_175 = arith.constant 0 : i32
      %dma_wait3A_176 = tpu.memref_slice %arg6[%arg0, %mul3A_169, %dma_wait3A_175] : memref<2x10112x128xf32, #tpu.memory_space<hbm>> -> memref<1x632x128xf32, #tpu.memory_space<hbm>>
      %dma_wait3A_177 = tpu.memref_squeeze %dma_wait3A_176 : memref<1x632x128xf32, #tpu.memory_space<hbm>> -> memref<632x128xf32, #tpu.memory_space<hbm>>
      %dma_wait3A_178 = arith.constant 0 : i32
      %dma_wait3A_179 = tpu.memref_slice %arg10[%mul3A_167, %dma_wait3A_178] : memref<10112x128xf32, #tpu.memory_space<vmem_shared>> -> memref<632x128xf32, #tpu.memory_space<vmem_shared>>
      tpu.wait_dma2 semaphore(%run_scoped3A : memref<!tpu.dma_semaphore, #tpu.memory_space<semaphore_mem>>) src(%dma_wait3A_179 : memref<632x128xf32, #tpu.memory_space<vmem_shared>>) dst(%dma_wait3A_177 : memref<632x128xf32, #tpu.memory_space<hbm>>)
      tpu.yield
    }) : () -> ()
    return
  }
}

#map = affine_map<(d0, d1) -> (0, 0)>
#map1 = affine_map<(d0, d1) -> (0, 0, 0)>
module attributes {stable_mosaic.version = 14 : i64} {
  func.func @agg_kernel(%arg0: i32, %arg1: i32, %arg2: memref<10000x128xf32, #tpu.memory_space<hbm>>, %arg3: memref<32x130x96xi32, #tpu.memory_space<hbm>>, %arg4: memref<32x130x96xi32, #tpu.memory_space<hbm>>, %arg5: memref<632x128xf32, #tpu.memory_space<hbm>>, %arg6: memref<2x10112x128xf32, #tpu.memory_space<hbm>>, %arg7: memref<130x96xi32, #tpu.memory_space<vmem>>, %arg8: memref<130x96xi32, #tpu.memory_space<vmem>>, %arg9: memref<2x96x128xf32, #tpu.memory_space<vmem>>, %arg10: memref<10112x128xf32, #tpu.memory_space<vmem_shared>>, %arg11: memref<!tpu.dma_semaphore, #tpu.memory_space<semaphore_mem>>, %arg12: memref<!tpu.dma_semaphore, #tpu.memory_space<semaphore_mem>>, %arg13: memref<!tpu.dma_semaphore, #tpu.memory_space<semaphore_mem>>, %arg14: memref<!tpu.dma_semaphore, #tpu.memory_space<semaphore_mem>>) attributes {dimension_semantics = [#tpu.dimension_semantics<core_parallel>, #tpu.dimension_semantics<subcore_parallel>], iteration_bounds = array<i64: 2, 16>, scalar_prefetch = 0 : i64, scratch_operands = 8 : i64, tpu.core_type = #tpu.core_type<sc_vector_subcore>, window_params = [{transform_indices = #map}, {transform_indices = #map1}, {transform_indices = #map1}, {transform_indices = #map}, {transform_indices = #map1}]} {
    %mul3A = arith.constant 16 : i32
    %mul3A_0 = arith.muli %arg0, %mul3A : i32
    %add3A = arith.addi %mul3A_0, %arg1 : i32
    %eq3A = arith.constant 0 : i32
    %eq3A_1 = arith.cmpi eq, %arg0, %eq3A : i32
    %jit3A = arith.constant 130 : i32
    %jit3A_2 = arith.constant 80 : i32
    %select_n3A = arith.select %eq3A_1, %jit3A, %jit3A_2 : i32
    %mul3A_3 = arith.constant 632 : i32
    %mul3A_4 = arith.muli %arg1, %mul3A_3 : i32
    "tpu.region"() ({
      %run_scoped3A = tpu.sem_alloc : memref<!tpu.dma_semaphore, #tpu.memory_space<semaphore_mem>>
      %dma_start3A_170 = arith.constant 0 : i32
      %dma_start3A_171 = tpu.memref_slice %arg10[%mul3A_4, %dma_start3A_170] : memref<10112x128xf32, #tpu.memory_space<vmem_shared>> -> memref<632x128xf32, #tpu.memory_space<vmem_shared>>
      tpu.enqueue_dma source(%arg5 : memref<632x128xf32, #tpu.memory_space<hbm>>) target(%dma_start3A_171 : memref<632x128xf32, #tpu.memory_space<vmem_shared>>) target_semaphore(%run_scoped3A : memref<!tpu.dma_semaphore, #tpu.memory_space<semaphore_mem>>)
      %dma_wait3A_172 = arith.constant 0 : i32
      %dma_wait3A_173 = tpu.memref_slice %arg10[%mul3A_4, %dma_wait3A_172] : memref<10112x128xf32, #tpu.memory_space<vmem_shared>> -> memref<632x128xf32, #tpu.memory_space<vmem_shared>>
      tpu.wait_dma2 semaphore(%run_scoped3A : memref<!tpu.dma_semaphore, #tpu.memory_space<semaphore_mem>>) src(%arg5 : memref<632x128xf32, #tpu.memory_space<hbm>>) dst(%dma_wait3A_173 : memref<632x128xf32, #tpu.memory_space<vmem_shared>>)
      tpu.yield
    }) : () -> ()
    "tpu.region"() ({
      %run_scoped3A = tpu.sem_alloc : memref<!tpu.dma_semaphore, #tpu.memory_space<semaphore_mem>>
      %dma_start3A_170 = arith.constant 0 : i32
      %dma_start3A_171 = arith.constant 0 : i32
      %dma_start3A_172 = tpu.memref_slice %arg3[%add3A, %dma_start3A_170, %dma_start3A_171] : memref<32x130x96xi32, #tpu.memory_space<hbm>> -> memref<1x130x96xi32, #tpu.memory_space<hbm>>
      %dma_start3A_173 = tpu.memref_squeeze %dma_start3A_172 : memref<1x130x96xi32, #tpu.memory_space<hbm>> -> memref<130x96xi32, #tpu.memory_space<hbm>>
      %dma_start3A_174 = arith.constant 0 : i32
      %dma_start3A_175 = arith.constant 0 : i32
      %dma_start3A_176 = tpu.memref_slice %arg3[%add3A, %dma_start3A_174, %dma_start3A_175] : memref<32x130x96xi32, #tpu.memory_space<hbm>> -> memref<1x130x96xi32, #tpu.memory_space<hbm>>
      %dma_start3A_177 = tpu.memref_squeeze %dma_start3A_176 : memref<1x130x96xi32, #tpu.memory_space<hbm>> -> memref<130x96xi32, #tpu.memory_space<hbm>>
      tpu.enqueue_dma source(%dma_start3A_177 : memref<130x96xi32, #tpu.memory_space<hbm>>) target(%arg7 : memref<130x96xi32, #tpu.memory_space<vmem>>) target_semaphore(%run_scoped3A : memref<!tpu.dma_semaphore, #tpu.memory_space<semaphore_mem>>)
      %dma_wait3A_178 = arith.constant 0 : i32
      %dma_wait3A_179 = arith.constant 0 : i32
      %dma_wait3A_180 = tpu.memref_slice %arg3[%add3A, %dma_wait3A_178, %dma_wait3A_179] : memref<32x130x96xi32, #tpu.memory_space<hbm>> -> memref<1x130x96xi32, #tpu.memory_space<hbm>>
      %dma_wait3A_181 = tpu.memref_squeeze %dma_wait3A_180 : memref<1x130x96xi32, #tpu.memory_space<hbm>> -> memref<130x96xi32, #tpu.memory_space<hbm>>
      %dma_wait3A_182 = arith.constant 0 : i32
      %dma_wait3A_183 = arith.constant 0 : i32
      %dma_wait3A_184 = tpu.memref_slice %arg3[%add3A, %dma_wait3A_182, %dma_wait3A_183] : memref<32x130x96xi32, #tpu.memory_space<hbm>> -> memref<1x130x96xi32, #tpu.memory_space<hbm>>
      %dma_wait3A_185 = tpu.memref_squeeze %dma_wait3A_184 : memref<1x130x96xi32, #tpu.memory_space<hbm>> -> memref<130x96xi32, #tpu.memory_space<hbm>>
      tpu.wait_dma2 semaphore(%run_scoped3A : memref<!tpu.dma_semaphore, #tpu.memory_space<semaphore_mem>>) src(%dma_wait3A_185 : memref<130x96xi32, #tpu.memory_space<hbm>>) dst(%arg7 : memref<130x96xi32, #tpu.memory_space<vmem>>)
      tpu.yield
    }) : () -> ()
    "tpu.region"() ({
      %run_scoped3A = tpu.sem_alloc : memref<!tpu.dma_semaphore, #tpu.memory_space<semaphore_mem>>
      %dma_start3A_170 = arith.constant 0 : i32
      %dma_start3A_171 = arith.constant 0 : i32
      %dma_start3A_172 = tpu.memref_slice %arg4[%add3A, %dma_start3A_170, %dma_start3A_171] : memref<32x130x96xi32, #tpu.memory_space<hbm>> -> memref<1x130x96xi32, #tpu.memory_space<hbm>>
      %dma_start3A_173 = tpu.memref_squeeze %dma_start3A_172 : memref<1x130x96xi32, #tpu.memory_space<hbm>> -> memref<130x96xi32, #tpu.memory_space<hbm>>
      %dma_start3A_174 = arith.constant 0 : i32
      %dma_start3A_175 = arith.constant 0 : i32
      %dma_start3A_176 = tpu.memref_slice %arg4[%add3A, %dma_start3A_174, %dma_start3A_175] : memref<32x130x96xi32, #tpu.memory_space<hbm>> -> memref<1x130x96xi32, #tpu.memory_space<hbm>>
      %dma_start3A_177 = tpu.memref_squeeze %dma_start3A_176 : memref<1x130x96xi32, #tpu.memory_space<hbm>> -> memref<130x96xi32, #tpu.memory_space<hbm>>
      tpu.enqueue_dma source(%dma_start3A_177 : memref<130x96xi32, #tpu.memory_space<hbm>>) target(%arg8 : memref<130x96xi32, #tpu.memory_space<vmem>>) target_semaphore(%run_scoped3A : memref<!tpu.dma_semaphore, #tpu.memory_space<semaphore_mem>>)
      %dma_wait3A_178 = arith.constant 0 : i32
      %dma_wait3A_179 = arith.constant 0 : i32
      %dma_wait3A_180 = tpu.memref_slice %arg4[%add3A, %dma_wait3A_178, %dma_wait3A_179] : memref<32x130x96xi32, #tpu.memory_space<hbm>> -> memref<1x130x96xi32, #tpu.memory_space<hbm>>
      %dma_wait3A_181 = tpu.memref_squeeze %dma_wait3A_180 : memref<1x130x96xi32, #tpu.memory_space<hbm>> -> memref<130x96xi32, #tpu.memory_space<hbm>>
      %dma_wait3A_182 = arith.constant 0 : i32
      %dma_wait3A_183 = arith.constant 0 : i32
      %dma_wait3A_184 = tpu.memref_slice %arg4[%add3A, %dma_wait3A_182, %dma_wait3A_183] : memref<32x130x96xi32, #tpu.memory_space<hbm>> -> memref<1x130x96xi32, #tpu.memory_space<hbm>>
      %dma_wait3A_185 = tpu.memref_squeeze %dma_wait3A_184 : memref<1x130x96xi32, #tpu.memory_space<hbm>> -> memref<130x96xi32, #tpu.memory_space<hbm>>
      tpu.wait_dma2 semaphore(%run_scoped3A : memref<!tpu.dma_semaphore, #tpu.memory_space<semaphore_mem>>) src(%dma_wait3A_185 : memref<130x96xi32, #tpu.memory_space<hbm>>) dst(%arg8 : memref<130x96xi32, #tpu.memory_space<vmem>>)
      tpu.yield
    }) : () -> ()
    %barrier3A = arith.constant 0 : index
    tpu.barrier barrier_id(%barrier3A)
    %dma_start3A = arith.constant 0 : i32
    %dma_start3A_5 = arith.constant 0 : i32
    %dma_start3A_6 = arith.constant 0 : i32
    %dma_start3A_7 = arith.constant 0 : i32
    %dma_start3A_8 = tpu.memref_slice %arg9[%dma_start3A_5, %dma_start3A_6, %dma_start3A_7] : memref<2x96x128xf32, #tpu.memory_space<vmem>> -> memref<1x96x128xf32, #tpu.memory_space<vmem>>
    %dma_start3A_9 = tpu.memref_squeeze %dma_start3A_8 : memref<1x96x128xf32, #tpu.memory_space<vmem>> -> memref<96x128xf32, #tpu.memory_space<vmem>>
    %dma_start3A_10 = arith.constant 0 : i32
    %dma_start3A_11 = tpu.memref_slice %arg7[%dma_start3A, %dma_start3A_10] : memref<130x96xi32, #tpu.memory_space<vmem>> -> memref<1x96xi32, #tpu.memory_space<vmem>>
    %dma_start3A_12 = tpu.memref_squeeze %dma_start3A_11 : memref<1x96xi32, #tpu.memory_space<vmem>> -> memref<96xi32, #tpu.memory_space<vmem>>
    %dma_start3A_13 = arith.constant 0 : i32
    %dma_start3A_14 = arith.constant 0 : i32
    %dma_start3A_15 = tpu.memref_slice %arg2[%dma_start3A_13, %dma_start3A_14] : memref<10000x128xf32, #tpu.memory_space<hbm>> -> memref<10000x128xf32, #tpu.memory_space<hbm>>
    tpu.enqueue_indirect_dma source(%dma_start3A_15 : memref<10000x128xf32, #tpu.memory_space<hbm>>) target(%dma_start3A_9 : memref<96x128xf32, #tpu.memory_space<vmem>>) offsets(%dma_start3A_12 : memref<96xi32, #tpu.memory_space<vmem>>) semaphore(%arg11 : memref<!tpu.dma_semaphore, #tpu.memory_space<semaphore_mem>>)
    %dma_wait3A = arith.constant 0 : i32
    %dma_wait3A_16 = arith.constant 0 : i32
    %dma_wait3A_17 = arith.constant 0 : i32
    %dma_wait3A_18 = tpu.memref_slice %arg9[%dma_wait3A, %dma_wait3A_16, %dma_wait3A_17] : memref<2x96x128xf32, #tpu.memory_space<vmem>> -> memref<1x96x128xf32, #tpu.memory_space<vmem>>
    %dma_wait3A_19 = tpu.memref_squeeze %dma_wait3A_18 : memref<1x96x128xf32, #tpu.memory_space<vmem>> -> memref<96x128xf32, #tpu.memory_space<vmem>>
    %dma_wait3A_20 = arith.constant 0 : i32
    %dma_wait3A_21 = arith.constant 0 : i32
    %dma_wait3A_22 = tpu.memref_slice %arg2[%dma_wait3A_20, %dma_wait3A_21] : memref<10000x128xf32, #tpu.memory_space<hbm>> -> memref<96x128xf32, #tpu.memory_space<hbm>>
    %dma_wait3A_23 = arith.constant 0 : i32
    %dma_wait3A_24 = arith.constant 0 : i32
    %dma_wait3A_25 = tpu.memref_slice %arg9[%dma_wait3A, %dma_wait3A_23, %dma_wait3A_24] : memref<2x96x128xf32, #tpu.memory_space<vmem>> -> memref<1x96x128xf32, #tpu.memory_space<vmem>>
    %dma_wait3A_26 = tpu.memref_squeeze %dma_wait3A_25 : memref<1x96x128xf32, #tpu.memory_space<vmem>> -> memref<96x128xf32, #tpu.memory_space<vmem>>
    %dma_wait3A_27 = arith.constant 0 : i32
    %dma_wait3A_28 = arith.constant 0 : i32
    %dma_wait3A_29 = tpu.memref_slice %arg2[%dma_wait3A_27, %dma_wait3A_28] : memref<10000x128xf32, #tpu.memory_space<hbm>> -> memref<96x128xf32, #tpu.memory_space<hbm>>
    tpu.wait_dma2 semaphore(%arg11 : memref<!tpu.dma_semaphore, #tpu.memory_space<semaphore_mem>>) src(%dma_wait3A_29 : memref<96x128xf32, #tpu.memory_space<hbm>>) dst(%dma_wait3A_26 : memref<96x128xf32, #tpu.memory_space<vmem>>)
    %dma_start3A_30 = arith.constant 1 : i32
    %dma_start3A_31 = arith.constant 1 : i32
    %dma_start3A_32 = arith.constant 0 : i32
    %dma_start3A_33 = arith.constant 0 : i32
    %dma_start3A_34 = tpu.memref_slice %arg9[%dma_start3A_31, %dma_start3A_32, %dma_start3A_33] : memref<2x96x128xf32, #tpu.memory_space<vmem>> -> memref<1x96x128xf32, #tpu.memory_space<vmem>>
    %dma_start3A_35 = tpu.memref_squeeze %dma_start3A_34 : memref<1x96x128xf32, #tpu.memory_space<vmem>> -> memref<96x128xf32, #tpu.memory_space<vmem>>
    %dma_start3A_36 = arith.constant 0 : i32
    %dma_start3A_37 = tpu.memref_slice %arg7[%dma_start3A_30, %dma_start3A_36] : memref<130x96xi32, #tpu.memory_space<vmem>> -> memref<1x96xi32, #tpu.memory_space<vmem>>
    %dma_start3A_38 = tpu.memref_squeeze %dma_start3A_37 : memref<1x96xi32, #tpu.memory_space<vmem>> -> memref<96xi32, #tpu.memory_space<vmem>>
    %dma_start3A_39 = arith.constant 0 : i32
    %dma_start3A_40 = arith.constant 0 : i32
    %dma_start3A_41 = tpu.memref_slice %arg2[%dma_start3A_39, %dma_start3A_40] : memref<10000x128xf32, #tpu.memory_space<hbm>> -> memref<10000x128xf32, #tpu.memory_space<hbm>>
    tpu.enqueue_indirect_dma source(%dma_start3A_41 : memref<10000x128xf32, #tpu.memory_space<hbm>>) target(%dma_start3A_35 : memref<96x128xf32, #tpu.memory_space<vmem>>) offsets(%dma_start3A_38 : memref<96xi32, #tpu.memory_space<vmem>>) semaphore(%arg12 : memref<!tpu.dma_semaphore, #tpu.memory_space<semaphore_mem>>)
    %dma_start3A_42 = arith.constant 0 : i32
    %dma_start3A_43 = arith.constant 0 : i32
    %dma_start3A_44 = arith.constant 0 : i32
    %dma_start3A_45 = arith.constant 0 : i32
    %dma_start3A_46 = tpu.memref_slice %arg9[%dma_start3A_42, %dma_start3A_44, %dma_start3A_45] : memref<2x96x128xf32, #tpu.memory_space<vmem>> -> memref<1x96x128xf32, #tpu.memory_space<vmem>>
    %dma_start3A_47 = tpu.memref_squeeze %dma_start3A_46 : memref<1x96x128xf32, #tpu.memory_space<vmem>> -> memref<96x128xf32, #tpu.memory_space<vmem>>
    %dma_start3A_48 = arith.constant 0 : i32
    %dma_start3A_49 = tpu.memref_slice %arg8[%dma_start3A_43, %dma_start3A_48] : memref<130x96xi32, #tpu.memory_space<vmem>> -> memref<1x96xi32, #tpu.memory_space<vmem>>
    %dma_start3A_50 = tpu.memref_squeeze %dma_start3A_49 : memref<1x96xi32, #tpu.memory_space<vmem>> -> memref<96xi32, #tpu.memory_space<vmem>>
    %dma_start3A_51 = arith.constant 0 : i32
    %dma_start3A_52 = arith.constant 0 : i32
    %dma_start3A_53 = tpu.memref_slice %arg10[%dma_start3A_51, %dma_start3A_52] : memref<10112x128xf32, #tpu.memory_space<vmem_shared>> -> memref<10112x128xf32, #tpu.memory_space<vmem_shared>>
    tpu.enqueue_indirect_dma source(%dma_start3A_47 : memref<96x128xf32, #tpu.memory_space<vmem>>) target(%dma_start3A_53 : memref<10112x128xf32, #tpu.memory_space<vmem_shared>>) offsets(%dma_start3A_50 : memref<96xi32, #tpu.memory_space<vmem>>) semaphore(%arg13 : memref<!tpu.dma_semaphore, #tpu.memory_space<semaphore_mem>>) {add = true}
    %dma_wait3A_54 = arith.constant 1 : i32
    %dma_wait3A_55 = arith.constant 0 : i32
    %dma_wait3A_56 = arith.constant 0 : i32
    %dma_wait3A_57 = tpu.memref_slice %arg9[%dma_wait3A_54, %dma_wait3A_55, %dma_wait3A_56] : memref<2x96x128xf32, #tpu.memory_space<vmem>> -> memref<1x96x128xf32, #tpu.memory_space<vmem>>
    %dma_wait3A_58 = tpu.memref_squeeze %dma_wait3A_57 : memref<1x96x128xf32, #tpu.memory_space<vmem>> -> memref<96x128xf32, #tpu.memory_space<vmem>>
    %dma_wait3A_59 = arith.constant 0 : i32
    %dma_wait3A_60 = arith.constant 0 : i32
    %dma_wait3A_61 = tpu.memref_slice %arg2[%dma_wait3A_59, %dma_wait3A_60] : memref<10000x128xf32, #tpu.memory_space<hbm>> -> memref<96x128xf32, #tpu.memory_space<hbm>>
    %dma_wait3A_62 = arith.constant 0 : i32
    %dma_wait3A_63 = arith.constant 0 : i32
    %dma_wait3A_64 = tpu.memref_slice %arg9[%dma_wait3A_54, %dma_wait3A_62, %dma_wait3A_63] : memref<2x96x128xf32, #tpu.memory_space<vmem>> -> memref<1x96x128xf32, #tpu.memory_space<vmem>>
    %dma_wait3A_65 = tpu.memref_squeeze %dma_wait3A_64 : memref<1x96x128xf32, #tpu.memory_space<vmem>> -> memref<96x128xf32, #tpu.memory_space<vmem>>
    %dma_wait3A_66 = arith.constant 0 : i32
    %dma_wait3A_67 = arith.constant 0 : i32
    %dma_wait3A_68 = tpu.memref_slice %arg2[%dma_wait3A_66, %dma_wait3A_67] : memref<10000x128xf32, #tpu.memory_space<hbm>> -> memref<96x128xf32, #tpu.memory_space<hbm>>
    tpu.wait_dma2 semaphore(%arg12 : memref<!tpu.dma_semaphore, #tpu.memory_space<semaphore_mem>>) src(%dma_wait3A_68 : memref<96x128xf32, #tpu.memory_space<hbm>>) dst(%dma_wait3A_65 : memref<96x128xf32, #tpu.memory_space<vmem>>)
    %dma_wait3A_69 = arith.constant 0 : i32
    %dma_wait3A_70 = arith.constant 0 : i32
    %dma_wait3A_71 = arith.constant 0 : i32
    %dma_wait3A_72 = tpu.memref_slice %arg9[%dma_wait3A_69, %dma_wait3A_70, %dma_wait3A_71] : memref<2x96x128xf32, #tpu.memory_space<vmem>> -> memref<1x96x128xf32, #tpu.memory_space<vmem>>
    %dma_wait3A_73 = tpu.memref_squeeze %dma_wait3A_72 : memref<1x96x128xf32, #tpu.memory_space<vmem>> -> memref<96x128xf32, #tpu.memory_space<vmem>>
    %dma_wait3A_74 = arith.constant 0 : i32
    %dma_wait3A_75 = arith.constant 0 : i32
    %dma_wait3A_76 = tpu.memref_slice %arg2[%dma_wait3A_74, %dma_wait3A_75] : memref<10000x128xf32, #tpu.memory_space<hbm>> -> memref<96x128xf32, #tpu.memory_space<hbm>>
    %dma_wait3A_77 = arith.constant 0 : i32
    %dma_wait3A_78 = arith.constant 0 : i32
    %dma_wait3A_79 = tpu.memref_slice %arg9[%dma_wait3A_69, %dma_wait3A_77, %dma_wait3A_78] : memref<2x96x128xf32, #tpu.memory_space<vmem>> -> memref<1x96x128xf32, #tpu.memory_space<vmem>>
    %dma_wait3A_80 = tpu.memref_squeeze %dma_wait3A_79 : memref<1x96x128xf32, #tpu.memory_space<vmem>> -> memref<96x128xf32, #tpu.memory_space<vmem>>
    %dma_wait3A_81 = arith.constant 0 : i32
    %dma_wait3A_82 = arith.constant 0 : i32
    %dma_wait3A_83 = tpu.memref_slice %arg2[%dma_wait3A_81, %dma_wait3A_82] : memref<10000x128xf32, #tpu.memory_space<hbm>> -> memref<96x128xf32, #tpu.memory_space<hbm>>
    tpu.wait_dma2 semaphore(%arg13 : memref<!tpu.dma_semaphore, #tpu.memory_space<semaphore_mem>>) src(%dma_wait3A_83 : memref<96x128xf32, #tpu.memory_space<hbm>>) dst(%dma_wait3A_80 : memref<96x128xf32, #tpu.memory_space<vmem>>)
    %dma_start3A_84 = arith.constant 2 : i32
    %dma_start3A_85 = arith.constant 0 : i32
    %dma_start3A_86 = arith.constant 0 : i32
    %dma_start3A_87 = arith.constant 0 : i32
    %dma_start3A_88 = tpu.memref_slice %arg9[%dma_start3A_85, %dma_start3A_86, %dma_start3A_87] : memref<2x96x128xf32, #tpu.memory_space<vmem>> -> memref<1x96x128xf32, #tpu.memory_space<vmem>>
    %dma_start3A_89 = tpu.memref_squeeze %dma_start3A_88 : memref<1x96x128xf32, #tpu.memory_space<vmem>> -> memref<96x128xf32, #tpu.memory_space<vmem>>
    %dma_start3A_90 = arith.constant 0 : i32
    %dma_start3A_91 = tpu.memref_slice %arg7[%dma_start3A_84, %dma_start3A_90] : memref<130x96xi32, #tpu.memory_space<vmem>> -> memref<1x96xi32, #tpu.memory_space<vmem>>
    %dma_start3A_92 = tpu.memref_squeeze %dma_start3A_91 : memref<1x96xi32, #tpu.memory_space<vmem>> -> memref<96xi32, #tpu.memory_space<vmem>>
    %dma_start3A_93 = arith.constant 0 : i32
    %dma_start3A_94 = arith.constant 0 : i32
    %dma_start3A_95 = tpu.memref_slice %arg2[%dma_start3A_93, %dma_start3A_94] : memref<10000x128xf32, #tpu.memory_space<hbm>> -> memref<10000x128xf32, #tpu.memory_space<hbm>>
    tpu.enqueue_indirect_dma source(%dma_start3A_95 : memref<10000x128xf32, #tpu.memory_space<hbm>>) target(%dma_start3A_89 : memref<96x128xf32, #tpu.memory_space<vmem>>) offsets(%dma_start3A_92 : memref<96xi32, #tpu.memory_space<vmem>>) semaphore(%arg11 : memref<!tpu.dma_semaphore, #tpu.memory_space<semaphore_mem>>)
    %dma_start3A_96 = arith.constant 1 : i32
    %dma_start3A_97 = arith.constant 1 : i32
    %dma_start3A_98 = arith.constant 0 : i32
    %dma_start3A_99 = arith.constant 0 : i32
    %dma_start3A_100 = tpu.memref_slice %arg9[%dma_start3A_96, %dma_start3A_98, %dma_start3A_99] : memref<2x96x128xf32, #tpu.memory_space<vmem>> -> memref<1x96x128xf32, #tpu.memory_space<vmem>>
    %dma_start3A_101 = tpu.memref_squeeze %dma_start3A_100 : memref<1x96x128xf32, #tpu.memory_space<vmem>> -> memref<96x128xf32, #tpu.memory_space<vmem>>
    %dma_start3A_102 = arith.constant 0 : i32
    %dma_start3A_103 = tpu.memref_slice %arg8[%dma_start3A_97, %dma_start3A_102] : memref<130x96xi32, #tpu.memory_space<vmem>> -> memref<1x96xi32, #tpu.memory_space<vmem>>
    %dma_start3A_104 = tpu.memref_squeeze %dma_start3A_103 : memref<1x96xi32, #tpu.memory_space<vmem>> -> memref<96xi32, #tpu.memory_space<vmem>>
    %dma_start3A_105 = arith.constant 0 : i32
    %dma_start3A_106 = arith.constant 0 : i32
    %dma_start3A_107 = tpu.memref_slice %arg10[%dma_start3A_105, %dma_start3A_106] : memref<10112x128xf32, #tpu.memory_space<vmem_shared>> -> memref<10112x128xf32, #tpu.memory_space<vmem_shared>>
    tpu.enqueue_indirect_dma source(%dma_start3A_101 : memref<96x128xf32, #tpu.memory_space<vmem>>) target(%dma_start3A_107 : memref<10112x128xf32, #tpu.memory_space<vmem_shared>>) offsets(%dma_start3A_104 : memref<96xi32, #tpu.memory_space<vmem>>) semaphore(%arg14 : memref<!tpu.dma_semaphore, #tpu.memory_space<semaphore_mem>>) {add = true}
    %jit3A_108 = arith.constant 2 : i32
    %div3A = arith.divsi %select_n3A, %jit3A_108 : i32
    %sign3A = arith.constant 0 : i32
    %sign3A_109 = arith.cmpi sgt, %select_n3A, %sign3A : i32
    %sign3A_110 = arith.extui %sign3A_109 : i1 to i32
    %sign3A_111 = arith.constant 0 : i32
    %sign3A_112 = arith.cmpi slt, %select_n3A, %sign3A_111 : i32
    %sign3A_113 = arith.extui %sign3A_112 : i1 to i32
    %sign3A_114 = arith.subi %sign3A_110, %sign3A_113 : i32
    %sign3A_115 = arith.constant 0 : i32
    %sign3A_116 = arith.cmpi sgt, %jit3A_108, %sign3A_115 : i32
    %sign3A_117 = arith.extui %sign3A_116 : i1 to i32
    %sign3A_118 = arith.constant 0 : i32
    %sign3A_119 = arith.cmpi slt, %jit3A_108, %sign3A_118 : i32
    %sign3A_120 = arith.extui %sign3A_119 : i1 to i32
    %sign3A_121 = arith.subi %sign3A_117, %sign3A_120 : i32
    %ne3A = arith.cmpi ne, %sign3A_114, %sign3A_121 : i32
    %rem3A = arith.remsi %select_n3A, %jit3A_108 : i32
    %ne3A_122 = arith.constant 0 : i32
    %ne3A_123 = arith.cmpi ne, %rem3A, %ne3A_122 : i32
    %and3A = arith.andi %ne3A, %ne3A_123 : i1
    %sub3A = arith.constant 1 : i32
    %sub3A_124 = arith.subi %div3A, %sub3A : i32
    %select_n3A_125 = arith.select %and3A, %sub3A_124, %div3A : i32
    %while3A = arith.constant 0 : i32
    %while3A_126 = arith.constant 1 : i32
    %while3A_127 = arith.subi %select_n3A_125, %while3A_126 : i32
    %while3A_128 = arith.addi %while3A_126, %while3A_127 : i32
    %while3A_129 = arith.constant 1 : i32
    %while3A_130 = arith.divsi %while3A_127, %while3A_129 : i32
    %while3A_131 = arith.muli %while3A_130, %while3A_129 : i32
    %while3A_132 = arith.addi %while3A_126, %while3A_131 : i32
    %while3A_133 = arith.constant 1 : i32
    scf.for %while3A_170 = %while3A_126 to %while3A_132 step %while3A_133  : i32 {
      %mul3A_171 = arith.constant 2 : i32
      %mul3A_172 = arith.muli %mul3A_171, %while3A_170 : i32
      %dma_wait3A_173 = arith.constant 0 : i32
      %dma_wait3A_174 = arith.constant 0 : i32
      %dma_wait3A_175 = arith.constant 0 : i32
      %dma_wait3A_176 = tpu.memref_slice %arg9[%dma_wait3A_173, %dma_wait3A_174, %dma_wait3A_175] : memref<2x96x128xf32, #tpu.memory_space<vmem>> -> memref<1x96x128xf32, #tpu.memory_space<vmem>>
      %dma_wait3A_177 = tpu.memref_squeeze %dma_wait3A_176 : memref<1x96x128xf32, #tpu.memory_space<vmem>> -> memref<96x128xf32, #tpu.memory_space<vmem>>
      %dma_wait3A_178 = arith.constant 0 : i32
      %dma_wait3A_179 = arith.constant 0 : i32
      %dma_wait3A_180 = tpu.memref_slice %arg2[%dma_wait3A_178, %dma_wait3A_179] : memref<10000x128xf32, #tpu.memory_space<hbm>> -> memref<96x128xf32, #tpu.memory_space<hbm>>
      %dma_wait3A_181 = arith.constant 0 : i32
      %dma_wait3A_182 = arith.constant 0 : i32
      %dma_wait3A_183 = tpu.memref_slice %arg9[%dma_wait3A_173, %dma_wait3A_181, %dma_wait3A_182] : memref<2x96x128xf32, #tpu.memory_space<vmem>> -> memref<1x96x128xf32, #tpu.memory_space<vmem>>
      %dma_wait3A_184 = tpu.memref_squeeze %dma_wait3A_183 : memref<1x96x128xf32, #tpu.memory_space<vmem>> -> memref<96x128xf32, #tpu.memory_space<vmem>>
      %dma_wait3A_185 = arith.constant 0 : i32
      %dma_wait3A_186 = arith.constant 0 : i32
      %dma_wait3A_187 = tpu.memref_slice %arg2[%dma_wait3A_185, %dma_wait3A_186] : memref<10000x128xf32, #tpu.memory_space<hbm>> -> memref<96x128xf32, #tpu.memory_space<hbm>>
      tpu.wait_dma2 semaphore(%arg11 : memref<!tpu.dma_semaphore, #tpu.memory_space<semaphore_mem>>) src(%dma_wait3A_187 : memref<96x128xf32, #tpu.memory_space<hbm>>) dst(%dma_wait3A_184 : memref<96x128xf32, #tpu.memory_space<vmem>>)
      %dma_wait3A_188 = arith.constant 1 : i32
      %dma_wait3A_189 = arith.constant 0 : i32
      %dma_wait3A_190 = arith.constant 0 : i32
      %dma_wait3A_191 = tpu.memref_slice %arg9[%dma_wait3A_188, %dma_wait3A_189, %dma_wait3A_190] : memref<2x96x128xf32, #tpu.memory_space<vmem>> -> memref<1x96x128xf32, #tpu.memory_space<vmem>>
      %dma_wait3A_192 = tpu.memref_squeeze %dma_wait3A_191 : memref<1x96x128xf32, #tpu.memory_space<vmem>> -> memref<96x128xf32, #tpu.memory_space<vmem>>
      %dma_wait3A_193 = arith.constant 0 : i32
      %dma_wait3A_194 = arith.constant 0 : i32
      %dma_wait3A_195 = tpu.memref_slice %arg2[%dma_wait3A_193, %dma_wait3A_194] : memref<10000x128xf32, #tpu.memory_space<hbm>> -> memref<96x128xf32, #tpu.memory_space<hbm>>
      %dma_wait3A_196 = arith.constant 0 : i32
      %dma_wait3A_197 = arith.constant 0 : i32
      %dma_wait3A_198 = tpu.memref_slice %arg9[%dma_wait3A_188, %dma_wait3A_196, %dma_wait3A_197] : memref<2x96x128xf32, #tpu.memory_space<vmem>> -> memref<1x96x128xf32, #tpu.memory_space<vmem>>
      %dma_wait3A_199 = tpu.memref_squeeze %dma_wait3A_198 : memref<1x96x128xf32, #tpu.memory_space<vmem>> -> memref<96x128xf32, #tpu.memory_space<vmem>>
      %dma_wait3A_200 = arith.constant 0 : i32
      %dma_wait3A_201 = arith.constant 0 : i32
      %dma_wait3A_202 = tpu.memref_slice %arg2[%dma_wait3A_200, %dma_wait3A_201] : memref<10000x128xf32, #tpu.memory_space<hbm>> -> memref<96x128xf32, #tpu.memory_space<hbm>>
      tpu.wait_dma2 semaphore(%arg14 : memref<!tpu.dma_semaphore, #tpu.memory_space<semaphore_mem>>) src(%dma_wait3A_202 : memref<96x128xf32, #tpu.memory_space<hbm>>) dst(%dma_wait3A_199 : memref<96x128xf32, #tpu.memory_space<vmem>>)
      %add3A_203 = arith.constant 1 : i32
      %add3A_204 = arith.addi %mul3A_172, %add3A_203 : i32
      %dma_start3A_205 = arith.constant 1 : i32
      %dma_start3A_206 = arith.constant 0 : i32
      %dma_start3A_207 = arith.constant 0 : i32
      %dma_start3A_208 = tpu.memref_slice %arg9[%dma_start3A_205, %dma_start3A_206, %dma_start3A_207] : memref<2x96x128xf32, #tpu.memory_space<vmem>> -> memref<1x96x128xf32, #tpu.memory_space<vmem>>
      %dma_start3A_209 = tpu.memref_squeeze %dma_start3A_208 : memref<1x96x128xf32, #tpu.memory_space<vmem>> -> memref<96x128xf32, #tpu.memory_space<vmem>>
      %dma_start3A_210 = arith.constant 0 : i32
      %dma_start3A_211 = tpu.memref_slice %arg7[%add3A_204, %dma_start3A_210] : memref<130x96xi32, #tpu.memory_space<vmem>> -> memref<1x96xi32, #tpu.memory_space<vmem>>
      %dma_start3A_212 = tpu.memref_squeeze %dma_start3A_211 : memref<1x96xi32, #tpu.memory_space<vmem>> -> memref<96xi32, #tpu.memory_space<vmem>>
      %dma_start3A_213 = arith.constant 0 : i32
      %dma_start3A_214 = arith.constant 0 : i32
      %dma_start3A_215 = tpu.memref_slice %arg2[%dma_start3A_213, %dma_start3A_214] : memref<10000x128xf32, #tpu.memory_space<hbm>> -> memref<10000x128xf32, #tpu.memory_space<hbm>>
      tpu.enqueue_indirect_dma source(%dma_start3A_215 : memref<10000x128xf32, #tpu.memory_space<hbm>>) target(%dma_start3A_209 : memref<96x128xf32, #tpu.memory_space<vmem>>) offsets(%dma_start3A_212 : memref<96xi32, #tpu.memory_space<vmem>>) semaphore(%arg12 : memref<!tpu.dma_semaphore, #tpu.memory_space<semaphore_mem>>)
      %dma_start3A_216 = arith.constant 0 : i32
      %dma_start3A_217 = arith.constant 0 : i32
      %dma_start3A_218 = arith.constant 0 : i32
      %dma_start3A_219 = tpu.memref_slice %arg9[%dma_start3A_216, %dma_start3A_217, %dma_start3A_218] : memref<2x96x128xf32, #tpu.memory_space<vmem>> -> memref<1x96x128xf32, #tpu.memory_space<vmem>>
      %dma_start3A_220 = tpu.memref_squeeze %dma_start3A_219 : memref<1x96x128xf32, #tpu.memory_space<vmem>> -> memref<96x128xf32, #tpu.memory_space<vmem>>
      %dma_start3A_221 = arith.constant 0 : i32
      %dma_start3A_222 = tpu.memref_slice %arg8[%mul3A_172, %dma_start3A_221] : memref<130x96xi32, #tpu.memory_space<vmem>> -> memref<1x96xi32, #tpu.memory_space<vmem>>
      %dma_start3A_223 = tpu.memref_squeeze %dma_start3A_222 : memref<1x96xi32, #tpu.memory_space<vmem>> -> memref<96xi32, #tpu.memory_space<vmem>>
      %dma_start3A_224 = arith.constant 0 : i32
      %dma_start3A_225 = arith.constant 0 : i32
      %dma_start3A_226 = tpu.memref_slice %arg10[%dma_start3A_224, %dma_start3A_225] : memref<10112x128xf32, #tpu.memory_space<vmem_shared>> -> memref<10112x128xf32, #tpu.memory_space<vmem_shared>>
      tpu.enqueue_indirect_dma source(%dma_start3A_220 : memref<96x128xf32, #tpu.memory_space<vmem>>) target(%dma_start3A_226 : memref<10112x128xf32, #tpu.memory_space<vmem_shared>>) offsets(%dma_start3A_223 : memref<96xi32, #tpu.memory_space<vmem>>) semaphore(%arg13 : memref<!tpu.dma_semaphore, #tpu.memory_space<semaphore_mem>>) {add = true}
      %dma_wait3A_227 = arith.constant 1 : i32
      %dma_wait3A_228 = arith.constant 0 : i32
      %dma_wait3A_229 = arith.constant 0 : i32
      %dma_wait3A_230 = tpu.memref_slice %arg9[%dma_wait3A_227, %dma_wait3A_228, %dma_wait3A_229] : memref<2x96x128xf32, #tpu.memory_space<vmem>> -> memref<1x96x128xf32, #tpu.memory_space<vmem>>
      %dma_wait3A_231 = tpu.memref_squeeze %dma_wait3A_230 : memref<1x96x128xf32, #tpu.memory_space<vmem>> -> memref<96x128xf32, #tpu.memory_space<vmem>>
      %dma_wait3A_232 = arith.constant 0 : i32
      %dma_wait3A_233 = arith.constant 0 : i32
      %dma_wait3A_234 = tpu.memref_slice %arg2[%dma_wait3A_232, %dma_wait3A_233] : memref<10000x128xf32, #tpu.memory_space<hbm>> -> memref<96x128xf32, #tpu.memory_space<hbm>>
      %dma_wait3A_235 = arith.constant 0 : i32
      %dma_wait3A_236 = arith.constant 0 : i32
      %dma_wait3A_237 = tpu.memref_slice %arg9[%dma_wait3A_227, %dma_wait3A_235, %dma_wait3A_236] : memref<2x96x128xf32, #tpu.memory_space<vmem>> -> memref<1x96x128xf32, #tpu.memory_space<vmem>>
      %dma_wait3A_238 = tpu.memref_squeeze %dma_wait3A_237 : memref<1x96x128xf32, #tpu.memory_space<vmem>> -> memref<96x128xf32, #tpu.memory_space<vmem>>
      %dma_wait3A_239 = arith.constant 0 : i32
      %dma_wait3A_240 = arith.constant 0 : i32
      %dma_wait3A_241 = tpu.memref_slice %arg2[%dma_wait3A_239, %dma_wait3A_240] : memref<10000x128xf32, #tpu.memory_space<hbm>> -> memref<96x128xf32, #tpu.memory_space<hbm>>
      tpu.wait_dma2 semaphore(%arg12 : memref<!tpu.dma_semaphore, #tpu.memory_space<semaphore_mem>>) src(%dma_wait3A_241 : memref<96x128xf32, #tpu.memory_space<hbm>>) dst(%dma_wait3A_238 : memref<96x128xf32, #tpu.memory_space<vmem>>)
      %dma_wait3A_242 = arith.constant 0 : i32
      %dma_wait3A_243 = arith.constant 0 : i32
      %dma_wait3A_244 = arith.constant 0 : i32
      %dma_wait3A_245 = tpu.memref_slice %arg9[%dma_wait3A_242, %dma_wait3A_243, %dma_wait3A_244] : memref<2x96x128xf32, #tpu.memory_space<vmem>> -> memref<1x96x128xf32, #tpu.memory_space<vmem>>
      %dma_wait3A_246 = tpu.memref_squeeze %dma_wait3A_245 : memref<1x96x128xf32, #tpu.memory_space<vmem>> -> memref<96x128xf32, #tpu.memory_space<vmem>>
      %dma_wait3A_247 = arith.constant 0 : i32
      %dma_wait3A_248 = arith.constant 0 : i32
      %dma_wait3A_249 = tpu.memref_slice %arg2[%dma_wait3A_247, %dma_wait3A_248] : memref<10000x128xf32, #tpu.memory_space<hbm>> -> memref<96x128xf32, #tpu.memory_space<hbm>>
      %dma_wait3A_250 = arith.constant 0 : i32
      %dma_wait3A_251 = arith.constant 0 : i32
      %dma_wait3A_252 = tpu.memref_slice %arg9[%dma_wait3A_242, %dma_wait3A_250, %dma_wait3A_251] : memref<2x96x128xf32, #tpu.memory_space<vmem>> -> memref<1x96x128xf32, #tpu.memory_space<vmem>>
      %dma_wait3A_253 = tpu.memref_squeeze %dma_wait3A_252 : memref<1x96x128xf32, #tpu.memory_space<vmem>> -> memref<96x128xf32, #tpu.memory_space<vmem>>
      %dma_wait3A_254 = arith.constant 0 : i32
      %dma_wait3A_255 = arith.constant 0 : i32
      %dma_wait3A_256 = tpu.memref_slice %arg2[%dma_wait3A_254, %dma_wait3A_255] : memref<10000x128xf32, #tpu.memory_space<hbm>> -> memref<96x128xf32, #tpu.memory_space<hbm>>
      tpu.wait_dma2 semaphore(%arg13 : memref<!tpu.dma_semaphore, #tpu.memory_space<semaphore_mem>>) src(%dma_wait3A_256 : memref<96x128xf32, #tpu.memory_space<hbm>>) dst(%dma_wait3A_253 : memref<96x128xf32, #tpu.memory_space<vmem>>)
      %add3A_257 = arith.constant 2 : i32
      %add3A_258 = arith.addi %mul3A_172, %add3A_257 : i32
      %sub3A_259 = arith.constant 1 : i32
      %sub3A_260 = arith.subi %select_n3A, %sub3A_259 : i32
      %min3A = arith.minsi %add3A_258, %sub3A_260 : i32
      %dma_start3A_261 = arith.constant 0 : i32
      %dma_start3A_262 = arith.constant 0 : i32
      %dma_start3A_263 = arith.constant 0 : i32
      %dma_start3A_264 = tpu.memref_slice %arg9[%dma_start3A_261, %dma_start3A_262, %dma_start3A_263] : memref<2x96x128xf32, #tpu.memory_space<vmem>> -> memref<1x96x128xf32, #tpu.memory_space<vmem>>
      %dma_start3A_265 = tpu.memref_squeeze %dma_start3A_264 : memref<1x96x128xf32, #tpu.memory_space<vmem>> -> memref<96x128xf32, #tpu.memory_space<vmem>>
      %dma_start3A_266 = arith.constant 0 : i32
      %dma_start3A_267 = tpu.memref_slice %arg7[%min3A, %dma_start3A_266] : memref<130x96xi32, #tpu.memory_space<vmem>> -> memref<1x96xi32, #tpu.memory_space<vmem>>
      %dma_start3A_268 = tpu.memref_squeeze %dma_start3A_267 : memref<1x96xi32, #tpu.memory_space<vmem>> -> memref<96xi32, #tpu.memory_space<vmem>>
      %dma_start3A_269 = arith.constant 0 : i32
      %dma_start3A_270 = arith.constant 0 : i32
      %dma_start3A_271 = tpu.memref_slice %arg2[%dma_start3A_269, %dma_start3A_270] : memref<10000x128xf32, #tpu.memory_space<hbm>> -> memref<10000x128xf32, #tpu.memory_space<hbm>>
      tpu.enqueue_indirect_dma source(%dma_start3A_271 : memref<10000x128xf32, #tpu.memory_space<hbm>>) target(%dma_start3A_265 : memref<96x128xf32, #tpu.memory_space<vmem>>) offsets(%dma_start3A_268 : memref<96xi32, #tpu.memory_space<vmem>>) semaphore(%arg11 : memref<!tpu.dma_semaphore, #tpu.memory_space<semaphore_mem>>)
      %add3A_272 = arith.constant 1 : i32
      %add3A_273 = arith.addi %mul3A_172, %add3A_272 : i32
      %dma_start3A_274 = arith.constant 1 : i32
      %dma_start3A_275 = arith.constant 0 : i32
      %dma_start3A_276 = arith.constant 0 : i32
      %dma_start3A_277 = tpu.memref_slice %arg9[%dma_start3A_274, %dma_start3A_275, %dma_start3A_276] : memref<2x96x128xf32, #tpu.memory_space<vmem>> -> memref<1x96x128xf32, #tpu.memory_space<vmem>>
      %dma_start3A_278 = tpu.memref_squeeze %dma_start3A_277 : memref<1x96x128xf32, #tpu.memory_space<vmem>> -> memref<96x128xf32, #tpu.memory_space<vmem>>
      %dma_start3A_279 = arith.constant 0 : i32
      %dma_start3A_280 = tpu.memref_slice %arg8[%add3A_273, %dma_start3A_279] : memref<130x96xi32, #tpu.memory_space<vmem>> -> memref<1x96xi32, #tpu.memory_space<vmem>>
      %dma_start3A_281 = tpu.memref_squeeze %dma_start3A_280 : memref<1x96xi32, #tpu.memory_space<vmem>> -> memref<96xi32, #tpu.memory_space<vmem>>
      %dma_start3A_282 = arith.constant 0 : i32
      %dma_start3A_283 = arith.constant 0 : i32
      %dma_start3A_284 = tpu.memref_slice %arg10[%dma_start3A_282, %dma_start3A_283] : memref<10112x128xf32, #tpu.memory_space<vmem_shared>> -> memref<10112x128xf32, #tpu.memory_space<vmem_shared>>
      tpu.enqueue_indirect_dma source(%dma_start3A_278 : memref<96x128xf32, #tpu.memory_space<vmem>>) target(%dma_start3A_284 : memref<10112x128xf32, #tpu.memory_space<vmem_shared>>) offsets(%dma_start3A_281 : memref<96xi32, #tpu.memory_space<vmem>>) semaphore(%arg14 : memref<!tpu.dma_semaphore, #tpu.memory_space<semaphore_mem>>) {add = true}
    }
    %while3A_134 = arith.constant 1 : i32
    scf.for %while3A_170 = %while3A_132 to %while3A_128 step %while3A_134  : i32 {
      %mul3A_171 = arith.constant 2 : i32
      %mul3A_172 = arith.muli %mul3A_171, %while3A_170 : i32
      %dma_wait3A_173 = arith.constant 0 : i32
      %dma_wait3A_174 = arith.constant 0 : i32
      %dma_wait3A_175 = arith.constant 0 : i32
      %dma_wait3A_176 = tpu.memref_slice %arg9[%dma_wait3A_173, %dma_wait3A_174, %dma_wait3A_175] : memref<2x96x128xf32, #tpu.memory_space<vmem>> -> memref<1x96x128xf32, #tpu.memory_space<vmem>>
      %dma_wait3A_177 = tpu.memref_squeeze %dma_wait3A_176 : memref<1x96x128xf32, #tpu.memory_space<vmem>> -> memref<96x128xf32, #tpu.memory_space<vmem>>
      %dma_wait3A_178 = arith.constant 0 : i32
      %dma_wait3A_179 = arith.constant 0 : i32
      %dma_wait3A_180 = tpu.memref_slice %arg2[%dma_wait3A_178, %dma_wait3A_179] : memref<10000x128xf32, #tpu.memory_space<hbm>> -> memref<96x128xf32, #tpu.memory_space<hbm>>
      %dma_wait3A_181 = arith.constant 0 : i32
      %dma_wait3A_182 = arith.constant 0 : i32
      %dma_wait3A_183 = tpu.memref_slice %arg9[%dma_wait3A_173, %dma_wait3A_181, %dma_wait3A_182] : memref<2x96x128xf32, #tpu.memory_space<vmem>> -> memref<1x96x128xf32, #tpu.memory_space<vmem>>
      %dma_wait3A_184 = tpu.memref_squeeze %dma_wait3A_183 : memref<1x96x128xf32, #tpu.memory_space<vmem>> -> memref<96x128xf32, #tpu.memory_space<vmem>>
      %dma_wait3A_185 = arith.constant 0 : i32
      %dma_wait3A_186 = arith.constant 0 : i32
      %dma_wait3A_187 = tpu.memref_slice %arg2[%dma_wait3A_185, %dma_wait3A_186] : memref<10000x128xf32, #tpu.memory_space<hbm>> -> memref<96x128xf32, #tpu.memory_space<hbm>>
      tpu.wait_dma2 semaphore(%arg11 : memref<!tpu.dma_semaphore, #tpu.memory_space<semaphore_mem>>) src(%dma_wait3A_187 : memref<96x128xf32, #tpu.memory_space<hbm>>) dst(%dma_wait3A_184 : memref<96x128xf32, #tpu.memory_space<vmem>>)
      %dma_wait3A_188 = arith.constant 1 : i32
      %dma_wait3A_189 = arith.constant 0 : i32
      %dma_wait3A_190 = arith.constant 0 : i32
      %dma_wait3A_191 = tpu.memref_slice %arg9[%dma_wait3A_188, %dma_wait3A_189, %dma_wait3A_190] : memref<2x96x128xf32, #tpu.memory_space<vmem>> -> memref<1x96x128xf32, #tpu.memory_space<vmem>>
      %dma_wait3A_192 = tpu.memref_squeeze %dma_wait3A_191 : memref<1x96x128xf32, #tpu.memory_space<vmem>> -> memref<96x128xf32, #tpu.memory_space<vmem>>
      %dma_wait3A_193 = arith.constant 0 : i32
      %dma_wait3A_194 = arith.constant 0 : i32
      %dma_wait3A_195 = tpu.memref_slice %arg2[%dma_wait3A_193, %dma_wait3A_194] : memref<10000x128xf32, #tpu.memory_space<hbm>> -> memref<96x128xf32, #tpu.memory_space<hbm>>
      %dma_wait3A_196 = arith.constant 0 : i32
      %dma_wait3A_197 = arith.constant 0 : i32
      %dma_wait3A_198 = tpu.memref_slice %arg9[%dma_wait3A_188, %dma_wait3A_196, %dma_wait3A_197] : memref<2x96x128xf32, #tpu.memory_space<vmem>> -> memref<1x96x128xf32, #tpu.memory_space<vmem>>
      %dma_wait3A_199 = tpu.memref_squeeze %dma_wait3A_198 : memref<1x96x128xf32, #tpu.memory_space<vmem>> -> memref<96x128xf32, #tpu.memory_space<vmem>>
      %dma_wait3A_200 = arith.constant 0 : i32
      %dma_wait3A_201 = arith.constant 0 : i32
      %dma_wait3A_202 = tpu.memref_slice %arg2[%dma_wait3A_200, %dma_wait3A_201] : memref<10000x128xf32, #tpu.memory_space<hbm>> -> memref<96x128xf32, #tpu.memory_space<hbm>>
      tpu.wait_dma2 semaphore(%arg14 : memref<!tpu.dma_semaphore, #tpu.memory_space<semaphore_mem>>) src(%dma_wait3A_202 : memref<96x128xf32, #tpu.memory_space<hbm>>) dst(%dma_wait3A_199 : memref<96x128xf32, #tpu.memory_space<vmem>>)
      %add3A_203 = arith.constant 1 : i32
      %add3A_204 = arith.addi %mul3A_172, %add3A_203 : i32
      %dma_start3A_205 = arith.constant 1 : i32
      %dma_start3A_206 = arith.constant 0 : i32
      %dma_start3A_207 = arith.constant 0 : i32
      %dma_start3A_208 = tpu.memref_slice %arg9[%dma_start3A_205, %dma_start3A_206, %dma_start3A_207] : memref<2x96x128xf32, #tpu.memory_space<vmem>> -> memref<1x96x128xf32, #tpu.memory_space<vmem>>
      %dma_start3A_209 = tpu.memref_squeeze %dma_start3A_208 : memref<1x96x128xf32, #tpu.memory_space<vmem>> -> memref<96x128xf32, #tpu.memory_space<vmem>>
      %dma_start3A_210 = arith.constant 0 : i32
      %dma_start3A_211 = tpu.memref_slice %arg7[%add3A_204, %dma_start3A_210] : memref<130x96xi32, #tpu.memory_space<vmem>> -> memref<1x96xi32, #tpu.memory_space<vmem>>
      %dma_start3A_212 = tpu.memref_squeeze %dma_start3A_211 : memref<1x96xi32, #tpu.memory_space<vmem>> -> memref<96xi32, #tpu.memory_space<vmem>>
      %dma_start3A_213 = arith.constant 0 : i32
      %dma_start3A_214 = arith.constant 0 : i32
      %dma_start3A_215 = tpu.memref_slice %arg2[%dma_start3A_213, %dma_start3A_214] : memref<10000x128xf32, #tpu.memory_space<hbm>> -> memref<10000x128xf32, #tpu.memory_space<hbm>>
      tpu.enqueue_indirect_dma source(%dma_start3A_215 : memref<10000x128xf32, #tpu.memory_space<hbm>>) target(%dma_start3A_209 : memref<96x128xf32, #tpu.memory_space<vmem>>) offsets(%dma_start3A_212 : memref<96xi32, #tpu.memory_space<vmem>>) semaphore(%arg12 : memref<!tpu.dma_semaphore, #tpu.memory_space<semaphore_mem>>)
      %dma_start3A_216 = arith.constant 0 : i32
      %dma_start3A_217 = arith.constant 0 : i32
      %dma_start3A_218 = arith.constant 0 : i32
      %dma_start3A_219 = tpu.memref_slice %arg9[%dma_start3A_216, %dma_start3A_217, %dma_start3A_218] : memref<2x96x128xf32, #tpu.memory_space<vmem>> -> memref<1x96x128xf32, #tpu.memory_space<vmem>>
      %dma_start3A_220 = tpu.memref_squeeze %dma_start3A_219 : memref<1x96x128xf32, #tpu.memory_space<vmem>> -> memref<96x128xf32, #tpu.memory_space<vmem>>
      %dma_start3A_221 = arith.constant 0 : i32
      %dma_start3A_222 = tpu.memref_slice %arg8[%mul3A_172, %dma_start3A_221] : memref<130x96xi32, #tpu.memory_space<vmem>> -> memref<1x96xi32, #tpu.memory_space<vmem>>
      %dma_start3A_223 = tpu.memref_squeeze %dma_start3A_222 : memref<1x96xi32, #tpu.memory_space<vmem>> -> memref<96xi32, #tpu.memory_space<vmem>>
      %dma_start3A_224 = arith.constant 0 : i32
      %dma_start3A_225 = arith.constant 0 : i32
      %dma_start3A_226 = tpu.memref_slice %arg10[%dma_start3A_224, %dma_start3A_225] : memref<10112x128xf32, #tpu.memory_space<vmem_shared>> -> memref<10112x128xf32, #tpu.memory_space<vmem_shared>>
      tpu.enqueue_indirect_dma source(%dma_start3A_220 : memref<96x128xf32, #tpu.memory_space<vmem>>) target(%dma_start3A_226 : memref<10112x128xf32, #tpu.memory_space<vmem_shared>>) offsets(%dma_start3A_223 : memref<96xi32, #tpu.memory_space<vmem>>) semaphore(%arg13 : memref<!tpu.dma_semaphore, #tpu.memory_space<semaphore_mem>>) {add = true}
      %dma_wait3A_227 = arith.constant 1 : i32
      %dma_wait3A_228 = arith.constant 0 : i32
      %dma_wait3A_229 = arith.constant 0 : i32
      %dma_wait3A_230 = tpu.memref_slice %arg9[%dma_wait3A_227, %dma_wait3A_228, %dma_wait3A_229] : memref<2x96x128xf32, #tpu.memory_space<vmem>> -> memref<1x96x128xf32, #tpu.memory_space<vmem>>
      %dma_wait3A_231 = tpu.memref_squeeze %dma_wait3A_230 : memref<1x96x128xf32, #tpu.memory_space<vmem>> -> memref<96x128xf32, #tpu.memory_space<vmem>>
      %dma_wait3A_232 = arith.constant 0 : i32
      %dma_wait3A_233 = arith.constant 0 : i32
      %dma_wait3A_234 = tpu.memref_slice %arg2[%dma_wait3A_232, %dma_wait3A_233] : memref<10000x128xf32, #tpu.memory_space<hbm>> -> memref<96x128xf32, #tpu.memory_space<hbm>>
      %dma_wait3A_235 = arith.constant 0 : i32
      %dma_wait3A_236 = arith.constant 0 : i32
      %dma_wait3A_237 = tpu.memref_slice %arg9[%dma_wait3A_227, %dma_wait3A_235, %dma_wait3A_236] : memref<2x96x128xf32, #tpu.memory_space<vmem>> -> memref<1x96x128xf32, #tpu.memory_space<vmem>>
      %dma_wait3A_238 = tpu.memref_squeeze %dma_wait3A_237 : memref<1x96x128xf32, #tpu.memory_space<vmem>> -> memref<96x128xf32, #tpu.memory_space<vmem>>
      %dma_wait3A_239 = arith.constant 0 : i32
      %dma_wait3A_240 = arith.constant 0 : i32
      %dma_wait3A_241 = tpu.memref_slice %arg2[%dma_wait3A_239, %dma_wait3A_240] : memref<10000x128xf32, #tpu.memory_space<hbm>> -> memref<96x128xf32, #tpu.memory_space<hbm>>
      tpu.wait_dma2 semaphore(%arg12 : memref<!tpu.dma_semaphore, #tpu.memory_space<semaphore_mem>>) src(%dma_wait3A_241 : memref<96x128xf32, #tpu.memory_space<hbm>>) dst(%dma_wait3A_238 : memref<96x128xf32, #tpu.memory_space<vmem>>)
      %dma_wait3A_242 = arith.constant 0 : i32
      %dma_wait3A_243 = arith.constant 0 : i32
      %dma_wait3A_244 = arith.constant 0 : i32
      %dma_wait3A_245 = tpu.memref_slice %arg9[%dma_wait3A_242, %dma_wait3A_243, %dma_wait3A_244] : memref<2x96x128xf32, #tpu.memory_space<vmem>> -> memref<1x96x128xf32, #tpu.memory_space<vmem>>
      %dma_wait3A_246 = tpu.memref_squeeze %dma_wait3A_245 : memref<1x96x128xf32, #tpu.memory_space<vmem>> -> memref<96x128xf32, #tpu.memory_space<vmem>>
      %dma_wait3A_247 = arith.constant 0 : i32
      %dma_wait3A_248 = arith.constant 0 : i32
      %dma_wait3A_249 = tpu.memref_slice %arg2[%dma_wait3A_247, %dma_wait3A_248] : memref<10000x128xf32, #tpu.memory_space<hbm>> -> memref<96x128xf32, #tpu.memory_space<hbm>>
      %dma_wait3A_250 = arith.constant 0 : i32
      %dma_wait3A_251 = arith.constant 0 : i32
      %dma_wait3A_252 = tpu.memref_slice %arg9[%dma_wait3A_242, %dma_wait3A_250, %dma_wait3A_251] : memref<2x96x128xf32, #tpu.memory_space<vmem>> -> memref<1x96x128xf32, #tpu.memory_space<vmem>>
      %dma_wait3A_253 = tpu.memref_squeeze %dma_wait3A_252 : memref<1x96x128xf32, #tpu.memory_space<vmem>> -> memref<96x128xf32, #tpu.memory_space<vmem>>
      %dma_wait3A_254 = arith.constant 0 : i32
      %dma_wait3A_255 = arith.constant 0 : i32
      %dma_wait3A_256 = tpu.memref_slice %arg2[%dma_wait3A_254, %dma_wait3A_255] : memref<10000x128xf32, #tpu.memory_space<hbm>> -> memref<96x128xf32, #tpu.memory_space<hbm>>
      tpu.wait_dma2 semaphore(%arg13 : memref<!tpu.dma_semaphore, #tpu.memory_space<semaphore_mem>>) src(%dma_wait3A_256 : memref<96x128xf32, #tpu.memory_space<hbm>>) dst(%dma_wait3A_253 : memref<96x128xf32, #tpu.memory_space<vmem>>)
      %add3A_257 = arith.constant 2 : i32
      %add3A_258 = arith.addi %mul3A_172, %add3A_257 : i32
      %sub3A_259 = arith.constant 1 : i32
      %sub3A_260 = arith.subi %select_n3A, %sub3A_259 : i32
      %min3A = arith.minsi %add3A_258, %sub3A_260 : i32
      %dma_start3A_261 = arith.constant 0 : i32
      %dma_start3A_262 = arith.constant 0 : i32
      %dma_start3A_263 = arith.constant 0 : i32
      %dma_start3A_264 = tpu.memref_slice %arg9[%dma_start3A_261, %dma_start3A_262, %dma_start3A_263] : memref<2x96x128xf32, #tpu.memory_space<vmem>> -> memref<1x96x128xf32, #tpu.memory_space<vmem>>
      %dma_start3A_265 = tpu.memref_squeeze %dma_start3A_264 : memref<1x96x128xf32, #tpu.memory_space<vmem>> -> memref<96x128xf32, #tpu.memory_space<vmem>>
      %dma_start3A_266 = arith.constant 0 : i32
      %dma_start3A_267 = tpu.memref_slice %arg7[%min3A, %dma_start3A_266] : memref<130x96xi32, #tpu.memory_space<vmem>> -> memref<1x96xi32, #tpu.memory_space<vmem>>
      %dma_start3A_268 = tpu.memref_squeeze %dma_start3A_267 : memref<1x96xi32, #tpu.memory_space<vmem>> -> memref<96xi32, #tpu.memory_space<vmem>>
      %dma_start3A_269 = arith.constant 0 : i32
      %dma_start3A_270 = arith.constant 0 : i32
      %dma_start3A_271 = tpu.memref_slice %arg2[%dma_start3A_269, %dma_start3A_270] : memref<10000x128xf32, #tpu.memory_space<hbm>> -> memref<10000x128xf32, #tpu.memory_space<hbm>>
      tpu.enqueue_indirect_dma source(%dma_start3A_271 : memref<10000x128xf32, #tpu.memory_space<hbm>>) target(%dma_start3A_265 : memref<96x128xf32, #tpu.memory_space<vmem>>) offsets(%dma_start3A_268 : memref<96xi32, #tpu.memory_space<vmem>>) semaphore(%arg11 : memref<!tpu.dma_semaphore, #tpu.memory_space<semaphore_mem>>)
      %add3A_272 = arith.constant 1 : i32
      %add3A_273 = arith.addi %mul3A_172, %add3A_272 : i32
      %dma_start3A_274 = arith.constant 1 : i32
      %dma_start3A_275 = arith.constant 0 : i32
      %dma_start3A_276 = arith.constant 0 : i32
      %dma_start3A_277 = tpu.memref_slice %arg9[%dma_start3A_274, %dma_start3A_275, %dma_start3A_276] : memref<2x96x128xf32, #tpu.memory_space<vmem>> -> memref<1x96x128xf32, #tpu.memory_space<vmem>>
      %dma_start3A_278 = tpu.memref_squeeze %dma_start3A_277 : memref<1x96x128xf32, #tpu.memory_space<vmem>> -> memref<96x128xf32, #tpu.memory_space<vmem>>
      %dma_start3A_279 = arith.constant 0 : i32
      %dma_start3A_280 = tpu.memref_slice %arg8[%add3A_273, %dma_start3A_279] : memref<130x96xi32, #tpu.memory_space<vmem>> -> memref<1x96xi32, #tpu.memory_space<vmem>>
      %dma_start3A_281 = tpu.memref_squeeze %dma_start3A_280 : memref<1x96xi32, #tpu.memory_space<vmem>> -> memref<96xi32, #tpu.memory_space<vmem>>
      %dma_start3A_282 = arith.constant 0 : i32
      %dma_start3A_283 = arith.constant 0 : i32
      %dma_start3A_284 = tpu.memref_slice %arg10[%dma_start3A_282, %dma_start3A_283] : memref<10112x128xf32, #tpu.memory_space<vmem_shared>> -> memref<10112x128xf32, #tpu.memory_space<vmem_shared>>
      tpu.enqueue_indirect_dma source(%dma_start3A_278 : memref<96x128xf32, #tpu.memory_space<vmem>>) target(%dma_start3A_284 : memref<10112x128xf32, #tpu.memory_space<vmem_shared>>) offsets(%dma_start3A_281 : memref<96xi32, #tpu.memory_space<vmem>>) semaphore(%arg14 : memref<!tpu.dma_semaphore, #tpu.memory_space<semaphore_mem>>) {add = true}
    }
    %dma_wait3A_135 = arith.constant 0 : i32
    %dma_wait3A_136 = arith.constant 0 : i32
    %dma_wait3A_137 = arith.constant 0 : i32
    %dma_wait3A_138 = tpu.memref_slice %arg9[%dma_wait3A_135, %dma_wait3A_136, %dma_wait3A_137] : memref<2x96x128xf32, #tpu.memory_space<vmem>> -> memref<1x96x128xf32, #tpu.memory_space<vmem>>
    %dma_wait3A_139 = tpu.memref_squeeze %dma_wait3A_138 : memref<1x96x128xf32, #tpu.memory_space<vmem>> -> memref<96x128xf32, #tpu.memory_space<vmem>>
    %dma_wait3A_140 = arith.constant 0 : i32
    %dma_wait3A_141 = arith.constant 0 : i32
    %dma_wait3A_142 = tpu.memref_slice %arg2[%dma_wait3A_140, %dma_wait3A_141] : memref<10000x128xf32, #tpu.memory_space<hbm>> -> memref<96x128xf32, #tpu.memory_space<hbm>>
    %dma_wait3A_143 = arith.constant 0 : i32
    %dma_wait3A_144 = arith.constant 0 : i32
    %dma_wait3A_145 = tpu.memref_slice %arg9[%dma_wait3A_135, %dma_wait3A_143, %dma_wait3A_144] : memref<2x96x128xf32, #tpu.memory_space<vmem>> -> memref<1x96x128xf32, #tpu.memory_space<vmem>>
    %dma_wait3A_146 = tpu.memref_squeeze %dma_wait3A_145 : memref<1x96x128xf32, #tpu.memory_space<vmem>> -> memref<96x128xf32, #tpu.memory_space<vmem>>
    %dma_wait3A_147 = arith.constant 0 : i32
    %dma_wait3A_148 = arith.constant 0 : i32
    %dma_wait3A_149 = tpu.memref_slice %arg2[%dma_wait3A_147, %dma_wait3A_148] : memref<10000x128xf32, #tpu.memory_space<hbm>> -> memref<96x128xf32, #tpu.memory_space<hbm>>
    tpu.wait_dma2 semaphore(%arg11 : memref<!tpu.dma_semaphore, #tpu.memory_space<semaphore_mem>>) src(%dma_wait3A_149 : memref<96x128xf32, #tpu.memory_space<hbm>>) dst(%dma_wait3A_146 : memref<96x128xf32, #tpu.memory_space<vmem>>)
    %dma_wait3A_150 = arith.constant 1 : i32
    %dma_wait3A_151 = arith.constant 0 : i32
    %dma_wait3A_152 = arith.constant 0 : i32
    %dma_wait3A_153 = tpu.memref_slice %arg9[%dma_wait3A_150, %dma_wait3A_151, %dma_wait3A_152] : memref<2x96x128xf32, #tpu.memory_space<vmem>> -> memref<1x96x128xf32, #tpu.memory_space<vmem>>
    %dma_wait3A_154 = tpu.memref_squeeze %dma_wait3A_153 : memref<1x96x128xf32, #tpu.memory_space<vmem>> -> memref<96x128xf32, #tpu.memory_space<vmem>>
    %dma_wait3A_155 = arith.constant 0 : i32
    %dma_wait3A_156 = arith.constant 0 : i32
    %dma_wait3A_157 = tpu.memref_slice %arg2[%dma_wait3A_155, %dma_wait3A_156] : memref<10000x128xf32, #tpu.memory_space<hbm>> -> memref<96x128xf32, #tpu.memory_space<hbm>>
    %dma_wait3A_158 = arith.constant 0 : i32
    %dma_wait3A_159 = arith.constant 0 : i32
    %dma_wait3A_160 = tpu.memref_slice %arg9[%dma_wait3A_150, %dma_wait3A_158, %dma_wait3A_159] : memref<2x96x128xf32, #tpu.memory_space<vmem>> -> memref<1x96x128xf32, #tpu.memory_space<vmem>>
    %dma_wait3A_161 = tpu.memref_squeeze %dma_wait3A_160 : memref<1x96x128xf32, #tpu.memory_space<vmem>> -> memref<96x128xf32, #tpu.memory_space<vmem>>
    %dma_wait3A_162 = arith.constant 0 : i32
    %dma_wait3A_163 = arith.constant 0 : i32
    %dma_wait3A_164 = tpu.memref_slice %arg2[%dma_wait3A_162, %dma_wait3A_163] : memref<10000x128xf32, #tpu.memory_space<hbm>> -> memref<96x128xf32, #tpu.memory_space<hbm>>
    tpu.wait_dma2 semaphore(%arg14 : memref<!tpu.dma_semaphore, #tpu.memory_space<semaphore_mem>>) src(%dma_wait3A_164 : memref<96x128xf32, #tpu.memory_space<hbm>>) dst(%dma_wait3A_161 : memref<96x128xf32, #tpu.memory_space<vmem>>)
    %barrier3A_165 = arith.constant 0 : index
    tpu.barrier barrier_id(%barrier3A_165)
    %mul3A_166 = arith.constant 632 : i32
    %mul3A_167 = arith.muli %arg1, %mul3A_166 : i32
    %mul3A_168 = arith.constant 632 : i32
    %mul3A_169 = arith.muli %arg1, %mul3A_168 : i32
    "tpu.region"() ({
      %run_scoped3A = tpu.sem_alloc : memref<!tpu.dma_semaphore, #tpu.memory_space<semaphore_mem>>
      %dma_start3A_170 = arith.constant 0 : i32
      %dma_start3A_171 = tpu.memref_slice %arg6[%arg0, %mul3A_169, %dma_start3A_170] : memref<2x10112x128xf32, #tpu.memory_space<hbm>> -> memref<1x632x128xf32, #tpu.memory_space<hbm>>
      %dma_start3A_172 = tpu.memref_squeeze %dma_start3A_171 : memref<1x632x128xf32, #tpu.memory_space<hbm>> -> memref<632x128xf32, #tpu.memory_space<hbm>>
      %dma_start3A_173 = arith.constant 0 : i32
      %dma_start3A_174 = tpu.memref_slice %arg10[%mul3A_167, %dma_start3A_173] : memref<10112x128xf32, #tpu.memory_space<vmem_shared>> -> memref<632x128xf32, #tpu.memory_space<vmem_shared>>
      tpu.enqueue_dma source(%dma_start3A_174 : memref<632x128xf32, #tpu.memory_space<vmem_shared>>) target(%dma_start3A_172 : memref<632x128xf32, #tpu.memory_space<hbm>>) target_semaphore(%run_scoped3A : memref<!tpu.dma_semaphore, #tpu.memory_space<semaphore_mem>>)
      %dma_wait3A_175 = arith.constant 0 : i32
      %dma_wait3A_176 = tpu.memref_slice %arg6[%arg0, %mul3A_169, %dma_wait3A_175] : memref<2x10112x128xf32, #tpu.memory_space<hbm>> -> memref<1x632x128xf32, #tpu.memory_space<hbm>>
      %dma_wait3A_177 = tpu.memref_squeeze %dma_wait3A_176 : memref<1x632x128xf32, #tpu.memory_space<hbm>> -> memref<632x128xf32, #tpu.memory_space<hbm>>
      %dma_wait3A_178 = arith.constant 0 : i32
      %dma_wait3A_179 = tpu.memref_slice %arg10[%mul3A_167, %dma_wait3A_178] : memref<10112x128xf32, #tpu.memory_space<vmem_shared>> -> memref<632x128xf32, #tpu.memory_space<vmem_shared>>
      tpu.wait_dma2 semaphore(%run_scoped3A : memref<!tpu.dma_semaphore, #tpu.memory_space<semaphore_mem>>) src(%dma_wait3A_179 : memref<632x128xf32, #tpu.memory_space<vmem_shared>>) dst(%dma_wait3A_177 : memref<632x128xf32, #tpu.memory_space<hbm>>)
      tpu.yield
    }) : () -> ()
    return
  }
}

module attributes {stable_mosaic.version = 14 : i64} {
  func.func @_mlp_body(%arg0: i32, %arg1: memref<400x128xf32, #tpu.memory_space<vmem>>, %arg2: memref<1x400x128xf32, #tpu.memory_space<vmem>>, %arg3: memref<1x400x128xf32, #tpu.memory_space<vmem>>, %arg4: memref<128x128xf32, #tpu.memory_space<vmem>>, %arg5: memref<8x128xf32, #tpu.memory_space<vmem>>, %arg6: memref<128x128xf32, #tpu.memory_space<vmem>>, %arg7: memref<8x128xf32, #tpu.memory_space<vmem>>, %arg8: memref<400x128xf32, #tpu.memory_space<vmem>>, %arg9: memref<8x128xf32, #tpu.memory_space<vmem>>, %arg10: memref<8x128xf32, #tpu.memory_space<vmem>>) attributes {dimension_semantics = [#tpu.dimension_semantics<arbitrary>], iteration_bounds = array<i64: 25>, scalar_prefetch = 0 : i64, scratch_operands = 0 : i64, tpu.core_type = #tpu.core_type<tc>, window_params = [{transform_indices = @transform_0, window_bounds = array<i64: 400, 128>}, {transform_indices = @transform_1, window_bounds = array<i64: 1, 400, 128>}, {transform_indices = @transform_2, window_bounds = array<i64: 1, 400, 128>}, {pipeline_mode = #tpu.pipeline_mode<synchronous>, transform_indices = @transform_3, window_bounds = array<i64: 128, 128>}, {pipeline_mode = #tpu.pipeline_mode<synchronous>, transform_indices = @transform_4, window_bounds = array<i64: 8, 128>}, {pipeline_mode = #tpu.pipeline_mode<synchronous>, transform_indices = @transform_5, window_bounds = array<i64: 128, 128>}, {pipeline_mode = #tpu.pipeline_mode<synchronous>, transform_indices = @transform_6, window_bounds = array<i64: 8, 128>}, {transform_indices = @transform_7, window_bounds = array<i64: 400, 128>}, {pipeline_mode = #tpu.pipeline_mode<synchronous>, transform_indices = @transform_8, window_bounds = array<i64: 8, 128>}, {pipeline_mode = #tpu.pipeline_mode<synchronous>, transform_indices = @transform_9, window_bounds = array<i64: 8, 128>}]} {
    %get3A = arith.constant 0 : index
    %get3A_0 = arith.constant 0 : index
    %get3A_1 = vector.load %arg1[%get3A, %get3A_0] : memref<400x128xf32, #tpu.memory_space<vmem>>, vector<400x128xf32>
    %get3A_2 = arith.constant 0 : index
    %get3A_3 = arith.constant 0 : index
    %get3A_4 = arith.constant 0 : index
    %get3A_5 = vector.load %arg2[%get3A_2, %get3A_3, %get3A_4] : memref<1x400x128xf32, #tpu.memory_space<vmem>>, vector<1x400x128xf32>
    %get3A_6 = vector.shape_cast %get3A_5 : vector<1x400x128xf32> to vector<400x128xf32>
    %add3A = arith.addf %get3A_1, %get3A_6 : vector<400x128xf32>
    %get3A_7 = arith.constant 0 : index
    %get3A_8 = arith.constant 0 : index
    %get3A_9 = arith.constant 0 : index
    %get3A_10 = vector.load %arg3[%get3A_7, %get3A_8, %get3A_9] : memref<1x400x128xf32, #tpu.memory_space<vmem>>, vector<1x400x128xf32>
    %get3A_11 = vector.shape_cast %get3A_10 : vector<1x400x128xf32> to vector<400x128xf32>
    %add3A_12 = arith.addf %add3A, %get3A_11 : vector<400x128xf32>
    %get3A_13 = arith.constant 0 : index
    %get3A_14 = arith.constant 0 : index
    %get3A_15 = vector.load %arg4[%get3A_13, %get3A_14] : memref<128x128xf32, #tpu.memory_space<vmem>>, vector<128x128xf32>
    %dot_general3A = arith.constant dense<0.000000e+00> : vector<400x128xf32>
    %dot_general3A_16 = tpu.matmul %add3A_12, %get3A_15, %dot_general3A {dimension_numbers = #tpu.dot_dimension_numbers<[1], [0], [0], [1], [0, 0, 1, 1], [], []>, transpose_lhs_hint = false} : vector<400x128xf32>, vector<128x128xf32>, vector<400x128xf32> -> vector<400x128xf32>
    %get3A_17 = arith.constant 0 : index
    %get3A_18 = arith.constant 0 : index
    %get3A_19 = vector.load %arg5[%get3A_17, %get3A_18] : memref<8x128xf32, #tpu.memory_space<vmem>>, vector<1x128xf32>
    %add3A_20 = vector.broadcast %get3A_19 : vector<1x128xf32> to vector<400x128xf32>
    %add3A_21 = arith.addf %dot_general3A_16, %add3A_20 : vector<400x128xf32>
    %max3A = arith.constant 0.000000e+00 : f32
    %max3A_22 = vector.broadcast %max3A : f32 to vector<400x128xf32>
    %max3A_23 = arith.maximumf %add3A_21, %max3A_22 : vector<400x128xf32>
    %get3A_24 = arith.constant 0 : index
    %get3A_25 = arith.constant 0 : index
    %get3A_26 = vector.load %arg6[%get3A_24, %get3A_25] : memref<128x128xf32, #tpu.memory_space<vmem>>, vector<128x128xf32>
    %dot_general3A_27 = arith.constant dense<0.000000e+00> : vector<400x128xf32>
    %dot_general3A_28 = tpu.matmul %max3A_23, %get3A_26, %dot_general3A_27 {dimension_numbers = #tpu.dot_dimension_numbers<[1], [0], [0], [1], [0, 0, 1, 1], [], []>, transpose_lhs_hint = false} : vector<400x128xf32>, vector<128x128xf32>, vector<400x128xf32> -> vector<400x128xf32>
    %get3A_29 = arith.constant 0 : index
    %get3A_30 = arith.constant 0 : index
    %get3A_31 = vector.load %arg7[%get3A_29, %get3A_30] : memref<8x128xf32, #tpu.memory_space<vmem>>, vector<1x128xf32>
    %add3A_32 = vector.broadcast %get3A_31 : vector<1x128xf32> to vector<400x128xf32>
    %add3A_33 = arith.addf %dot_general3A_28, %add3A_32 : vector<400x128xf32>
    %swap3A = arith.constant 0 : index
    %swap3A_34 = arith.constant 0 : index
    %swap3A_35 = vector.load %arg8[%swap3A, %swap3A_34] : memref<400x128xf32, #tpu.memory_space<vmem>>, vector<400x128xf32>
    tpu.vector_store %arg8[%swap3A, %swap3A_34], %add3A_33 {strides = array<i32>} : memref<400x128xf32, #tpu.memory_space<vmem>>, vector<400x128xf32>,
    %eq3A = arith.constant 0 : i32
    %eq3A_36 = arith.cmpi eq, %arg0, %eq3A : i32
    %convert_element_type3A = arith.extui %eq3A_36 : i1 to i32
    %cond3A = arith.constant 0 : i32
    %cond3A_37 = arith.cmpi ne, %convert_element_type3A, %cond3A : i32
    scf.if %cond3A_37 {
      %broadcast_in_dim3A_58 = arith.constant 0.000000e+00 : f32
      %broadcast_in_dim3A_59 = vector.broadcast %broadcast_in_dim3A_58 : f32 to vector<8x128xf32>
      %swap3A_60 = arith.constant 0 : index
      %swap3A_61 = arith.constant 0 : index
      %swap3A_62 = vector.load %arg9[%swap3A_60, %swap3A_61] : memref<8x128xf32, #tpu.memory_space<vmem>>, vector<8x128xf32>
      tpu.vector_store %arg9[%swap3A_60, %swap3A_61], %broadcast_in_dim3A_59 {strides = array<i32>} : memref<8x128xf32, #tpu.memory_space<vmem>>, vector<8x128xf32>,
      %broadcast_in_dim3A_63 = arith.constant 0.000000e+00 : f32
      %broadcast_in_dim3A_64 = vector.broadcast %broadcast_in_dim3A_63 : f32 to vector<8x128xf32>
      %swap3A_65 = arith.constant 0 : index
      %swap3A_66 = arith.constant 0 : index
      %swap3A_67 = vector.load %arg10[%swap3A_65, %swap3A_66] : memref<8x128xf32, #tpu.memory_space<vmem>>, vector<8x128xf32>
      tpu.vector_store %arg10[%swap3A_65, %swap3A_66], %broadcast_in_dim3A_64 {strides = array<i32>} : memref<8x128xf32, #tpu.memory_space<vmem>>, vector<8x128xf32>,
    } else {
    }
    %get3A_38 = arith.constant 0 : index
    %get3A_39 = arith.constant 0 : index
    %get3A_40 = vector.load %arg9[%get3A_38, %get3A_39] : memref<8x128xf32, #tpu.memory_space<vmem>>, vector<8x128xf32>
    %reduce_sum3A = arith.constant dense<0.000000e+00> : vector<128xf32>
    %reduce_sum3A_41 = vector.multi_reduction <add>, %add3A_33, %reduce_sum3A [0] : vector<400x128xf32> to vector<128xf32>
    %broadcast_in_dim3A = vector.shape_cast %reduce_sum3A_41 : vector<128xf32> to vector<1x128xf32>
    %add3A_42 = vector.broadcast %broadcast_in_dim3A : vector<1x128xf32> to vector<8x128xf32>
    %add3A_43 = arith.addf %get3A_40, %add3A_42 : vector<8x128xf32>
    %swap3A_44 = arith.constant 0 : index
    %swap3A_45 = arith.constant 0 : index
    %swap3A_46 = vector.load %arg9[%swap3A_44, %swap3A_45] : memref<8x128xf32, #tpu.memory_space<vmem>>, vector<8x128xf32>
    tpu.vector_store %arg9[%swap3A_44, %swap3A_45], %add3A_43 {strides = array<i32>} : memref<8x128xf32, #tpu.memory_space<vmem>>, vector<8x128xf32>,
    %get3A_47 = arith.constant 0 : index
    %get3A_48 = arith.constant 0 : index
    %get3A_49 = vector.load %arg10[%get3A_47, %get3A_48] : memref<8x128xf32, #tpu.memory_space<vmem>>, vector<8x128xf32>
    %mul3A = arith.mulf %add3A_33, %add3A_33 : vector<400x128xf32>
    %reduce_sum3A_50 = arith.constant dense<0.000000e+00> : vector<128xf32>
    %reduce_sum3A_51 = vector.multi_reduction <add>, %mul3A, %reduce_sum3A_50 [0] : vector<400x128xf32> to vector<128xf32>
    %broadcast_in_dim3A_52 = vector.shape_cast %reduce_sum3A_51 : vector<128xf32> to vector<1x128xf32>
    %add3A_53 = vector.broadcast %broadcast_in_dim3A_52 : vector<1x128xf32> to vector<8x128xf32>
    %add3A_54 = arith.addf %get3A_49, %add3A_53 : vector<8x128xf32>
    %swap3A_55 = arith.constant 0 : index
    %swap3A_56 = arith.constant 0 : index
    %swap3A_57 = vector.load %arg10[%swap3A_55, %swap3A_56] : memref<8x128xf32, #tpu.memory_space<vmem>>, vector<8x128xf32>
    tpu.vector_store %arg10[%swap3A_55, %swap3A_56], %add3A_54 {strides = array<i32>} : memref<8x128xf32, #tpu.memory_space<vmem>>, vector<8x128xf32>,
    return
  }
  func.func @transform_0(%arg0: i32) -> (i32, i32) {
    %c0_i32 = arith.constant 0 : i32
    %c0_i32_0 = arith.constant 0 : i32
    return %arg0, %c0_i32 : i32, i32
  }
  func.func @transform_1(%arg0: i32) -> (i32, i32, i32) {
    %c0_i32 = arith.constant 0 : i32
    %c0_i32_0 = arith.constant 0 : i32
    %c0_i32_1 = arith.constant 0 : i32
    return %c0_i32, %arg0, %c0_i32_0 : i32, i32, i32
  }
  func.func @transform_2(%arg0: i32) -> (i32, i32, i32) {
    %c1_i32 = arith.constant 1 : i32
    %c0_i32 = arith.constant 0 : i32
    %c0_i32_0 = arith.constant 0 : i32
    return %c1_i32, %arg0, %c0_i32 : i32, i32, i32
  }
  func.func @transform_3(%arg0: i32) -> (i32, i32) {
    %c0_i32 = arith.constant 0 : i32
    %c0_i32_0 = arith.constant 0 : i32
    %c0_i32_1 = arith.constant 0 : i32
    return %c0_i32, %c0_i32_0 : i32, i32
  }
  func.func @transform_4(%arg0: i32) -> (i32, i32) {
    %c0_i32 = arith.constant 0 : i32
    %c0_i32_0 = arith.constant 0 : i32
    %c0_i32_1 = arith.constant 0 : i32
    return %c0_i32, %c0_i32_0 : i32, i32
  }
  func.func @transform_5(%arg0: i32) -> (i32, i32) {
    %c0_i32 = arith.constant 0 : i32
    %c0_i32_0 = arith.constant 0 : i32
    %c0_i32_1 = arith.constant 0 : i32
    return %c0_i32, %c0_i32_0 : i32, i32
  }
  func.func @transform_6(%arg0: i32) -> (i32, i32) {
    %c0_i32 = arith.constant 0 : i32
    %c0_i32_0 = arith.constant 0 : i32
    %c0_i32_1 = arith.constant 0 : i32
    return %c0_i32, %c0_i32_0 : i32, i32
  }
  func.func @transform_7(%arg0: i32) -> (i32, i32) {
    %c0_i32 = arith.constant 0 : i32
    %c0_i32_0 = arith.constant 0 : i32
    return %arg0, %c0_i32 : i32, i32
  }
  func.func @transform_8(%arg0: i32) -> (i32, i32) {
    %c0_i32 = arith.constant 0 : i32
    %c0_i32_0 = arith.constant 0 : i32
    %c0_i32_1 = arith.constant 0 : i32
    return %c0_i32, %c0_i32_0 : i32, i32
  }
  func.func @transform_9(%arg0: i32) -> (i32, i32) {
    %c0_i32 = arith.constant 0 : i32
    %c0_i32_0 = arith.constant 0 : i32
    %c0_i32_1 = arith.constant 0 : i32
    return %c0_i32, %c0_i32_0 : i32, i32
  }
}

module attributes {stable_mosaic.version = 14 : i64} {
  func.func @_norm_body(%arg0: i32, %arg1: memref<400x128xf32, #tpu.memory_space<vmem>>, %arg2: memref<8x128xf32, #tpu.memory_space<vmem>>, %arg3: memref<8x128xf32, #tpu.memory_space<vmem>>, %arg4: memref<8x128xf32, #tpu.memory_space<vmem>>, %arg5: memref<8x128xf32, #tpu.memory_space<vmem>>, %arg6: memref<400x128xf32, #tpu.memory_space<vmem>>) attributes {dimension_semantics = [#tpu.dimension_semantics<arbitrary>], iteration_bounds = array<i64: 25>, scalar_prefetch = 0 : i64, scratch_operands = 0 : i64, tpu.core_type = #tpu.core_type<tc>, window_params = [{transform_indices = @transform_0, window_bounds = array<i64: 400, 128>}, {pipeline_mode = #tpu.pipeline_mode<synchronous>, transform_indices = @transform_1, window_bounds = array<i64: 8, 128>}, {pipeline_mode = #tpu.pipeline_mode<synchronous>, transform_indices = @transform_2, window_bounds = array<i64: 8, 128>}, {pipeline_mode = #tpu.pipeline_mode<synchronous>, transform_indices = @transform_3, window_bounds = array<i64: 8, 128>}, {pipeline_mode = #tpu.pipeline_mode<synchronous>, transform_indices = @transform_4, window_bounds = array<i64: 8, 128>}, {transform_indices = @transform_5, window_bounds = array<i64: 400, 128>}]} {
    %get3A = arith.constant 0 : index
    %get3A_0 = arith.constant 0 : index
    %get3A_1 = vector.load %arg2[%get3A, %get3A_0] : memref<8x128xf32, #tpu.memory_space<vmem>>, vector<1x128xf32>
    %mul3A = arith.constant 9.99999974E-5 : f32
    %mul3A_2 = vector.broadcast %mul3A : f32 to vector<1x128xf32>
    %mul3A_3 = arith.mulf %get3A_1, %mul3A_2 : vector<1x128xf32>
    %get3A_4 = arith.constant 0 : index
    %get3A_5 = arith.constant 0 : index
    %get3A_6 = vector.load %arg3[%get3A_4, %get3A_5] : memref<8x128xf32, #tpu.memory_space<vmem>>, vector<1x128xf32>
    %mul3A_7 = arith.constant 9.99999974E-5 : f32
    %mul3A_8 = vector.broadcast %mul3A_7 : f32 to vector<1x128xf32>
    %mul3A_9 = arith.mulf %get3A_6, %mul3A_8 : vector<1x128xf32>
    %mul3A_10 = arith.mulf %mul3A_3, %mul3A_3 : vector<1x128xf32>
    %sub3A = arith.subf %mul3A_9, %mul3A_10 : vector<1x128xf32>
    %add3A = arith.constant 9.99999974E-6 : f32
    %add3A_11 = vector.broadcast %add3A : f32 to vector<1x128xf32>
    %add3A_12 = arith.addf %sub3A, %add3A_11 : vector<1x128xf32>
    %rsqrt3A = math.rsqrt %add3A_12 : vector<1x128xf32>
    %get3A_13 = arith.constant 0 : index
    %get3A_14 = arith.constant 0 : index
    %get3A_15 = vector.load %arg1[%get3A_13, %get3A_14] : memref<400x128xf32, #tpu.memory_space<vmem>>, vector<400x128xf32>
    %sub3A_16 = vector.broadcast %mul3A_3 : vector<1x128xf32> to vector<400x128xf32>
    %sub3A_17 = arith.subf %get3A_15, %sub3A_16 : vector<400x128xf32>
    %mul3A_18 = vector.broadcast %rsqrt3A : vector<1x128xf32> to vector<400x128xf32>
    %mul3A_19 = arith.mulf %sub3A_17, %mul3A_18 : vector<400x128xf32>
    %get3A_20 = arith.constant 0 : index
    %get3A_21 = arith.constant 0 : index
    %get3A_22 = vector.load %arg4[%get3A_20, %get3A_21] : memref<8x128xf32, #tpu.memory_space<vmem>>, vector<1x128xf32>
    %mul3A_23 = vector.broadcast %get3A_22 : vector<1x128xf32> to vector<400x128xf32>
    %mul3A_24 = arith.mulf %mul3A_19, %mul3A_23 : vector<400x128xf32>
    %get3A_25 = arith.constant 0 : index
    %get3A_26 = arith.constant 0 : index
    %get3A_27 = vector.load %arg5[%get3A_25, %get3A_26] : memref<8x128xf32, #tpu.memory_space<vmem>>, vector<1x128xf32>
    %add3A_28 = vector.broadcast %get3A_27 : vector<1x128xf32> to vector<400x128xf32>
    %add3A_29 = arith.addf %mul3A_24, %add3A_28 : vector<400x128xf32>
    %max3A = arith.constant 0.000000e+00 : f32
    %max3A_30 = vector.broadcast %max3A : f32 to vector<400x128xf32>
    %max3A_31 = arith.maximumf %add3A_29, %max3A_30 : vector<400x128xf32>
    %swap3A = arith.constant 0 : index
    %swap3A_32 = arith.constant 0 : index
    %swap3A_33 = vector.load %arg6[%swap3A, %swap3A_32] : memref<400x128xf32, #tpu.memory_space<vmem>>, vector<400x128xf32>
    tpu.vector_store %arg6[%swap3A, %swap3A_32], %max3A_31 {strides = array<i32>} : memref<400x128xf32, #tpu.memory_space<vmem>>, vector<400x128xf32>,
    return
  }
  func.func @transform_0(%arg0: i32) -> (i32, i32) {
    %c0_i32 = arith.constant 0 : i32
    %c0_i32_0 = arith.constant 0 : i32
    return %arg0, %c0_i32 : i32, i32
  }
  func.func @transform_1(%arg0: i32) -> (i32, i32) {
    %c0_i32 = arith.constant 0 : i32
    %c0_i32_0 = arith.constant 0 : i32
    %c0_i32_1 = arith.constant 0 : i32
    return %c0_i32, %c0_i32_0 : i32, i32
  }
  func.func @transform_2(%arg0: i32) -> (i32, i32) {
    %c0_i32 = arith.constant 0 : i32
    %c0_i32_0 = arith.constant 0 : i32
    %c0_i32_1 = arith.constant 0 : i32
    return %c0_i32, %c0_i32_0 : i32, i32
  }
  func.func @transform_3(%arg0: i32) -> (i32, i32) {
    %c0_i32 = arith.constant 0 : i32
    %c0_i32_0 = arith.constant 0 : i32
    %c0_i32_1 = arith.constant 0 : i32
    return %c0_i32, %c0_i32_0 : i32, i32
  }
  func.func @transform_4(%arg0: i32) -> (i32, i32) {
    %c0_i32 = arith.constant 0 : i32
    %c0_i32_0 = arith.constant 0 : i32
    %c0_i32_1 = arith.constant 0 : i32
    return %c0_i32, %c0_i32_0 : i32, i32
  }
  func.func @transform_5(%arg0: i32) -> (i32, i32) {
    %c0_i32 = arith.constant 0 : i32
    %c0_i32_0 = arith.constant 0 : i32
    return %arg0, %c0_i32 : i32, i32
  }
}

module attributes {stable_mosaic.version = 14 : i64} {
  func.func @_final_body(%arg0: memref<10000x128xf32, #tpu.memory_space<vmem>>, %arg1: memref<10000x1xi32, #tpu.memory_space<vmem>>, %arg2: memref<8x128xf32, #tpu.memory_space<vmem>>, %arg3: memref<8x128xf32, #tpu.memory_space<vmem>>, %arg4: memref<8x128xf32, #tpu.memory_space<vmem>>, %arg5: memref<8x128xf32, #tpu.memory_space<vmem>>, %arg6: memref<10000x1xf32, #tpu.memory_space<vmem>>) attributes {dimension_semantics = [], scalar_prefetch = 0 : i64, scratch_operands = 0 : i64, tpu.core_type = #tpu.core_type<tc>} {
    %get3A = arith.constant 0 : index
    %get3A_0 = arith.constant 0 : index
    %get3A_1 = vector.load %arg2[%get3A, %get3A_0] : memref<8x128xf32, #tpu.memory_space<vmem>>, vector<1x128xf32>
    %mul3A = arith.constant 9.99999974E-5 : f32
    %mul3A_2 = vector.broadcast %mul3A : f32 to vector<1x128xf32>
    %mul3A_3 = arith.mulf %get3A_1, %mul3A_2 : vector<1x128xf32>
    %get3A_4 = arith.constant 0 : index
    %get3A_5 = arith.constant 0 : index
    %get3A_6 = vector.load %arg3[%get3A_4, %get3A_5] : memref<8x128xf32, #tpu.memory_space<vmem>>, vector<1x128xf32>
    %mul3A_7 = arith.constant 9.99999974E-5 : f32
    %mul3A_8 = vector.broadcast %mul3A_7 : f32 to vector<1x128xf32>
    %mul3A_9 = arith.mulf %get3A_6, %mul3A_8 : vector<1x128xf32>
    %mul3A_10 = arith.mulf %mul3A_3, %mul3A_3 : vector<1x128xf32>
    %sub3A = arith.subf %mul3A_9, %mul3A_10 : vector<1x128xf32>
    %add3A = arith.constant 9.99999974E-6 : f32
    %add3A_11 = vector.broadcast %add3A : f32 to vector<1x128xf32>
    %add3A_12 = arith.addf %sub3A, %add3A_11 : vector<1x128xf32>
    %rsqrt3A = math.rsqrt %add3A_12 : vector<1x128xf32>
    %get3A_13 = arith.constant 0 : index
    %get3A_14 = arith.constant 0 : index
    %get3A_15 = vector.load %arg0[%get3A_13, %get3A_14] : memref<10000x128xf32, #tpu.memory_space<vmem>>, vector<10000x128xf32>
    %sub3A_16 = vector.broadcast %mul3A_3 : vector<1x128xf32> to vector<10000x128xf32>
    %sub3A_17 = arith.subf %get3A_15, %sub3A_16 : vector<10000x128xf32>
    %mul3A_18 = vector.broadcast %rsqrt3A : vector<1x128xf32> to vector<10000x128xf32>
    %mul3A_19 = arith.mulf %sub3A_17, %mul3A_18 : vector<10000x128xf32>
    %get3A_20 = arith.constant 0 : index
    %get3A_21 = arith.constant 0 : index
    %get3A_22 = vector.load %arg4[%get3A_20, %get3A_21] : memref<8x128xf32, #tpu.memory_space<vmem>>, vector<1x128xf32>
    %mul3A_23 = vector.broadcast %get3A_22 : vector<1x128xf32> to vector<10000x128xf32>
    %mul3A_24 = arith.mulf %mul3A_19, %mul3A_23 : vector<10000x128xf32>
    %get3A_25 = arith.constant 0 : index
    %get3A_26 = arith.constant 0 : index
    %get3A_27 = vector.load %arg5[%get3A_25, %get3A_26] : memref<8x128xf32, #tpu.memory_space<vmem>>, vector<1x128xf32>
    %add3A_28 = vector.broadcast %get3A_27 : vector<1x128xf32> to vector<10000x128xf32>
    %add3A_29 = arith.addf %mul3A_24, %add3A_28 : vector<10000x128xf32>
    %mul3A_30 = arith.constant 2.000000e-01 : f32
    %mul3A_31 = vector.broadcast %mul3A_30 : f32 to vector<10000x128xf32>
    %mul3A_32 = arith.mulf %add3A_29, %mul3A_31 : vector<10000x128xf32>
    %reduce_sum3A = arith.constant dense<0.000000e+00> : vector<10000xf32>
    %reduce_sum3A_33 = vector.multi_reduction <add>, %mul3A_32, %reduce_sum3A [1] : vector<10000x128xf32> to vector<10000xf32>
    %broadcast_in_dim3A = vector.shape_cast %reduce_sum3A_33 : vector<10000xf32> to vector<10000x1xf32>
    %get3A_34 = arith.constant 0 : index
    %get3A_35 = arith.constant 0 : index
    %get3A_36 = vector.load %arg1[%get3A_34, %get3A_35] : memref<10000x1xi32, #tpu.memory_space<vmem>>, vector<10000x1xi32>
    %iota3A = tpu.iota {dimensions = array<i32: 1>} : vector<10000x128xi32>
    %eq3A = vector.broadcast %get3A_36 : vector<10000x1xi32> to vector<10000x128xi32>
    %eq3A_37 = arith.cmpi eq, %eq3A, %iota3A : vector<10000x128xi32>
    %jit3A = arith.constant -1.000000e+30 : f32
    %broadcast_in_dim3A_38 = vector.shape_cast %broadcast_in_dim3A : vector<10000x1xf32> to vector<10000x1xf32>
    %broadcast_in_dim3A_39 = vector.broadcast %broadcast_in_dim3A_38 : vector<10000x1xf32> to vector<10000x128xf32>
    %broadcast_in_dim3A_40 = vector.broadcast %jit3A : f32 to vector<10000x128xf32>
    %select_n3A = arith.select %eq3A_37, %broadcast_in_dim3A_39, %broadcast_in_dim3A_40 : vector<10000x128xi1>, vector<10000x128xf32>
    %reduce_max3A = arith.constant dense<0xFF800000> : vector<128xf32>
    %reduce_max3A_41 = vector.multi_reduction <maximumf>, %select_n3A, %reduce_max3A [0] : vector<10000x128xf32> to vector<128xf32>
    %broadcast_in_dim3A_42 = vector.shape_cast %reduce_max3A_41 : vector<128xf32> to vector<1x128xf32>
    %jit3A_43 = arith.constant 0.000000e+00 : f32
    %broadcast_in_dim3A_44 = vector.shape_cast %broadcast_in_dim3A_42 : vector<1x128xf32> to vector<1x128xf32>
    %broadcast_in_dim3A_45 = vector.broadcast %broadcast_in_dim3A_44 : vector<1x128xf32> to vector<10000x128xf32>
    %broadcast_in_dim3A_46 = vector.broadcast %jit3A_43 : f32 to vector<10000x128xf32>
    %select_n3A_47 = arith.select %eq3A_37, %broadcast_in_dim3A_45, %broadcast_in_dim3A_46 : vector<10000x128xi1>, vector<10000x128xf32>
    %reduce_sum3A_48 = arith.constant dense<0.000000e+00> : vector<10000xf32>
    %reduce_sum3A_49 = vector.multi_reduction <add>, %select_n3A_47, %reduce_sum3A_48 [1] : vector<10000x128xf32> to vector<10000xf32>
    %broadcast_in_dim3A_50 = vector.shape_cast %reduce_sum3A_49 : vector<10000xf32> to vector<10000x1xf32>
    %sub3A_51 = arith.subf %broadcast_in_dim3A, %broadcast_in_dim3A_50 : vector<10000x1xf32>
    %exp3A = math.exp %sub3A_51 : vector<10000x1xf32>
    %jit3A_52 = arith.constant 0.000000e+00 : f32
    %broadcast_in_dim3A_53 = vector.shape_cast %exp3A : vector<10000x1xf32> to vector<10000x1xf32>
    %broadcast_in_dim3A_54 = vector.broadcast %broadcast_in_dim3A_53 : vector<10000x1xf32> to vector<10000x128xf32>
    %broadcast_in_dim3A_55 = vector.broadcast %jit3A_52 : f32 to vector<10000x128xf32>
    %select_n3A_56 = arith.select %eq3A_37, %broadcast_in_dim3A_54, %broadcast_in_dim3A_55 : vector<10000x128xi1>, vector<10000x128xf32>
    %reduce_sum3A_57 = arith.constant dense<0.000000e+00> : vector<128xf32>
    %reduce_sum3A_58 = vector.multi_reduction <add>, %select_n3A_56, %reduce_sum3A_57 [0] : vector<10000x128xf32> to vector<128xf32>
    %broadcast_in_dim3A_59 = vector.shape_cast %reduce_sum3A_58 : vector<128xf32> to vector<1x128xf32>
    %jit3A_60 = arith.constant 0.000000e+00 : f32
    %broadcast_in_dim3A_61 = vector.shape_cast %broadcast_in_dim3A_59 : vector<1x128xf32> to vector<1x128xf32>
    %broadcast_in_dim3A_62 = vector.broadcast %broadcast_in_dim3A_61 : vector<1x128xf32> to vector<10000x128xf32>
    %broadcast_in_dim3A_63 = vector.broadcast %jit3A_60 : f32 to vector<10000x128xf32>
    %select_n3A_64 = arith.select %eq3A_37, %broadcast_in_dim3A_62, %broadcast_in_dim3A_63 : vector<10000x128xi1>, vector<10000x128xf32>
    %reduce_sum3A_65 = arith.constant dense<0.000000e+00> : vector<10000xf32>
    %reduce_sum3A_66 = vector.multi_reduction <add>, %select_n3A_64, %reduce_sum3A_65 [1] : vector<10000x128xf32> to vector<10000xf32>
    %broadcast_in_dim3A_67 = vector.shape_cast %reduce_sum3A_66 : vector<10000xf32> to vector<10000x1xf32>
    %add3A_68 = arith.constant 1.000000e-16 : f32
    %add3A_69 = vector.broadcast %add3A_68 : f32 to vector<10000x1xf32>
    %add3A_70 = arith.addf %broadcast_in_dim3A_67, %add3A_69 : vector<10000x1xf32>
    %div3A = arith.divf %exp3A, %add3A_70 : vector<10000x1xf32>
    %swap3A = arith.constant 0 : index
    %swap3A_71 = arith.constant 0 : index
    %swap3A_72 = vector.load %arg6[%swap3A, %swap3A_71] : memref<10000x1xf32, #tpu.memory_space<vmem>>, vector<10000x1xf32>
    tpu.vector_store %arg6[%swap3A, %swap3A_71], %div3A {strides = array<i32>} : memref<10000x1xf32, #tpu.memory_space<vmem>>, vector<10000x1xf32>,
    return
  }
}

</mosaic_0001>

<sc_bundles>
// kernel: kernel.11.cloned.1.call-start
scs
__scs_entry_jumppad:
0x0: {  	(pc) =	sbr.rel $0x88, $3  }
0x1: {  	(tag) =	ssettag $0x0;
	lr =	simm.s32 $0x1  }
0x2: {  	[smem:$0x3F8C] =	sst lr;
	_ =	strace $0xD0000000  }
0x3: {  	_ = 	snop  }
0x4: {  	_ = 	snop  }
0x5: {  	_ = 	snop  }
0x6: {  	_ = 	snop  }
0x7: {  	_ = 	snop  }
__scs_overlays_trampoline_lowered:
0x8: {  	[smem:$0x3F9B] =	sst s0  }
0x9: {  	[smem:$0x3F9C] =	sst s1  }
0xa: {  	[smem:$0x3F9D] =	sst s2  }
0xb: {  	[smem:$0x3F9E] =	sst s3  }
0xc: {  	[smem:$0x3F9F] =	sst s4  }
0xd: {  	[smem:$0x3FA0] =	sst s5  }
0xe: {  	[smem:$0x3FA1] =	sst s6  }
0xf: {  	[smem:$0x3FA2] =	sst s7  }
0x10: {  	[smem:$0x3FA3] =	sst s8  }
0x11: {  	[smem:$0x3FA4] =	sst s9;
	s0 =	simm.s32 @!p0 $0x0  }
0x12: {  	s1 =	sld [smem:$0x3F8A];
	s0 =	simm.s32 @p0 $0x1  }
0x13: {  	[smem:$0x3FA5] =	sst s0;
	s0 =	simm.s32 @!p1 $0x0  }
0x14: {  	s2 =	sld [smem:$0x3F89];
	s0 =	simm.s32 @p1 $0x1  }
0x15: {  	[smem:$0x3FA6] =	sst s0;
	s0 =	simm.s32 @!p2 $0x0  }
0x16: {  	s3 =	sld [smem:$0x3FDB];
	s0 =	simm.s32 @p2 $0x1  }
0x17: {  	s4 =	simm.s32 $0x1BF5;
	[smem:$0x3FA8] =	sst s0  }
0x18: {  	s0 =	sld [smem:$0x3F8B];
	_ =	swait.ge [sflag:s4], $0x0  }
0x19: {  	s7 =	sld [smem:$0x3F8C]  }
0x1a: {  	s8 =	sadd.s32 $0xFFFFE003, lr  }
0x1b: {  	s9 =	sadd.s32 $0xFFFFFEF7, lr;
	s5 =	simm.s32 $0xFFFFFFFF;
	p2 =	slt.u32 s8, $0xFFFFF086  }
0x1c: {  	p1 =	slt.u32 s9, $0xF7A;
	s5 =	simm.s32 @!p2 $0x0  }
0x1d: {  	s5 =	simm.s32 @p1 $0x1;
	p0 =	seq.s32 s7, s2  }
0x1e: {  	s7 =	smul.u32 @!p0 $0xF7A, s2;
	p2 =	seq.s32 @!p0 s5, $0x0  }
0x1f: {  	s9 =	smul.u32 $0xF7A, s1;
	s8 =	simm.s32 @!p0 $0x1BF5;
	p2 =	por !p2, p0  }
0x20: {  	[sflag:s8] =	ssyncset.s32 @!p0 $0xFFFFF086;
	s6 =	sadd.s32 @!p0 s3, s7;
	s7 =	simm.s32 @!p0 $0x108  }
0x21: {  	s3 =	sadd.s32 s3, s9;
	s6 =	sadd.s32 @!p0 $0x88, s6;
	s7 =	simm.s32 @p2 $0x1082  }
0x22: {  	[simem:s7], [sflag:s8] =	dma.local @!p0 [hbm:s6], $0xF7A  }
0x23: {  	s9 =	sor.u32 $0xD0000000, s2;
	s6 =	simm.s32 $0x108;
	_ =	swait.ge @!p0 [sflag:s8], $0x0  }
0x24: {  	s3 =	sadd.s32 $0x88, s3;
	s6 =	simm.s32 @!p1 $0x1082;
	[sflag:s4] =	ssyncset.s32 $0xFFFFF086  }
0x25: {  	[simem:s6], [sflag:s4] =	dma.local [hbm:s3], $0xF7A  }
0x26: {  	[smem:$0x3F8C] =	sst s1;
	(tag) =	ssettag s2;
	_ =	strace s9  }
0x27: {  	s1 =	sld [smem:$0x3F9C]  }
0x28: {  	s2 =	sld [smem:$0x3F9D]  }
0x29: {  	s4 =	sld [smem:$0x3F9F]  }
0x2a: {  	p0 =	seq.s32 s5, $0x0;
	s5 =	sld [smem:$0x3FA0]  }
0x2b: {  	s6 =	sld [smem:$0x3FA1]  }
0x2c: {  	s7 =	sld [smem:$0x3FA2]  }
0x2d: {  	s3 =	simm.s32 $0x108;
	s8 =	sld [smem:$0x3FA3]  }
0x2e: {  	s3 =	simm.s32 @!p0 $0x1082;
	s9 =	sld [smem:$0x3FA4]  }
0x2f: {  	lr =	sadd.s32 s0, s3;
	s0 =	sld [smem:$0x3F9B]  }
0x30: {  	s3 =	sld [smem:$0x3F9E]  }
0x31: {  	[smem:$0x3FA7] =	sst s10  }
0x32: {  	s10 =	sld [smem:$0x3FA5];
	_ =	sdelay $0x3  }
0x33: {  	p0 =	seq.s32 s10, $0x1;
	s10 =	sld [smem:$0x3FA7];
	_ =	sdelay $0x3  }
0x34: {  	[smem:$0x3FA7] =	sst s10  }
0x35: {  	s10 =	sld [smem:$0x3FA6];
	_ =	sdelay $0x3  }
0x36: {  	p1 =	seq.s32 s10, $0x1;
	s10 =	sld [smem:$0x3FA7];
	_ =	sdelay $0x3  }
0x37: {  	[smem:$0x3FA7] =	sst s10  }
0x38: {  	s10 =	sld [smem:$0x3FA8]  }
0x39: {  	_ = 	snop;
	(pc) =	sbr.ind lr, $3  }
0x3a: {  	_ = 	snop  }
0x3b: {  	_ = 	snop  }
0x3c: {  	p2 =	seq.s32 s10, $0x1;
	s10 =	sld [smem:$0x3FA7]  }
0x3d: {  	_ =	shalt  }
0x3e: {  	_ =	shalt  }
0x3f: {  	_ =	shalt  }
0x40: {  	_ =	shalt  }
0x41: {  	_ =	shalt  }
0x42: {  	_ =	shalt  }
0x43: {  	_ =	shalt  }
0x44: {  	_ =	shalt  }
0x45: {  	_ =	shalt  }
0x46: {  	_ =	shalt  }
0x47: {  	_ =	shalt  }
0x48: {  	_ =	shalt  }
0x49: {  	_ =	shalt  }
0x4a: {  	_ =	shalt  }
0x4b: {  	_ =	shalt  }
0x4c: {  	_ =	shalt  }
0x4d: {  	_ =	shalt  }
0x4e: {  	_ =	shalt  }
0x4f: {  	_ =	shalt  }
0x50: {  	_ =	shalt  }
0x51: {  	_ =	shalt  }
0x52: {  	_ =	shalt  }
0x53: {  	_ =	shalt  }
0x54: {  	_ =	shalt  }
0x55: {  	_ =	shalt  }
0x56: {  	_ =	shalt  }
0x57: {  	_ =	shalt  }
0x58: {  	_ =	shalt  }
0x59: {  	_ =	shalt  }
0x5a: {  	_ =	shalt  }
0x5b: {  	_ =	shalt  }
0x5c: {  	_ =	shalt  }
0x5d: {  	_ =	shalt  }
0x5e: {  	_ =	shalt  }
0x5f: {  	_ =	shalt  }
0x60: {  	_ =	shalt  }
0x61: {  	_ =	shalt  }
0x62: {  	_ =	shalt  }
0x63: {  	_ =	shalt  }
0x64: {  	_ =	shalt  }
0x65: {  	_ =	shalt  }
0x66: {  	_ =	shalt  }
0x67: {  	_ =	shalt  }
0x68: {  	_ =	shalt  }
0x69: {  	_ =	shalt  }
0x6a: {  	_ =	shalt  }
0x6b: {  	_ =	shalt  }
0x6c: {  	_ =	shalt  }
0x6d: {  	_ =	shalt  }
0x6e: {  	_ =	shalt  }
0x6f: {  	_ =	shalt  }
0x70: {  	_ =	shalt  }
0x71: {  	_ =	shalt  }
0x72: {  	_ =	shalt  }
0x73: {  	_ =	shalt  }
0x74: {  	_ =	shalt  }
0x75: {  	_ =	shalt  }
0x76: {  	_ =	shalt  }
0x77: {  	_ =	shalt  }
0x78: {  	_ =	shalt  }
0x79: {  	_ =	shalt  }
0x7a: {  	_ =	shalt  }
0x7b: {  	_ =	shalt  }
0x7c: {  	_ =	shalt  }
0x7d: {  	_ =	shalt  }
0x7e: {  	_ =	shalt  }
0x7f: {  	_ =	shalt  }
0x80: {  	_ =	shalt  }
0x81: {  	_ =	shalt  }
0x82: {  	_ =	shalt  }
0x83: {  	_ =	shalt  }
0x84: {  	_ =	shalt  }
0x85: {  	_ =	shalt  }
0x86: {  	_ =	shalt  }
0x87: {  	_ =	shalt  }
.Lfunc_end0:
.L_simem_size_0:
called_computation_lowered:
.L_overlay_start_0:
0x88: {  	s2 =	sld [smem:$0x3FD9]  }
0x89: {  	s3 =	sld [smem:$0x3FFE];
	_ =	sdelay $0x1  }
0x8a: {  	s1 =	srdreg.scid  }
0x8b: {  	s0 =	sand.u32 $0x1, s1  }
0x8c: {  	s17 =	sshll.u32 s0, $0xA;
	s2 =	sadd.s32 s3, s2  }
0x8d: {  	s2 =	sadd.s32 s2, s17  }
0x8e: {  	[smem:$0x3FB3] =	sst s2  }
0x8f: {  	_ = 	snop  }
0x90: {  	s2 =	sld [smem:$0x3FC9];
	(tm) =	ssettm $0x1  }
0x91: {  	s18 =	sld [smem:$0x3FFB];
	_ =	sdelay $0x3  }
0x92: {  	_ =	strace s18  }
0x93: {  	s3 =	sld [smem:$0x3FFC];
	_ =	sdelay $0x3  }
0x94: {  	_ =	strace s3  }
0x95: {  	s3 =	sld [smem:$0x3FFD];
	_ =	sdelay $0x3  }
0x96: {  	_ =	strace s3  }
0x97: {  	_ =	strace $0x8FFFFFFF  }
0x98: {  	s19 =	sld [smem:$0x3FDB];
	_ =	sdelay $0x1  }
0x99: {  	s4 =	simm.s32 $_scs_section_size  }
0x9a: {  	s5 =	simm.s32 $_size__tile_overlayer_lowered;
	s6 =	simm.s32 $_tile_overlayer_lowered  }
0x9b: {  	s22 =	simm.s32 $0x1BFF;
	s21 =	sshll.u32 s6, $0x1;
	s3 =	sadd.s32 s4, s19  }
0x9c: {  	s7 =	simm.s32 $0x0;
	s20 =	sshll.u32 s5, $0x1;
	s5 =	sadd.s32 s21, s3  }
0x9d: {  	[timem:s7], [sflag:s22] =	dma.local [hbm:s5], s20  }
0x9e: {  	_ =	swait.ge [sflag:s22], s20  }
0x9f: {  	s4 =	ssub.s32 $0x0, s20;
	[sflag:s22] =	ssyncset.done $0x0  }
0xa0: {  	[sflag:s22] =	ssyncadd.s32 s4;
	_ =	sdelay $0x1  }
0xa1: {  	s23 =	simm.s32 $0x1B8B  }
0xa2: {  	_ =	swait.ge [sflag:s23], $0x1  }
0xa3: {  	[sflag:s23] =	ssyncset.done $0x0  }
0xa4: {  	s25 =	simm.s32 $0x1B8E;
	s24 =	sld [smem:$0x3FFE];
	[sflag:s23] =	ssyncadd.s32 $0xFFFFFFFF  }
0xa5: {  	s26 =	simm.s32 $execute0_lowered;
	[smem:$0x3FD2] =	sst s25  }
0xa6: {  	s5 =	sshll.u32 s26, $0x1;
	_ =	strace $0x80000046;
	[dreg:$0x1] =	wrdreg $0xFFFFFFFF  }
0xa7: {  	s28 =	simm.s32 $_size_execute0_lowered;
	s3 =	sadd.s32 s3, s5;
	[dreg:$0x0] =	wrdreg $0x0  }
0xa8: {  	s5 =	sshll.u32 s28, $0x1;
	[dreg:$0x2] =	wrdreg s3  }
0xa9: {  	[dreg:$0x3] =	wrdreg s5  }
0xaa: {  	[dreg:$0x4] =	wrdreg $0xC0  }
0xab: {  	_ =	task [dreg:s7], $0x5FFFF  }
0xac: {  	[dreg:$0x1] =	wrdreg $0xFFFFFFFF  }
0xad: {  	[dreg:$0x0] =	wrdreg $0x60  }
0xae: {  	[dreg:$0x2] =	wrdreg s2  }
0xaf: {  	[dreg:$0x3] =	wrdreg s24  }
0xb0: {  	[dreg:$0x4] =	wrdreg $0xC1800  }
0xb1: {  	[dreg:$0x5] =	wrdreg $0x9  }
0xb2: {  	_ =	task.clear_ibuf [dreg:s7], $0x6FFFF;
	_ =	strace $0x90000046  }
0xb3: {  	s29 =	simm.s32 $0x9;
	_ =	strace $0x80000048  }
0xb4: {  	_ =	swait.ge [sflag:s29], $0x1  }
0xb5: {  	[sflag:s29] =	ssyncadd.s32 $0xFFFFFFFF  }
0xb6: {  	_ =	strace $0x90000048  }
0xb7: {  	_ =	sfence  }
0xb8: {  	s30 =	sld [smem:$0x0];
	_ =	sdelay $0x2  }
0xb9: {  	s31 =	sshll.u32 s1, $0xD;
	s1 =	sshrl.u32 s1, $0x2  }
0xba: {  	s3 =	sand.u32 $0x4000, s31;
	s1 =	sadd.s32 s1, s30  }
0xbb: {  	s0 =	sor.u32 s3, s0;
	s1 =	sshll.u32 s1, $0x11  }
0xbc: {  	s0 =	sor.u32 s1, s0  }
0xbd: {  	s0 =	sadd.s32 $0x8F2B, s0  }
0xbe: {  	[sflag:s0] =	ssyncadd.remote.s32 $0x1  }
0xbf: {  	_ =	sfence.sel $0xFFFF  }
0xc0: {  	[dreg:$0x0] =	wrdreg $0xFFFFFFFF;
	(pc) =	sbr.abs _section_cstart, $3  }
0xc1: {  	[dreg:$0x1] =	wrdreg $0xFFFFFFFF  }
0xc2: {  	_ =	task.clear_ibuf [dreg:s7], $0x2FFFF;
	_ =	strace $0x9FFFFFFF  }
0xc3: {  	(tm) =	ssettm $0x7FFFFFFF  }
tec
execute0_lowered:
.L_overlay_start_1:
0x0: {  	(tag) =	ssettag $0x1  }
0x1: {  	s2 =	rddreg [dreg:$0x0]  }
0x2: {  	s6 =	rddreg [dreg:$0x1]  }
0x3: {  	s0 =	srdreg.scid;
	s3 =	rddreg [dreg:$0x2]  }
0x4: {  	s1 =	stileid.u32;
	s4 =	simm.s32 $0x0;
	s15 =	simm.s32 $0x30C0  }
0x5: {  	s16 =	simm.s32 $0x60;
	s17 =	simm.s32 $0x6180;
	s18 =	simm.s32 $0x1  }
0x6: {  	s19 =	simm.s32 $0x9180;
	s20 =	simm.s32 $0x2;
	s21 =	simm.s32 $0x3  }
0x7: {  	s22 =	simm.s32 $0xC0;
	s23 =	simm.s32 $0x3120;
	s24 =	simm.s32 $0x4  }
0x8: {  	s25 =	simm.s32 $0x0;
	s7 =	sand.u32 $0x1, s0;
	s0 =	rddreg [dreg:$0x3]  }
0x9: {  	s8 =	smul.u32 $0x13C00, s1;
	[smem:$0x7FF] =	sst s4;
	s31 =	sshll.u32 s1, $0x6  }
0xa: {  	s5 =	sshll.u32 s7, $0x4;
	s9 =	smul.u32 $0x13C000, s7;
	_ =	strace $0x80000047  }
0xb: {  	s11 =	ssub.s32 $0x2, s7;
	p0 =	seq.s32 s7, $0x0;
	s5 =	sor.u32 s1, s5  }
0xc: {  	s30 =	sshrl.u32 s11, $0x1;
	s13 =	sadd.s32 s8, s3;
	s5 =	smul.u32 $0x618, s5  }
0xd: {  	s9 =	sadd.s32 s8, s9;
	s11 =	ssub.s32 s11, s30;
	s13 =	sshrl.u32 s13, $0x3  }
0xe: {  	s9 =	sshrl.u32 s9, $0x3;
	s11 =	smax.u32 s11, $0x1;
	s10 =	sadd.s32 s5, s6  }
0xf: {  	s5 =	sadd.s32 $0x1CC00, s6;
	s12 =	sadd.s32 s9, s6;
	s9 =	simm.s32 $0x82  }
0x10: {  	s6 =	sor.u32 $0x1C05, s31;
	s9 =	simm.s32 @!p0 $0x50;
	s7 =	sadd.s32 $0x10800, s10  }
0x11: {  	s8 =	sadd.s32 $0x4400, s10;
	s10 =	sadd.s32 $0x1F400, s12;
	s14 =	sshrl.u32 s9, $0x1  }
0x12: {  	s9 =	sadd.s32 $0xFFFFFFFF, s9;
	s12 =	sadd.s32 $0xFFFFFFFF, s14;
	s14 =	simm.s32 $0x5  }
.LBB2_1:
0x13: {  	[spmem:s13], [sflag:s6] =	dma.local [hbm:s5], $0x2780  }
0x14: {  	_ =	swait.ge [sflag:s14], $0x2780  }
0x15: {  	[sflag:s14] =	ssyncset.done $0x0  }
0x16: {  	[sflag:s14] =	ssyncadd.s32 $0xFFFFD880  }
0x17: {  	[tilespmem:s4], [sflag:$0x5] =	stream.linear.gather [hbm4b:s7+s4], $0x30C0, $0x38;
	[tilespmem:$0x1FD80] =	vst v63  }
0x18: {  	_ =	swait.ge [sflag:s14], $0x30C0  }
0x19: {  	[sflag:s14] =	ssyncset.done $0x0  }
0x1a: {  	[sflag:s14] =	ssyncadd.s32 $0xFFFFCF40  }
0x1b: {  	[tilespmem:s15], [sflag:$0x5] =	stream.linear.gather [hbm4b:s8+s4], $0x30C0, $0x38;
	[tilespmem:$0x1FD80] =	vst v63  }
0x1c: {  	_ =	swait.ge [sflag:s14], $0x30C0  }
0x1d: {  	[sflag:s14] =	ssyncset.done $0x0  }
0x1e: {  	[sflag:s14] =	ssyncadd.s32 $0xFFFFCF40  }
0x1f: {  	[bflag:$0x0] =	sbarrier.arrive $0xFFFF  }
0x20: {  	[tilespmem:s17], [sflag:$0x1] =	stream.indirect.gather [hbm4b:s2+s16], $0x80, s4, s16, $0xb8;
	[tilespmem:$0x1FD80] =	vst v63  }
0x21: {  	_ =	swait.ge [sflag:s18], $0x3000  }
0x22: {  	[sflag:s18] =	ssyncset.done $0x0  }
0x23: {  	[sflag:s18] =	ssyncadd.s32 $0xFFFFD000  }
0x24: {  	[tilespmem:s19], [sflag:$0x2] =	stream.indirect.gather [hbm4b:s2+s16], $0x80, s16, s16, $0xb8;
	[tilespmem:$0x1FD80] =	vst v63  }
0x25: {  	_ = 	snop  }
0x26: {  	[spmem:s3] =	stream.indirect.scatter.add.f32 [tilespmem:s17], [sflag:$0x3], $0x80, s15, s16, $0xb8;
	[tilespmem:$0x1FD80] =	vst v63  }
0x27: {  	_ =	swait.ge [sflag:s20], $0x3000  }
0x28: {  	[sflag:s20] =	ssyncset.done $0x0  }
0x29: {  	[sflag:s20] =	ssyncadd.s32 $0xFFFFD000  }
0x2a: {  	_ =	swait.ge [sflag:s21], $0x3000  }
0x2b: {  	[sflag:s21] =	ssyncset.done $0x0  }
0x2c: {  	[sflag:s21] =	ssyncadd.s32 $0xFFFFD000  }
0x2d: {  	[tilespmem:s17], [sflag:$0x1] =	stream.indirect.gather [hbm4b:s2+s16], $0x80, s22, s16, $0xb8;
	[tilespmem:$0x1FD80] =	vst v63  }
0x2e: {  	_ = 	snop  }
0x2f: {  	[spmem:s3] =	stream.indirect.scatter.add.f32 [tilespmem:s19], [sflag:$0x4], $0x80, s23, s16, $0xb8;
	[tilespmem:$0x1FD80] =	vst v63  }
0x30: {  	_ =	swait.ge [sflag:s18], $0x3000  }
0x31: {  	[sflag:s18] =	ssyncset.done $0x0  }
0x32: {  	[sflag:s18] =	ssyncadd.s32 $0xFFFFD000  }
0x33: {  	_ =	swait.ge [sflag:s24], $0x3000  }
0x34: {  	[sflag:s24] =	ssyncset.done $0x0  }
0x35: {  	s26 =	simm.s32 $0x120;
	[sflag:s24] =	ssyncadd.s32 $0xFFFFD000  }
0x36: {  	[tilespmem:s19], [sflag:$0x2] =	stream.indirect.gather [hbm4b:s2+s16], $0x80, s26, s16, $0xb8;
	[tilespmem:$0x1FD80] =	vst v63  }
0x37: {  	s26 =	simm.s32 $0x3180  }
0x38: {  	[spmem:s3] =	stream.indirect.scatter.add.f32 [tilespmem:s17], [sflag:$0x3], $0x80, s26, s16, $0xb8;
	[tilespmem:$0x1FD80] =	vst v63  }
0x39: {  	p0 =	sgt.s32 s9, $0x4;
	s26 =	smov.u32 s9;
	_ =	swait.ge [sflag:s20], $0x3000  }
0x3a: {  	s26 =	smov.u32 @p0 s24;
	[sflag:s20] =	ssyncset.done $0x0  }
0x3b: {  	p0 =	sne.s32 s12, $0x1;
	s26 =	smul.u32 $0x180, s26;
	[sflag:s20] =	ssyncadd.s32 $0xFFFFD000  }
.Ltmp0:
0x3c: {  	_ =	swait.ge [sflag:s21], $0x3000;
	(pc) =	sbr.rel @!p0 .LBB2_3-.Ltmp0, $4  }
0x3d: {  	s28 =	simm.s32 $0x1E0;
	[sflag:s21] =	ssyncset.done $0x0  }
0x3e: {  	s31 =	simm.s32 $0x31E0;
	s26 =	sshra.s32 s26, $0x2;
	[sflag:s21] =	ssyncadd.s32 $0xFFFFD000  }
0x3f: {  	[tilespmem:s17], [sflag:$0x1] =	stream.indirect.gather [hbm4b:s2+s16], $0x80, s26, s16, $0xb8;
	[tilespmem:$0x1FD80] =	vst v63  }
0x40: {  	s29 =	simm.s32 $0x6;
	s30 =	simm.s32 $0x3240;
	s26 =	sadd.s32 $0xFFFFFFFF, s12  }
.LBB2_2:
0x41: {  	[spmem:s3] =	stream.indirect.scatter.add.f32 [tilespmem:s19], [sflag:$0x4], $0x80, s31, s16, $0xb8;
	[tilespmem:$0x1FD80] =	vst v63  }
0x42: {  	p0 =	sne.s32 s26, $0x1;
	s26 =	sadd.s32 $0xFFFFFFFF, s26  }
0x43: {  	_ =	swait.ge [sflag:s18], $0x3000  }
0x44: {  	[sflag:s18] =	ssyncset.done $0x0  }
0x45: {  	[sflag:s18] =	ssyncadd.s32 $0xFFFFD000  }
0x46: {  	_ =	swait.ge [sflag:s24], $0x3000  }
0x47: {  	[sflag:s24] =	ssyncset.done $0x0  }
0x48: {  	[sflag:s24] =	ssyncadd.s32 $0xFFFFD000  }
0x49: {  	[tilespmem:s19], [sflag:$0x2] =	stream.indirect.gather [hbm4b:s2+s16], $0x80, s28, s16, $0xb8;
	[tilespmem:$0x1FD80] =	vst v63  }
0x4a: {  	_ = 	snop  }
0x4b: {  	[spmem:s3] =	stream.indirect.scatter.add.f32 [tilespmem:s17], [sflag:$0x3], $0x80, s30, s16, $0xb8;
	[tilespmem:$0x1FD80] =	vst v63  }
0x4c: {  	p1 =	slt.s32 s29, s9;
	s31 =	smov.u32 s9;
	_ =	swait.ge [sflag:s20], $0x3000  }
0x4d: {  	s31 =	smov.u32 @p1 s29;
	[sflag:s20] =	ssyncset.done $0x0  }
0x4e: {  	s31 =	smul.u32 $0x180, s31;
	[sflag:s20] =	ssyncadd.s32 $0xFFFFD000  }
.Ltmp1:
0x4f: {  	_ =	swait.ge [sflag:s21], $0x3000;
	(pc) =	sbr.rel @p0 .LBB2_2-.Ltmp1, $4  }
0x50: {  	[sflag:s21] =	ssyncset.done $0x0  }
0x51: {  	s31 =	sshra.s32 s31, $0x2;
	s28 =	sadd.s32 $0xC0, s28;
	[sflag:s21] =	ssyncadd.s32 $0xFFFFD000  }
0x52: {  	[tilespmem:s17], [sflag:$0x1] =	stream.indirect.gather [hbm4b:s2+s16], $0x80, s31, s16, $0xb8;
	[tilespmem:$0x1FD80] =	vst v63  }
0x53: {  	s29 =	sadd.s32 $0x2, s29;
	s31 =	sadd.s32 $0x60, s30;
	s30 =	sadd.s32 $0xC0, s30  }
.LBB2_3:
0x54: {  	[spmem:s3] =	stream.indirect.scatter.add.f32 [tilespmem:s19], [sflag:$0x4], $0x80, s31, s16, $0xb8;
	[tilespmem:$0x1FD80] =	vst v63  }
0x55: {  	_ =	swait.ge [sflag:s18], $0x3000  }
0x56: {  	[sflag:s18] =	ssyncset.done $0x0  }
0x57: {  	[sflag:s18] =	ssyncadd.s32 $0xFFFFD000  }
0x58: {  	_ =	swait.ge [sflag:s24], $0x3000  }
0x59: {  	s25 =	sadd.s32 $0x1, s25;
	[sflag:s24] =	ssyncset.done $0x0  }
0x5a: {  	p0 =	sne.s32 s25, s11;
	[sflag:s24] =	ssyncadd.s32 $0xFFFFD000  }
.Ltmp2:
0x5b: {  	[bflag:$0x0] =	sbarrier.arrive $0xFFFF;
	(pc) =	sbr.rel @p0 .LBB2_1-.Ltmp2, $4  }
0x5c: {  	[hbm:s10], [sflag:s6] =	dma.local [spmem:s13], $0x2780  }
0x5d: {  	_ =	swait.ge [sflag:s14], $0x2780  }
0x5e: {  	[sflag:s14] =	ssyncset.done $0x0  }
0x5f: {  	[sflag:s14] =	ssyncadd.s32 $0xFFFFD880  }
0x60: {  	_ =	sfence.sel $0x180000  }
0x61: {  	[bflag:$0x0] =	sbarrier.arrive $0xFFFF  }
0x62: {  	p0 =	sne.s32 s1, $0x0;
	_ =	strace $0x90000047  }
0x63: {  	s0 =	sadd.s32 @!p0 $0x100000, s0;
	[bflag:$0x2] =	sbarrier.arrive $0xFFFF  }
0x64: {  	[sflag:s0] =	ssyncadd.tile.s32 @!p0 $0x1;
	_ =	shalt  }
.Lfunc_end2:
_tile_overlayer_lowered:
.L_overlay_start_2:
0x65: {  	(tag) =	ssettag $0x2  }
0x66: {  	s0 =	rddreg [dreg:$0x0];
	s2 =	stileid.u32  }
0x67: {  	s1 =	rddreg [dreg:$0x1];
	p0 =	sne.s32 s2, $0x0  }
0x68: {  	s3 =	rddreg [dreg:$0x2];
	[bflag:$0x3] =	sbarrier.arrive $0xFFFF;
	s2 =	simm.s32 @!p0 $0x1C05  }
0x69: {  	[timem:s3], [sflag:s2] =	dma.local @!p0 [hbm:s0], s1  }
0x6a: {  	s0 =	simm.s32 @!p0 $0x5  }
0x6b: {  	_ =	swait.ge @!p0 [sflag:s0], s1  }
0x6c: {  	s1 =	ssub.s32 @!p0 $0x0, s1;
	[sflag:s0] =	ssyncset.done @!p0 $0x0  }
0x6d: {  	[sflag:s0] =	ssyncadd.s32 @!p0 s1  }
0x6e: {  	[bflag:$0x3] =	sbarrier.arrive $0xFFFF  }
0x6f: {  	_ =	shalt  }

// kernel: kernel.14.cloned.1.call-start
scs
__scs_entry_jumppad:
0x0: {  	(pc) =	sbr.rel $0x88, $3  }
0x1: {  	(tag) =	ssettag $0x0;
	lr =	simm.s32 $0x1  }
0x2: {  	[smem:$0x3F8C] =	sst lr;
	_ =	strace $0xD0000000  }
0x3: {  	_ = 	snop  }
0x4: {  	_ = 	snop  }
0x5: {  	_ = 	snop  }
0x6: {  	_ = 	snop  }
0x7: {  	_ = 	snop  }
__scs_overlays_trampoline_lowered:
0x8: {  	[smem:$0x3F9B] =	sst s0  }
0x9: {  	[smem:$0x3F9C] =	sst s1  }
0xa: {  	[smem:$0x3F9D] =	sst s2  }
0xb: {  	[smem:$0x3F9E] =	sst s3  }
0xc: {  	[smem:$0x3F9F] =	sst s4  }
0xd: {  	[smem:$0x3FA0] =	sst s5  }
0xe: {  	[smem:$0x3FA1] =	sst s6  }
0xf: {  	[smem:$0x3FA2] =	sst s7  }
0x10: {  	[smem:$0x3FA3] =	sst s8  }
0x11: {  	[smem:$0x3FA4] =	sst s9;
	s0 =	simm.s32 @!p0 $0x0  }
0x12: {  	s1 =	sld [smem:$0x3F8A];
	s0 =	simm.s32 @p0 $0x1  }
0x13: {  	[smem:$0x3FA5] =	sst s0;
	s0 =	simm.s32 @!p1 $0x0  }
0x14: {  	s2 =	sld [smem:$0x3F89];
	s0 =	simm.s32 @p1 $0x1  }
0x15: {  	[smem:$0x3FA6] =	sst s0;
	s0 =	simm.s32 @!p2 $0x0  }
0x16: {  	s3 =	sld [smem:$0x3FDB];
	s0 =	simm.s32 @p2 $0x1  }
0x17: {  	s4 =	simm.s32 $0x1BF5;
	[smem:$0x3FA8] =	sst s0  }
0x18: {  	s0 =	sld [smem:$0x3F8B];
	_ =	swait.ge [sflag:s4], $0x0  }
0x19: {  	s7 =	sld [smem:$0x3F8C]  }
0x1a: {  	s8 =	sadd.s32 $0xFFFFE003, lr  }
0x1b: {  	s9 =	sadd.s32 $0xFFFFFEF7, lr;
	s5 =	simm.s32 $0xFFFFFFFF;
	p2 =	slt.u32 s8, $0xFFFFF086  }
0x1c: {  	p1 =	slt.u32 s9, $0xF7A;
	s5 =	simm.s32 @!p2 $0x0  }
0x1d: {  	s5 =	simm.s32 @p1 $0x1;
	p0 =	seq.s32 s7, s2  }
0x1e: {  	s7 =	smul.u32 @!p0 $0xF7A, s2;
	p2 =	seq.s32 @!p0 s5, $0x0  }
0x1f: {  	s9 =	smul.u32 $0xF7A, s1;
	s8 =	simm.s32 @!p0 $0x1BF5;
	p2 =	por !p2, p0  }
0x20: {  	[sflag:s8] =	ssyncset.s32 @!p0 $0xFFFFF086;
	s6 =	sadd.s32 @!p0 s3, s7;
	s7 =	simm.s32 @!p0 $0x108  }
0x21: {  	s3 =	sadd.s32 s3, s9;
	s6 =	sadd.s32 @!p0 $0x88, s6;
	s7 =	simm.s32 @p2 $0x1082  }
0x22: {  	[simem:s7], [sflag:s8] =	dma.local @!p0 [hbm:s6], $0xF7A  }
0x23: {  	s9 =	sor.u32 $0xD0000000, s2;
	s6 =	simm.s32 $0x108;
	_ =	swait.ge @!p0 [sflag:s8], $0x0  }
0x24: {  	s3 =	sadd.s32 $0x88, s3;
	s6 =	simm.s32 @!p1 $0x1082;
	[sflag:s4] =	ssyncset.s32 $0xFFFFF086  }
0x25: {  	[simem:s6], [sflag:s4] =	dma.local [hbm:s3], $0xF7A  }
0x26: {  	[smem:$0x3F8C] =	sst s1;
	(tag) =	ssettag s2;
	_ =	strace s9  }
0x27: {  	s1 =	sld [smem:$0x3F9C]  }
0x28: {  	s2 =	sld [smem:$0x3F9D]  }
0x29: {  	s4 =	sld [smem:$0x3F9F]  }
0x2a: {  	p0 =	seq.s32 s5, $0x0;
	s5 =	sld [smem:$0x3FA0]  }
0x2b: {  	s6 =	sld [smem:$0x3FA1]  }
0x2c: {  	s7 =	sld [smem:$0x3FA2]  }
0x2d: {  	s3 =	simm.s32 $0x108;
	s8 =	sld [smem:$0x3FA3]  }
0x2e: {  	s3 =	simm.s32 @!p0 $0x1082;
	s9 =	sld [smem:$0x3FA4]  }
0x2f: {  	lr =	sadd.s32 s0, s3;
	s0 =	sld [smem:$0x3F9B]  }
0x30: {  	s3 =	sld [smem:$0x3F9E]  }
0x31: {  	[smem:$0x3FA7] =	sst s10  }
0x32: {  	s10 =	sld [smem:$0x3FA5];
	_ =	sdelay $0x3  }
0x33: {  	p0 =	seq.s32 s10, $0x1;
	s10 =	sld [smem:$0x3FA7];
	_ =	sdelay $0x3  }
0x34: {  	[smem:$0x3FA7] =	sst s10  }
0x35: {  	s10 =	sld [smem:$0x3FA6];
	_ =	sdelay $0x3  }
0x36: {  	p1 =	seq.s32 s10, $0x1;
	s10 =	sld [smem:$0x3FA7];
	_ =	sdelay $0x3  }
0x37: {  	[smem:$0x3FA7] =	sst s10  }
0x38: {  	s10 =	sld [smem:$0x3FA8]  }
0x39: {  	_ = 	snop;
	(pc) =	sbr.ind lr, $3  }
0x3a: {  	_ = 	snop  }
0x3b: {  	_ = 	snop  }
0x3c: {  	p2 =	seq.s32 s10, $0x1;
	s10 =	sld [smem:$0x3FA7]  }
0x3d: {  	_ =	shalt  }
0x3e: {  	_ =	shalt  }
0x3f: {  	_ =	shalt  }
0x40: {  	_ =	shalt  }
0x41: {  	_ =	shalt  }
0x42: {  	_ =	shalt  }
0x43: {  	_ =	shalt  }
0x44: {  	_ =	shalt  }
0x45: {  	_ =	shalt  }
0x46: {  	_ =	shalt  }
0x47: {  	_ =	shalt  }
0x48: {  	_ =	shalt  }
0x49: {  	_ =	shalt  }
0x4a: {  	_ =	shalt  }
0x4b: {  	_ =	shalt  }
0x4c: {  	_ =	shalt  }
0x4d: {  	_ =	shalt  }
0x4e: {  	_ =	shalt  }
0x4f: {  	_ =	shalt  }
0x50: {  	_ =	shalt  }
0x51: {  	_ =	shalt  }
0x52: {  	_ =	shalt  }
0x53: {  	_ =	shalt  }
0x54: {  	_ =	shalt  }
0x55: {  	_ =	shalt  }
0x56: {  	_ =	shalt  }
0x57: {  	_ =	shalt  }
0x58: {  	_ =	shalt  }
0x59: {  	_ =	shalt  }
0x5a: {  	_ =	shalt  }
0x5b: {  	_ =	shalt  }
0x5c: {  	_ =	shalt  }
0x5d: {  	_ =	shalt  }
0x5e: {  	_ =	shalt  }
0x5f: {  	_ =	shalt  }
0x60: {  	_ =	shalt  }
0x61: {  	_ =	shalt  }
0x62: {  	_ =	shalt  }
0x63: {  	_ =	shalt  }
0x64: {  	_ =	shalt  }
0x65: {  	_ =	shalt  }
0x66: {  	_ =	shalt  }
0x67: {  	_ =	shalt  }
0x68: {  	_ =	shalt  }
0x69: {  	_ =	shalt  }
0x6a: {  	_ =	shalt  }
0x6b: {  	_ =	shalt  }
0x6c: {  	_ =	shalt  }
0x6d: {  	_ =	shalt  }
0x6e: {  	_ =	shalt  }
0x6f: {  	_ =	shalt  }
0x70: {  	_ =	shalt  }
0x71: {  	_ =	shalt  }
0x72: {  	_ =	shalt  }
0x73: {  	_ =	shalt  }
0x74: {  	_ =	shalt  }
0x75: {  	_ =	shalt  }
0x76: {  	_ =	shalt  }
0x77: {  	_ =	shalt  }
0x78: {  	_ =	shalt  }
0x79: {  	_ =	shalt  }
0x7a: {  	_ =	shalt  }
0x7b: {  	_ =	shalt  }
0x7c: {  	_ =	shalt  }
0x7d: {  	_ =	shalt  }
0x7e: {  	_ =	shalt  }
0x7f: {  	_ =	shalt  }
0x80: {  	_ =	shalt  }
0x81: {  	_ =	shalt  }
0x82: {  	_ =	shalt  }
0x83: {  	_ =	shalt  }
0x84: {  	_ =	shalt  }
0x85: {  	_ =	shalt  }
0x86: {  	_ =	shalt  }
0x87: {  	_ =	shalt  }
.Lfunc_end0:
.L_simem_size_0:
called_computation.1_lowered:
.L_overlay_start_0:
0x88: {  	s2 =	sld [smem:$0x3FD9]  }
0x89: {  	s3 =	sld [smem:$0x3FFE];
	_ =	sdelay $0x1  }
0x8a: {  	s1 =	srdreg.scid  }
0x8b: {  	s0 =	sand.u32 $0x1, s1  }
0x8c: {  	s16 =	sshll.u32 s0, $0xA;
	s2 =	sadd.s32 s3, s2  }
0x8d: {  	s2 =	sadd.s32 s2, s16  }
0x8e: {  	[smem:$0x3FB3] =	sst s2  }
0x8f: {  	_ = 	snop  }
0x90: {  	(tm) =	ssettm $0x1  }
0x91: {  	s17 =	sld [smem:$0x3FFB];
	_ =	sdelay $0x3  }
0x92: {  	_ =	strace s17  }
0x93: {  	s2 =	sld [smem:$0x3FFC];
	_ =	sdelay $0x3  }
0x94: {  	_ =	strace s2  }
0x95: {  	s2 =	sld [smem:$0x3FFD];
	_ =	sdelay $0x3  }
0x96: {  	_ =	strace s2  }
0x97: {  	_ =	strace $0x8FFFFFFF  }
0x98: {  	s18 =	sld [smem:$0x3FDB];
	_ =	sdelay $0x1  }
0x99: {  	s19 =	simm.s32 $_scs_section_size  }
0x9a: {  	s4 =	simm.s32 $_size__tile_overlayer_lowered;
	s5 =	simm.s32 $_tile_overlayer_lowered  }
0x9b: {  	s22 =	simm.s32 $0x1BFF;
	s21 =	sshll.u32 s5, $0x1;
	s2 =	sadd.s32 s19, s18  }
0x9c: {  	s6 =	simm.s32 $0x0;
	s20 =	sshll.u32 s4, $0x1;
	s4 =	sadd.s32 s21, s2  }
0x9d: {  	[timem:s6], [sflag:s22] =	dma.local [hbm:s4], s20  }
0x9e: {  	_ =	swait.ge [sflag:s22], s20  }
0x9f: {  	s3 =	ssub.s32 $0x0, s20;
	[sflag:s22] =	ssyncset.done $0x0  }
0xa0: {  	[sflag:s22] =	ssyncadd.s32 s3;
	_ =	sdelay $0x1  }
0xa1: {  	s23 =	simm.s32 $0x1B8B  }
0xa2: {  	_ =	swait.ge [sflag:s23], $0x1  }
0xa3: {  	[sflag:s23] =	ssyncset.done $0x0  }
0xa4: {  	s25 =	simm.s32 $0x1B8E;
	s24 =	sld [smem:$0x3FFE];
	[sflag:s23] =	ssyncadd.s32 $0xFFFFFFFF  }
0xa5: {  	s26 =	simm.s32 $execute0_lowered;
	[smem:$0x3FD2] =	sst s25  }
0xa6: {  	s4 =	sshll.u32 s26, $0x1;
	_ =	strace $0x80000049;
	[dreg:$0x1] =	wrdreg $0xFFFFFFFF  }
0xa7: {  	s28 =	simm.s32 $_size_execute0_lowered;
	s2 =	sadd.s32 s2, s4;
	[dreg:$0x0] =	wrdreg $0x0  }
0xa8: {  	s4 =	sshll.u32 s28, $0x1;
	[dreg:$0x2] =	wrdreg s2  }
0xa9: {  	[dreg:$0x3] =	wrdreg s4  }
0xaa: {  	[dreg:$0x4] =	wrdreg $0xC0  }
0xab: {  	_ =	task [dreg:s6], $0x5FFFF  }
0xac: {  	[dreg:$0x1] =	wrdreg $0xFFFFFFFF  }
0xad: {  	[dreg:$0x0] =	wrdreg $0x60  }
0xae: {  	[dreg:$0x2] =	wrdreg s24  }
0xaf: {  	[dreg:$0x3] =	wrdreg $0xC1800  }
0xb0: {  	[dreg:$0x4] =	wrdreg $0x9  }
0xb1: {  	_ =	task.clear_ibuf [dreg:s6], $0x5FFFF;
	_ =	strace $0x90000049  }
0xb2: {  	s29 =	simm.s32 $0x9;
	_ =	strace $0x8000004B  }
0xb3: {  	_ =	swait.ge [sflag:s29], $0x1  }
0xb4: {  	[sflag:s29] =	ssyncadd.s32 $0xFFFFFFFF  }
0xb5: {  	_ =	strace $0x9000004B  }
0xb6: {  	_ =	sfence  }
0xb7: {  	s30 =	sld [smem:$0x0];
	_ =	sdelay $0x2  }
0xb8: {  	s31 =	sshll.u32 s1, $0xD;
	s1 =	sshrl.u32 s1, $0x2  }
0xb9: {  	s3 =	sand.u32 $0x4000, s31;
	s1 =	sadd.s32 s1, s30  }
0xba: {  	s0 =	sor.u32 s3, s0;
	s1 =	sshll.u32 s1, $0x11  }
0xbb: {  	s0 =	sor.u32 s1, s0  }
0xbc: {  	s0 =	sadd.s32 $0x8F2B, s0  }
0xbd: {  	[sflag:s0] =	ssyncadd.remote.s32 $0x1  }
0xbe: {  	_ =	sfence.sel $0xFFFF  }
0xbf: {  	[dreg:$0x0] =	wrdreg $0xFFFFFFFF;
	(pc) =	sbr.abs _section_cstart, $3  }
0xc0: {  	[dreg:$0x1] =	wrdreg $0xFFFFFFFF  }
0xc1: {  	_ =	task.clear_ibuf [dreg:s6], $0x2FFFF;
	_ =	strace $0x9FFFFFFF  }
0xc2: {  	(tm) =	ssettm $0x7FFFFFFF  }
0xc3: {  	_ =	shalt  }
tec
execute0_lowered:
.L_overlay_start_1:
0x0: {  	(tag) =	ssettag $0x1  }
0x1: {  	s6 =	rddreg [dreg:$0x0];
	s0 =	srdreg.scid  }
0x2: {  	s2 =	rddreg [dreg:$0x1];
	s1 =	stileid.u32  }
0x3: {  	s3 =	simm.s32 $0x0;
	s12 =	simm.s32 $0x82;
	s15 =	simm.s32 $0x30C0  }
0x4: {  	s16 =	simm.s32 $0x60;
	s17 =	simm.s32 $0x6180;
	s18 =	simm.s32 $0x1  }
0x5: {  	s19 =	simm.s32 $0x9180;
	s20 =	simm.s32 $0x2;
	s21 =	simm.s32 $0x3  }
0x6: {  	s22 =	simm.s32 $0xC0;
	s23 =	simm.s32 $0x3120;
	s24 =	simm.s32 $0x4  }
0x7: {  	s25 =	simm.s32 $0x0;
	s7 =	sand.u32 $0x1, s0;
	s0 =	rddreg [dreg:$0x2]  }
0x8: {  	s8 =	smul.u32 $0x13C00, s1;
	[smem:$0x7FF] =	sst s3;
	s31 =	sshll.u32 s1, $0x6  }
0x9: {  	s4 =	sshll.u32 s7, $0x4;
	s5 =	smul.u32 $0x13C000, s7;
	_ =	strace $0x8000004A  }
0xa: {  	s11 =	ssub.s32 $0x2, s7;
	p0 =	seq.s32 s7, $0x0;
	s4 =	sor.u32 s1, s4  }
0xb: {  	s30 =	sshrl.u32 s11, $0x1;
	s12 =	simm.s32 @!p0 $0x50;
	s13 =	sadd.s32 s8, s2  }
0xc: {  	s9 =	smul.u32 $0x618, s4;
	s4 =	sadd.s32 $0x1F400, s6;
	s5 =	sadd.s32 s8, s5  }
0xd: {  	s11 =	ssub.s32 s11, s30;
	s14 =	sshrl.u32 s12, $0x1;
	s13 =	sshrl.u32 s13, $0x3  }
0xe: {  	s10 =	sshrl.u32 s5, $0x3;
	s5 =	sadd.s32 $0x1CC00, s6;
	s11 =	smax.u32 s11, $0x1  }
0xf: {  	s9 =	sadd.s32 s9, s6;
	s10 =	sadd.s32 s10, s6;
	s6 =	sor.u32 $0x1C05, s31  }
0x10: {  	s7 =	sadd.s32 $0x10800, s9;
	s8 =	sadd.s32 $0x4400, s9;
	s9 =	sadd.s32 $0xFFFFFFFF, s12  }
0x11: {  	s10 =	sadd.s32 $0x46600, s10;
	s12 =	sadd.s32 $0xFFFFFFFF, s14;
	s14 =	simm.s32 $0x5  }
.LBB2_1:
0x12: {  	[spmem:s13], [sflag:s6] =	dma.local [hbm:s5], $0x2780  }
0x13: {  	_ =	swait.ge [sflag:s14], $0x2780  }
0x14: {  	[sflag:s14] =	ssyncset.done $0x0  }
0x15: {  	[sflag:s14] =	ssyncadd.s32 $0xFFFFD880  }
0x16: {  	[tilespmem:s3], [sflag:$0x5] =	stream.linear.gather [hbm4b:s7+s3], $0x30C0, $0x38;
	[tilespmem:$0x1FD80] =	vst v63  }
0x17: {  	_ =	swait.ge [sflag:s14], $0x30C0  }
0x18: {  	[sflag:s14] =	ssyncset.done $0x0  }
0x19: {  	[sflag:s14] =	ssyncadd.s32 $0xFFFFCF40  }
0x1a: {  	[tilespmem:s15], [sflag:$0x5] =	stream.linear.gather [hbm4b:s8+s3], $0x30C0, $0x38;
	[tilespmem:$0x1FD80] =	vst v63  }
0x1b: {  	_ =	swait.ge [sflag:s14], $0x30C0  }
0x1c: {  	[sflag:s14] =	ssyncset.done $0x0  }
0x1d: {  	[sflag:s14] =	ssyncadd.s32 $0xFFFFCF40  }
0x1e: {  	[bflag:$0x0] =	sbarrier.arrive $0xFFFF  }
0x1f: {  	[tilespmem:s17], [sflag:$0x1] =	stream.indirect.gather [hbm4b:s4+s16], $0x80, s3, s16, $0xb8;
	[tilespmem:$0x1FD80] =	vst v63  }
0x20: {  	_ =	swait.ge [sflag:s18], $0x3000  }
0x21: {  	[sflag:s18] =	ssyncset.done $0x0  }
0x22: {  	[sflag:s18] =	ssyncadd.s32 $0xFFFFD000  }
0x23: {  	[tilespmem:s19], [sflag:$0x2] =	stream.indirect.gather [hbm4b:s4+s16], $0x80, s16, s16, $0xb8;
	[tilespmem:$0x1FD80] =	vst v63  }
0x24: {  	_ = 	snop  }
0x25: {  	[spmem:s2] =	stream.indirect.scatter.add.f32 [tilespmem:s17], [sflag:$0x3], $0x80, s15, s16, $0xb8;
	[tilespmem:$0x1FD80] =	vst v63  }
0x26: {  	_ =	swait.ge [sflag:s20], $0x3000  }
0x27: {  	[sflag:s20] =	ssyncset.done $0x0  }
0x28: {  	[sflag:s20] =	ssyncadd.s32 $0xFFFFD000  }
0x29: {  	_ =	swait.ge [sflag:s21], $0x3000  }
0x2a: {  	[sflag:s21] =	ssyncset.done $0x0  }
0x2b: {  	[sflag:s21] =	ssyncadd.s32 $0xFFFFD000  }
0x2c: {  	[tilespmem:s17], [sflag:$0x1] =	stream.indirect.gather [hbm4b:s4+s16], $0x80, s22, s16, $0xb8;
	[tilespmem:$0x1FD80] =	vst v63  }
0x2d: {  	_ = 	snop  }
0x2e: {  	[spmem:s2] =	stream.indirect.scatter.add.f32 [tilespmem:s19], [sflag:$0x4], $0x80, s23, s16, $0xb8;
	[tilespmem:$0x1FD80] =	vst v63  }
0x2f: {  	_ =	swait.ge [sflag:s18], $0x3000  }
0x30: {  	[sflag:s18] =	ssyncset.done $0x0  }
0x31: {  	[sflag:s18] =	ssyncadd.s32 $0xFFFFD000  }
0x32: {  	_ =	swait.ge [sflag:s24], $0x3000  }
0x33: {  	[sflag:s24] =	ssyncset.done $0x0  }
0x34: {  	s26 =	simm.s32 $0x120;
	[sflag:s24] =	ssyncadd.s32 $0xFFFFD000  }
0x35: {  	[tilespmem:s19], [sflag:$0x2] =	stream.indirect.gather [hbm4b:s4+s16], $0x80, s26, s16, $0xb8;
	[tilespmem:$0x1FD80] =	vst v63  }
0x36: {  	s26 =	simm.s32 $0x3180  }
0x37: {  	[spmem:s2] =	stream.indirect.scatter.add.f32 [tilespmem:s17], [sflag:$0x3], $0x80, s26, s16, $0xb8;
	[tilespmem:$0x1FD80] =	vst v63  }
0x38: {  	p0 =	sgt.s32 s9, $0x4;
	s26 =	smov.u32 s9;
	_ =	swait.ge [sflag:s20], $0x3000  }
0x39: {  	s26 =	smov.u32 @p0 s24;
	[sflag:s20] =	ssyncset.done $0x0  }
0x3a: {  	p0 =	sne.s32 s12, $0x1;
	s26 =	smul.u32 $0x180, s26;
	[sflag:s20] =	ssyncadd.s32 $0xFFFFD000  }
.Ltmp0:
0x3b: {  	_ =	swait.ge [sflag:s21], $0x3000;
	(pc) =	sbr.rel @!p0 .LBB2_3-.Ltmp0, $4  }
0x3c: {  	s28 =	simm.s32 $0x1E0;
	[sflag:s21] =	ssyncset.done $0x0  }
0x3d: {  	s31 =	simm.s32 $0x31E0;
	s26 =	sshra.s32 s26, $0x2;
	[sflag:s21] =	ssyncadd.s32 $0xFFFFD000  }
0x3e: {  	[tilespmem:s17], [sflag:$0x1] =	stream.indirect.gather [hbm4b:s4+s16], $0x80, s26, s16, $0xb8;
	[tilespmem:$0x1FD80] =	vst v63  }
0x3f: {  	s29 =	simm.s32 $0x6;
	s30 =	simm.s32 $0x3240;
	s26 =	sadd.s32 $0xFFFFFFFF, s12  }
.LBB2_2:
0x40: {  	[spmem:s2] =	stream.indirect.scatter.add.f32 [tilespmem:s19], [sflag:$0x4], $0x80, s31, s16, $0xb8;
	[tilespmem:$0x1FD80] =	vst v63  }
0x41: {  	p0 =	sne.s32 s26, $0x1;
	s26 =	sadd.s32 $0xFFFFFFFF, s26  }
0x42: {  	_ =	swait.ge [sflag:s18], $0x3000  }
0x43: {  	[sflag:s18] =	ssyncset.done $0x0  }
0x44: {  	[sflag:s18] =	ssyncadd.s32 $0xFFFFD000  }
0x45: {  	_ =	swait.ge [sflag:s24], $0x3000  }
0x46: {  	[sflag:s24] =	ssyncset.done $0x0  }
0x47: {  	[sflag:s24] =	ssyncadd.s32 $0xFFFFD000  }
0x48: {  	[tilespmem:s19], [sflag:$0x2] =	stream.indirect.gather [hbm4b:s4+s16], $0x80, s28, s16, $0xb8;
	[tilespmem:$0x1FD80] =	vst v63  }
0x49: {  	_ = 	snop  }
0x4a: {  	[spmem:s2] =	stream.indirect.scatter.add.f32 [tilespmem:s17], [sflag:$0x3], $0x80, s30, s16, $0xb8;
	[tilespmem:$0x1FD80] =	vst v63  }
0x4b: {  	p1 =	slt.s32 s29, s9;
	s31 =	smov.u32 s9;
	_ =	swait.ge [sflag:s20], $0x3000  }
0x4c: {  	s31 =	smov.u32 @p1 s29;
	[sflag:s20] =	ssyncset.done $0x0  }
0x4d: {  	s31 =	smul.u32 $0x180, s31;
	[sflag:s20] =	ssyncadd.s32 $0xFFFFD000  }
.Ltmp1:
0x4e: {  	_ =	swait.ge [sflag:s21], $0x3000;
	(pc) =	sbr.rel @p0 .LBB2_2-.Ltmp1, $4  }
0x4f: {  	[sflag:s21] =	ssyncset.done $0x0  }
0x50: {  	s31 =	sshra.s32 s31, $0x2;
	s28 =	sadd.s32 $0xC0, s28;
	[sflag:s21] =	ssyncadd.s32 $0xFFFFD000  }
0x51: {  	[tilespmem:s17], [sflag:$0x1] =	stream.indirect.gather [hbm4b:s4+s16], $0x80, s31, s16, $0xb8;
	[tilespmem:$0x1FD80] =	vst v63  }
0x52: {  	s29 =	sadd.s32 $0x2, s29;
	s31 =	sadd.s32 $0x60, s30;
	s30 =	sadd.s32 $0xC0, s30  }
.LBB2_3:
0x53: {  	[spmem:s2] =	stream.indirect.scatter.add.f32 [tilespmem:s19], [sflag:$0x4], $0x80, s31, s16, $0xb8;
	[tilespmem:$0x1FD80] =	vst v63  }
0x54: {  	_ =	swait.ge [sflag:s18], $0x3000  }
0x55: {  	[sflag:s18] =	ssyncset.done $0x0  }
0x56: {  	[sflag:s18] =	ssyncadd.s32 $0xFFFFD000  }
0x57: {  	_ =	swait.ge [sflag:s24], $0x3000  }
0x58: {  	s25 =	sadd.s32 $0x1, s25;
	[sflag:s24] =	ssyncset.done $0x0  }
0x59: {  	p0 =	sne.s32 s25, s11;
	[sflag:s24] =	ssyncadd.s32 $0xFFFFD000  }
.Ltmp2:
0x5a: {  	[bflag:$0x0] =	sbarrier.arrive $0xFFFF;
	(pc) =	sbr.rel @p0 .LBB2_1-.Ltmp2, $4  }
0x5b: {  	[hbm:s10], [sflag:s6] =	dma.local [spmem:s13], $0x2780  }
0x5c: {  	_ =	swait.ge [sflag:s14], $0x2780  }
0x5d: {  	[sflag:s14] =	ssyncset.done $0x0  }
0x5e: {  	[sflag:s14] =	ssyncadd.s32 $0xFFFFD880  }
0x5f: {  	_ =	sfence.sel $0x180000  }
0x60: {  	[bflag:$0x0] =	sbarrier.arrive $0xFFFF  }
0x61: {  	p0 =	sne.s32 s1, $0x0;
	_ =	strace $0x9000004A  }
0x62: {  	s0 =	sadd.s32 @!p0 $0x100000, s0;
	[bflag:$0x2] =	sbarrier.arrive $0xFFFF  }
0x63: {  	[sflag:s0] =	ssyncadd.tile.s32 @!p0 $0x1;
	_ =	shalt  }
.Lfunc_end2:
_tile_overlayer_lowered:
.L_overlay_start_2:
0x64: {  	(tag) =	ssettag $0x2  }
0x65: {  	s0 =	rddreg [dreg:$0x0];
	s2 =	stileid.u32  }
0x66: {  	s1 =	rddreg [dreg:$0x1];
	p0 =	sne.s32 s2, $0x0  }
0x67: {  	s3 =	rddreg [dreg:$0x2];
	[bflag:$0x3] =	sbarrier.arrive $0xFFFF;
	s2 =	simm.s32 @!p0 $0x1C05  }
0x68: {  	[timem:s3], [sflag:s2] =	dma.local @!p0 [hbm:s0], s1  }
0x69: {  	s0 =	simm.s32 @!p0 $0x5  }
0x6a: {  	_ =	swait.ge @!p0 [sflag:s0], s1  }
0x6b: {  	s1 =	ssub.s32 @!p0 $0x0, s1;
	[sflag:s0] =	ssyncset.done @!p0 $0x0  }
0x6c: {  	[sflag:s0] =	ssyncadd.s32 @!p0 s1  }
0x6d: {  	[bflag:$0x3] =	sbarrier.arrive $0xFFFF  }
0x6e: {  	_ =	shalt  }

// kernel: kernel.17.cloned.1.call-start
scs
__scs_entry_jumppad:
0x0: {  	(pc) =	sbr.rel $0x88, $3  }
0x1: {  	(tag) =	ssettag $0x0;
	lr =	simm.s32 $0x1  }
0x2: {  	[smem:$0x3F8C] =	sst lr;
	_ =	strace $0xD0000000  }
0x3: {  	_ = 	snop  }
0x4: {  	_ = 	snop  }
0x5: {  	_ = 	snop  }
0x6: {  	_ = 	snop  }
0x7: {  	_ = 	snop  }
__scs_overlays_trampoline_lowered:
0x8: {  	[smem:$0x3F9B] =	sst s0  }
0x9: {  	[smem:$0x3F9C] =	sst s1  }
0xa: {  	[smem:$0x3F9D] =	sst s2  }
0xb: {  	[smem:$0x3F9E] =	sst s3  }
0xc: {  	[smem:$0x3F9F] =	sst s4  }
0xd: {  	[smem:$0x3FA0] =	sst s5  }
0xe: {  	[smem:$0x3FA1] =	sst s6  }
0xf: {  	[smem:$0x3FA2] =	sst s7  }
0x10: {  	[smem:$0x3FA3] =	sst s8  }
0x11: {  	[smem:$0x3FA4] =	sst s9;
	s0 =	simm.s32 @!p0 $0x0  }
0x12: {  	s1 =	sld [smem:$0x3F8A];
	s0 =	simm.s32 @p0 $0x1  }
0x13: {  	[smem:$0x3FA5] =	sst s0;
	s0 =	simm.s32 @!p1 $0x0  }
0x14: {  	s2 =	sld [smem:$0x3F89];
	s0 =	simm.s32 @p1 $0x1  }
0x15: {  	[smem:$0x3FA6] =	sst s0;
	s0 =	simm.s32 @!p2 $0x0  }
0x16: {  	s3 =	sld [smem:$0x3FDB];
	s0 =	simm.s32 @p2 $0x1  }
0x17: {  	s4 =	simm.s32 $0x1BF5;
	[smem:$0x3FA8] =	sst s0  }
0x18: {  	s0 =	sld [smem:$0x3F8B];
	_ =	swait.ge [sflag:s4], $0x0  }
0x19: {  	s7 =	sld [smem:$0x3F8C]  }
0x1a: {  	s8 =	sadd.s32 $0xFFFFE003, lr  }
0x1b: {  	s9 =	sadd.s32 $0xFFFFFEF7, lr;
	s5 =	simm.s32 $0xFFFFFFFF;
	p2 =	slt.u32 s8, $0xFFFFF086  }
0x1c: {  	p1 =	slt.u32 s9, $0xF7A;
	s5 =	simm.s32 @!p2 $0x0  }
0x1d: {  	s5 =	simm.s32 @p1 $0x1;
	p0 =	seq.s32 s7, s2  }
0x1e: {  	s7 =	smul.u32 @!p0 $0xF7A, s2;
	p2 =	seq.s32 @!p0 s5, $0x0  }
0x1f: {  	s9 =	smul.u32 $0xF7A, s1;
	s8 =	simm.s32 @!p0 $0x1BF5;
	p2 =	por !p2, p0  }
0x20: {  	[sflag:s8] =	ssyncset.s32 @!p0 $0xFFFFF086;
	s6 =	sadd.s32 @!p0 s3, s7;
	s7 =	simm.s32 @!p0 $0x108  }
0x21: {  	s3 =	sadd.s32 s3, s9;
	s6 =	sadd.s32 @!p0 $0x88, s6;
	s7 =	simm.s32 @p2 $0x1082  }
0x22: {  	[simem:s7], [sflag:s8] =	dma.local @!p0 [hbm:s6], $0xF7A  }
0x23: {  	s9 =	sor.u32 $0xD0000000, s2;
	s6 =	simm.s32 $0x108;
	_ =	swait.ge @!p0 [sflag:s8], $0x0  }
0x24: {  	s3 =	sadd.s32 $0x88, s3;
	s6 =	simm.s32 @!p1 $0x1082;
	[sflag:s4] =	ssyncset.s32 $0xFFFFF086  }
0x25: {  	[simem:s6], [sflag:s4] =	dma.local [hbm:s3], $0xF7A  }
0x26: {  	[smem:$0x3F8C] =	sst s1;
	(tag) =	ssettag s2;
	_ =	strace s9  }
0x27: {  	s1 =	sld [smem:$0x3F9C]  }
0x28: {  	s2 =	sld [smem:$0x3F9D]  }
0x29: {  	s4 =	sld [smem:$0x3F9F]  }
0x2a: {  	p0 =	seq.s32 s5, $0x0;
	s5 =	sld [smem:$0x3FA0]  }
0x2b: {  	s6 =	sld [smem:$0x3FA1]  }
0x2c: {  	s7 =	sld [smem:$0x3FA2]  }
0x2d: {  	s3 =	simm.s32 $0x108;
	s8 =	sld [smem:$0x3FA3]  }
0x2e: {  	s3 =	simm.s32 @!p0 $0x1082;
	s9 =	sld [smem:$0x3FA4]  }
0x2f: {  	lr =	sadd.s32 s0, s3;
	s0 =	sld [smem:$0x3F9B]  }
0x30: {  	s3 =	sld [smem:$0x3F9E]  }
0x31: {  	[smem:$0x3FA7] =	sst s10  }
0x32: {  	s10 =	sld [smem:$0x3FA5];
	_ =	sdelay $0x3  }
0x33: {  	p0 =	seq.s32 s10, $0x1;
	s10 =	sld [smem:$0x3FA7];
	_ =	sdelay $0x3  }
0x34: {  	[smem:$0x3FA7] =	sst s10  }
0x35: {  	s10 =	sld [smem:$0x3FA6];
	_ =	sdelay $0x3  }
0x36: {  	p1 =	seq.s32 s10, $0x1;
	s10 =	sld [smem:$0x3FA7];
	_ =	sdelay $0x3  }
0x37: {  	[smem:$0x3FA7] =	sst s10  }
0x38: {  	s10 =	sld [smem:$0x3FA8]  }
0x39: {  	_ = 	snop;
	(pc) =	sbr.ind lr, $3  }
0x3a: {  	_ = 	snop  }
0x3b: {  	_ = 	snop  }
0x3c: {  	p2 =	seq.s32 s10, $0x1;
	s10 =	sld [smem:$0x3FA7]  }
0x3d: {  	_ =	shalt  }
0x3e: {  	_ =	shalt  }
0x3f: {  	_ =	shalt  }
0x40: {  	_ =	shalt  }
0x41: {  	_ =	shalt  }
0x42: {  	_ =	shalt  }
0x43: {  	_ =	shalt  }
0x44: {  	_ =	shalt  }
0x45: {  	_ =	shalt  }
0x46: {  	_ =	shalt  }
0x47: {  	_ =	shalt  }
0x48: {  	_ =	shalt  }
0x49: {  	_ =	shalt  }
0x4a: {  	_ =	shalt  }
0x4b: {  	_ =	shalt  }
0x4c: {  	_ =	shalt  }
0x4d: {  	_ =	shalt  }
0x4e: {  	_ =	shalt  }
0x4f: {  	_ =	shalt  }
0x50: {  	_ =	shalt  }
0x51: {  	_ =	shalt  }
0x52: {  	_ =	shalt  }
0x53: {  	_ =	shalt  }
0x54: {  	_ =	shalt  }
0x55: {  	_ =	shalt  }
0x56: {  	_ =	shalt  }
0x57: {  	_ =	shalt  }
0x58: {  	_ =	shalt  }
0x59: {  	_ =	shalt  }
0x5a: {  	_ =	shalt  }
0x5b: {  	_ =	shalt  }
0x5c: {  	_ =	shalt  }
0x5d: {  	_ =	shalt  }
0x5e: {  	_ =	shalt  }
0x5f: {  	_ =	shalt  }
0x60: {  	_ =	shalt  }
0x61: {  	_ =	shalt  }
0x62: {  	_ =	shalt  }
0x63: {  	_ =	shalt  }
0x64: {  	_ =	shalt  }
0x65: {  	_ =	shalt  }
0x66: {  	_ =	shalt  }
0x67: {  	_ =	shalt  }
0x68: {  	_ =	shalt  }
0x69: {  	_ =	shalt  }
0x6a: {  	_ =	shalt  }
0x6b: {  	_ =	shalt  }
0x6c: {  	_ =	shalt  }
0x6d: {  	_ =	shalt  }
0x6e: {  	_ =	shalt  }
0x6f: {  	_ =	shalt  }
0x70: {  	_ =	shalt  }
0x71: {  	_ =	shalt  }
0x72: {  	_ =	shalt  }
0x73: {  	_ =	shalt  }
0x74: {  	_ =	shalt  }
0x75: {  	_ =	shalt  }
0x76: {  	_ =	shalt  }
0x77: {  	_ =	shalt  }
0x78: {  	_ =	shalt  }
0x79: {  	_ =	shalt  }
0x7a: {  	_ =	shalt  }
0x7b: {  	_ =	shalt  }
0x7c: {  	_ =	shalt  }
0x7d: {  	_ =	shalt  }
0x7e: {  	_ =	shalt  }
0x7f: {  	_ =	shalt  }
0x80: {  	_ =	shalt  }
0x81: {  	_ =	shalt  }
0x82: {  	_ =	shalt  }
0x83: {  	_ =	shalt  }
0x84: {  	_ =	shalt  }
0x85: {  	_ =	shalt  }
0x86: {  	_ =	shalt  }
0x87: {  	_ =	shalt  }
.Lfunc_end0:
.L_simem_size_0:
called_computation.2_lowered:
.L_overlay_start_0:
0x88: {  	s2 =	sld [smem:$0x3FD9]  }
0x89: {  	s3 =	sld [smem:$0x3FFE];
	_ =	sdelay $0x1  }
0x8a: {  	s1 =	srdreg.scid  }
0x8b: {  	s0 =	sand.u32 $0x1, s1  }
0x8c: {  	s16 =	sshll.u32 s0, $0xA;
	s2 =	sadd.s32 s3, s2  }
0x8d: {  	s2 =	sadd.s32 s2, s16  }
0x8e: {  	[smem:$0x3FB3] =	sst s2  }
0x8f: {  	_ = 	snop  }
0x90: {  	(tm) =	ssettm $0x1  }
0x91: {  	s17 =	sld [smem:$0x3FFB];
	_ =	sdelay $0x3  }
0x92: {  	_ =	strace s17  }
0x93: {  	s2 =	sld [smem:$0x3FFC];
	_ =	sdelay $0x3  }
0x94: {  	_ =	strace s2  }
0x95: {  	s2 =	sld [smem:$0x3FFD];
	_ =	sdelay $0x3  }
0x96: {  	_ =	strace s2  }
0x97: {  	_ =	strace $0x8FFFFFFF  }
0x98: {  	s18 =	sld [smem:$0x3FDB];
	_ =	sdelay $0x1  }
0x99: {  	s19 =	simm.s32 $_scs_section_size  }
0x9a: {  	s4 =	simm.s32 $_size__tile_overlayer_lowered;
	s5 =	simm.s32 $_tile_overlayer_lowered  }
0x9b: {  	s22 =	simm.s32 $0x1BFF;
	s21 =	sshll.u32 s5, $0x1;
	s2 =	sadd.s32 s19, s18  }
0x9c: {  	s6 =	simm.s32 $0x0;
	s20 =	sshll.u32 s4, $0x1;
	s4 =	sadd.s32 s21, s2  }
0x9d: {  	[timem:s6], [sflag:s22] =	dma.local [hbm:s4], s20  }
0x9e: {  	_ =	swait.ge [sflag:s22], s20  }
0x9f: {  	s3 =	ssub.s32 $0x0, s20;
	[sflag:s22] =	ssyncset.done $0x0  }
0xa0: {  	[sflag:s22] =	ssyncadd.s32 s3;
	_ =	sdelay $0x1  }
0xa1: {  	s23 =	simm.s32 $0x1B8B  }
0xa2: {  	_ =	swait.ge [sflag:s23], $0x1  }
0xa3: {  	[sflag:s23] =	ssyncset.done $0x0  }
0xa4: {  	s25 =	simm.s32 $0x1B8E;
	s24 =	sld [smem:$0x3FFE];
	[sflag:s23] =	ssyncadd.s32 $0xFFFFFFFF  }
0xa5: {  	s26 =	simm.s32 $execute0_lowered;
	[smem:$0x3FD2] =	sst s25  }
0xa6: {  	s4 =	sshll.u32 s26, $0x1;
	_ =	strace $0x8000004C;
	[dreg:$0x1] =	wrdreg $0xFFFFFFFF  }
0xa7: {  	s28 =	simm.s32 $_size_execute0_lowered;
	s2 =	sadd.s32 s2, s4;
	[dreg:$0x0] =	wrdreg $0x0  }
0xa8: {  	s4 =	sshll.u32 s28, $0x1;
	[dreg:$0x2] =	wrdreg s2  }
0xa9: {  	[dreg:$0x3] =	wrdreg s4  }
0xaa: {  	[dreg:$0x4] =	wrdreg $0xC0  }
0xab: {  	_ =	task [dreg:s6], $0x5FFFF  }
0xac: {  	[dreg:$0x1] =	wrdreg $0xFFFFFFFF  }
0xad: {  	[dreg:$0x0] =	wrdreg $0x60  }
0xae: {  	[dreg:$0x2] =	wrdreg s24  }
0xaf: {  	[dreg:$0x3] =	wrdreg $0xC1800  }
0xb0: {  	[dreg:$0x4] =	wrdreg $0x9  }
0xb1: {  	_ =	task.clear_ibuf [dreg:s6], $0x5FFFF;
	_ =	strace $0x9000004C  }
0xb2: {  	s29 =	simm.s32 $0x9;
	_ =	strace $0x8000004E  }
0xb3: {  	_ =	swait.ge [sflag:s29], $0x1  }
0xb4: {  	[sflag:s29] =	ssyncadd.s32 $0xFFFFFFFF  }
0xb5: {  	_ =	strace $0x9000004E  }
0xb6: {  	_ =	sfence  }
0xb7: {  	s30 =	sld [smem:$0x0];
	_ =	sdelay $0x2  }
0xb8: {  	s31 =	sshll.u32 s1, $0xD;
	s1 =	sshrl.u32 s1, $0x2  }
0xb9: {  	s3 =	sand.u32 $0x4000, s31;
	s1 =	sadd.s32 s1, s30  }
0xba: {  	s0 =	sor.u32 s3, s0;
	s1 =	sshll.u32 s1, $0x11  }
0xbb: {  	s0 =	sor.u32 s1, s0  }
0xbc: {  	s0 =	sadd.s32 $0x8F2B, s0  }
0xbd: {  	[sflag:s0] =	ssyncadd.remote.s32 $0x1  }
0xbe: {  	_ =	sfence.sel $0xFFFF  }
0xbf: {  	[dreg:$0x0] =	wrdreg $0xFFFFFFFF;
	(pc) =	sbr.abs _section_cstart, $3  }
0xc0: {  	[dreg:$0x1] =	wrdreg $0xFFFFFFFF  }
0xc1: {  	_ =	task.clear_ibuf [dreg:s6], $0x2FFFF;
	_ =	strace $0x9FFFFFFF  }
0xc2: {  	(tm) =	ssettm $0x7FFFFFFF  }
0xc3: {  	_ =	shalt  }
tec
execute0_lowered:
.L_overlay_start_1:
0x0: {  	(tag) =	ssettag $0x1  }
0x1: {  	s6 =	rddreg [dreg:$0x0];
	s0 =	srdreg.scid  }
0x2: {  	s2 =	rddreg [dreg:$0x1];
	s1 =	stileid.u32  }
0x3: {  	s3 =	simm.s32 $0x0;
	s12 =	simm.s32 $0x82;
	s15 =	simm.s32 $0x30C0  }
0x4: {  	s16 =	simm.s32 $0x60;
	s17 =	simm.s32 $0x6180;
	s18 =	simm.s32 $0x1  }
0x5: {  	s19 =	simm.s32 $0x9180;
	s20 =	simm.s32 $0x2;
	s21 =	simm.s32 $0x3  }
0x6: {  	s22 =	simm.s32 $0xC0;
	s23 =	simm.s32 $0x3120;
	s24 =	simm.s32 $0x4  }
0x7: {  	s25 =	simm.s32 $0x0;
	s7 =	sand.u32 $0x1, s0;
	s0 =	rddreg [dreg:$0x2]  }
0x8: {  	s8 =	smul.u32 $0x13C00, s1;
	[smem:$0x7FF] =	sst s3;
	s31 =	sshll.u32 s1, $0x6  }
0x9: {  	s4 =	sshll.u32 s7, $0x4;
	s5 =	smul.u32 $0x13C000, s7;
	_ =	strace $0x8000004D  }
0xa: {  	s11 =	ssub.s32 $0x2, s7;
	p0 =	seq.s32 s7, $0x0;
	s4 =	sor.u32 s1, s4  }
0xb: {  	s30 =	sshrl.u32 s11, $0x1;
	s12 =	simm.s32 @!p0 $0x50;
	s13 =	sadd.s32 s8, s2  }
0xc: {  	s9 =	smul.u32 $0x618, s4;
	s4 =	sadd.s32 $0x1F400, s6;
	s5 =	sadd.s32 s8, s5  }
0xd: {  	s11 =	ssub.s32 s11, s30;
	s14 =	sshrl.u32 s12, $0x1;
	s13 =	sshrl.u32 s13, $0x3  }
0xe: {  	s10 =	sshrl.u32 s5, $0x3;
	s5 =	sadd.s32 $0x1CC00, s6;
	s11 =	smax.u32 s11, $0x1  }
0xf: {  	s9 =	sadd.s32 s9, s6;
	s10 =	sadd.s32 s10, s6;
	s6 =	sor.u32 $0x1C05, s31  }
0x10: {  	s7 =	sadd.s32 $0x10800, s9;
	s8 =	sadd.s32 $0x4400, s9;
	s9 =	sadd.s32 $0xFFFFFFFF, s12  }
0x11: {  	s10 =	sadd.s32 $0x46600, s10;
	s12 =	sadd.s32 $0xFFFFFFFF, s14;
	s14 =	simm.s32 $0x5  }
.LBB2_1:
0x12: {  	[spmem:s13], [sflag:s6] =	dma.local [hbm:s5], $0x2780  }
0x13: {  	_ =	swait.ge [sflag:s14], $0x2780  }
0x14: {  	[sflag:s14] =	ssyncset.done $0x0  }
0x15: {  	[sflag:s14] =	ssyncadd.s32 $0xFFFFD880  }
0x16: {  	[tilespmem:s3], [sflag:$0x5] =	stream.linear.gather [hbm4b:s7+s3], $0x30C0, $0x38;
	[tilespmem:$0x1FD80] =	vst v63  }
0x17: {  	_ =	swait.ge [sflag:s14], $0x30C0  }
0x18: {  	[sflag:s14] =	ssyncset.done $0x0  }
0x19: {  	[sflag:s14] =	ssyncadd.s32 $0xFFFFCF40  }
0x1a: {  	[tilespmem:s15], [sflag:$0x5] =	stream.linear.gather [hbm4b:s8+s3], $0x30C0, $0x38;
	[tilespmem:$0x1FD80] =	vst v63  }
0x1b: {  	_ =	swait.ge [sflag:s14], $0x30C0  }
0x1c: {  	[sflag:s14] =	ssyncset.done $0x0  }
0x1d: {  	[sflag:s14] =	ssyncadd.s32 $0xFFFFCF40  }
0x1e: {  	[bflag:$0x0] =	sbarrier.arrive $0xFFFF  }
0x1f: {  	[tilespmem:s17], [sflag:$0x1] =	stream.indirect.gather [hbm4b:s4+s16], $0x80, s3, s16, $0xb8;
	[tilespmem:$0x1FD80] =	vst v63  }
0x20: {  	_ =	swait.ge [sflag:s18], $0x3000  }
0x21: {  	[sflag:s18] =	ssyncset.done $0x0  }
0x22: {  	[sflag:s18] =	ssyncadd.s32 $0xFFFFD000  }
0x23: {  	[tilespmem:s19], [sflag:$0x2] =	stream.indirect.gather [hbm4b:s4+s16], $0x80, s16, s16, $0xb8;
	[tilespmem:$0x1FD80] =	vst v63  }
0x24: {  	_ = 	snop  }
0x25: {  	[spmem:s2] =	stream.indirect.scatter.add.f32 [tilespmem:s17], [sflag:$0x3], $0x80, s15, s16, $0xb8;
	[tilespmem:$0x1FD80] =	vst v63  }
0x26: {  	_ =	swait.ge [sflag:s20], $0x3000  }
0x27: {  	[sflag:s20] =	ssyncset.done $0x0  }
0x28: {  	[sflag:s20] =	ssyncadd.s32 $0xFFFFD000  }
0x29: {  	_ =	swait.ge [sflag:s21], $0x3000  }
0x2a: {  	[sflag:s21] =	ssyncset.done $0x0  }
0x2b: {  	[sflag:s21] =	ssyncadd.s32 $0xFFFFD000  }
0x2c: {  	[tilespmem:s17], [sflag:$0x1] =	stream.indirect.gather [hbm4b:s4+s16], $0x80, s22, s16, $0xb8;
	[tilespmem:$0x1FD80] =	vst v63  }
0x2d: {  	_ = 	snop  }
0x2e: {  	[spmem:s2] =	stream.indirect.scatter.add.f32 [tilespmem:s19], [sflag:$0x4], $0x80, s23, s16, $0xb8;
	[tilespmem:$0x1FD80] =	vst v63  }
0x2f: {  	_ =	swait.ge [sflag:s18], $0x3000  }
0x30: {  	[sflag:s18] =	ssyncset.done $0x0  }
0x31: {  	[sflag:s18] =	ssyncadd.s32 $0xFFFFD000  }
0x32: {  	_ =	swait.ge [sflag:s24], $0x3000  }
0x33: {  	[sflag:s24] =	ssyncset.done $0x0  }
0x34: {  	s26 =	simm.s32 $0x120;
	[sflag:s24] =	ssyncadd.s32 $0xFFFFD000  }
0x35: {  	[tilespmem:s19], [sflag:$0x2] =	stream.indirect.gather [hbm4b:s4+s16], $0x80, s26, s16, $0xb8;
	[tilespmem:$0x1FD80] =	vst v63  }
0x36: {  	s26 =	simm.s32 $0x3180  }
0x37: {  	[spmem:s2] =	stream.indirect.scatter.add.f32 [tilespmem:s17], [sflag:$0x3], $0x80, s26, s16, $0xb8;
	[tilespmem:$0x1FD80] =	vst v63  }
0x38: {  	p0 =	sgt.s32 s9, $0x4;
	s26 =	smov.u32 s9;
	_ =	swait.ge [sflag:s20], $0x3000  }
0x39: {  	s26 =	smov.u32 @p0 s24;
	[sflag:s20] =	ssyncset.done $0x0  }
0x3a: {  	p0 =	sne.s32 s12, $0x1;
	s26 =	smul.u32 $0x180, s26;
	[sflag:s20] =	ssyncadd.s32 $0xFFFFD000  }
.Ltmp0:
0x3b: {  	_ =	swait.ge [sflag:s21], $0x3000;
	(pc) =	sbr.rel @!p0 .LBB2_3-.Ltmp0, $4  }
0x3c: {  	s28 =	simm.s32 $0x1E0;
	[sflag:s21] =	ssyncset.done $0x0  }
0x3d: {  	s31 =	simm.s32 $0x31E0;
	s26 =	sshra.s32 s26, $0x2;
	[sflag:s21] =	ssyncadd.s32 $0xFFFFD000  }
0x3e: {  	[tilespmem:s17], [sflag:$0x1] =	stream.indirect.gather [hbm4b:s4+s16], $0x80, s26, s16, $0xb8;
	[tilespmem:$0x1FD80] =	vst v63  }
0x3f: {  	s29 =	simm.s32 $0x6;
	s30 =	simm.s32 $0x3240;
	s26 =	sadd.s32 $0xFFFFFFFF, s12  }
.LBB2_2:
0x40: {  	[spmem:s2] =	stream.indirect.scatter.add.f32 [tilespmem:s19], [sflag:$0x4], $0x80, s31, s16, $0xb8;
	[tilespmem:$0x1FD80] =	vst v63  }
0x41: {  	p0 =	sne.s32 s26, $0x1;
	s26 =	sadd.s32 $0xFFFFFFFF, s26  }
0x42: {  	_ =	swait.ge [sflag:s18], $0x3000  }
0x43: {  	[sflag:s18] =	ssyncset.done $0x0  }
0x44: {  	[sflag:s18] =	ssyncadd.s32 $0xFFFFD000  }
0x45: {  	_ =	swait.ge [sflag:s24], $0x3000  }
0x46: {  	[sflag:s24] =	ssyncset.done $0x0  }
0x47: {  	[sflag:s24] =	ssyncadd.s32 $0xFFFFD000  }
0x48: {  	[tilespmem:s19], [sflag:$0x2] =	stream.indirect.gather [hbm4b:s4+s16], $0x80, s28, s16, $0xb8;
	[tilespmem:$0x1FD80] =	vst v63  }
0x49: {  	_ = 	snop  }
0x4a: {  	[spmem:s2] =	stream.indirect.scatter.add.f32 [tilespmem:s17], [sflag:$0x3], $0x80, s30, s16, $0xb8;
	[tilespmem:$0x1FD80] =	vst v63  }
0x4b: {  	p1 =	slt.s32 s29, s9;
	s31 =	smov.u32 s9;
	_ =	swait.ge [sflag:s20], $0x3000  }
0x4c: {  	s31 =	smov.u32 @p1 s29;
	[sflag:s20] =	ssyncset.done $0x0  }
0x4d: {  	s31 =	smul.u32 $0x180, s31;
	[sflag:s20] =	ssyncadd.s32 $0xFFFFD000  }
.Ltmp1:
0x4e: {  	_ =	swait.ge [sflag:s21], $0x3000;
	(pc) =	sbr.rel @p0 .LBB2_2-.Ltmp1, $4  }
0x4f: {  	[sflag:s21] =	ssyncset.done $0x0  }
0x50: {  	s31 =	sshra.s32 s31, $0x2;
	s28 =	sadd.s32 $0xC0, s28;
	[sflag:s21] =	ssyncadd.s32 $0xFFFFD000  }
0x51: {  	[tilespmem:s17], [sflag:$0x1] =	stream.indirect.gather [hbm4b:s4+s16], $0x80, s31, s16, $0xb8;
	[tilespmem:$0x1FD80] =	vst v63  }
0x52: {  	s29 =	sadd.s32 $0x2, s29;
	s31 =	sadd.s32 $0x60, s30;
	s30 =	sadd.s32 $0xC0, s30  }
.LBB2_3:
0x53: {  	[spmem:s2] =	stream.indirect.scatter.add.f32 [tilespmem:s19], [sflag:$0x4], $0x80, s31, s16, $0xb8;
	[tilespmem:$0x1FD80] =	vst v63  }
0x54: {  	_ =	swait.ge [sflag:s18], $0x3000  }
0x55: {  	[sflag:s18] =	ssyncset.done $0x0  }
0x56: {  	[sflag:s18] =	ssyncadd.s32 $0xFFFFD000  }
0x57: {  	_ =	swait.ge [sflag:s24], $0x3000  }
0x58: {  	s25 =	sadd.s32 $0x1, s25;
	[sflag:s24] =	ssyncset.done $0x0  }
0x59: {  	p0 =	sne.s32 s25, s11;
	[sflag:s24] =	ssyncadd.s32 $0xFFFFD000  }
.Ltmp2:
0x5a: {  	[bflag:$0x0] =	sbarrier.arrive $0xFFFF;
	(pc) =	sbr.rel @p0 .LBB2_1-.Ltmp2, $4  }
0x5b: {  	[hbm:s10], [sflag:s6] =	dma.local [spmem:s13], $0x2780  }
0x5c: {  	_ =	swait.ge [sflag:s14], $0x2780  }
0x5d: {  	[sflag:s14] =	ssyncset.done $0x0  }
0x5e: {  	[sflag:s14] =	ssyncadd.s32 $0xFFFFD880  }
0x5f: {  	_ =	sfence.sel $0x180000  }
0x60: {  	[bflag:$0x0] =	sbarrier.arrive $0xFFFF  }
0x61: {  	p0 =	sne.s32 s1, $0x0;
	_ =	strace $0x9000004D  }
0x62: {  	s0 =	sadd.s32 @!p0 $0x100000, s0;
	[bflag:$0x2] =	sbarrier.arrive $0xFFFF  }
0x63: {  	[sflag:s0] =	ssyncadd.tile.s32 @!p0 $0x1;
	_ =	shalt  }
.Lfunc_end2:
_tile_overlayer_lowered:
.L_overlay_start_2:
0x64: {  	(tag) =	ssettag $0x2  }
0x65: {  	s0 =	rddreg [dreg:$0x0];
	s2 =	stileid.u32  }
0x66: {  	s1 =	rddreg [dreg:$0x1];
	p0 =	sne.s32 s2, $0x0  }
0x67: {  	s3 =	rddreg [dreg:$0x2];
	[bflag:$0x3] =	sbarrier.arrive $0xFFFF;
	s2 =	simm.s32 @!p0 $0x1C05  }
0x68: {  	[timem:s3], [sflag:s2] =	dma.local @!p0 [hbm:s0], s1  }
0x69: {  	s0 =	simm.s32 @!p0 $0x5  }
0x6a: {  	_ =	swait.ge @!p0 [sflag:s0], s1  }
0x6b: {  	s1 =	ssub.s32 @!p0 $0x0, s1;
	[sflag:s0] =	ssyncset.done @!p0 $0x0  }
0x6c: {  	[sflag:s0] =	ssyncadd.s32 @!p0 s1  }
0x6d: {  	[bflag:$0x3] =	sbarrier.arrive $0xFFFF  }
0x6e: {  	_ =	shalt  }

</sc_bundles>
